<compile_context>
chip_gen: v7x
topology: tpu7x:2x2x1
jax: 0.10.2.dev20260603
libtpu: 0.0.44.dev20260713+nightly
codegen_flags: <defaults>
</compile_context>

<pallas_src>
import jax
import jax.numpy as jnp
from jax import lax
from jax.experimental import pallas as pl
from jax.experimental.pallas import tpu as pltpu
from jax.experimental.pallas import tpu_sc as plsc

NUM_CORES = 2
NUM_SUBCORES = 16
NUM_WORKERS = NUM_CORES * NUM_SUBCORES
LANES = 16
BLK = 128
N_BUF = 4


def _gather_body(idx_hbm, table_hbm, out_hbm, idx_v, *scratch):
    rows = scratch[:N_BUF]
    tbuf = scratch[N_BUF : 2 * N_BUF]
    gsem = scratch[2 * N_BUF : 3 * N_BUF]
    ssem = scratch[3 * N_BUF : 4 * N_BUF]

    wid = lax.axis_index("s") * NUM_CORES + lax.axis_index("c")
    nj = idx_hbm.shape[0]
    d = table_hbm.shape[1]

    pltpu.sync_copy(idx_hbm.at[:, pl.ds(wid * BLK, BLK)], idx_v)

    iota = lax.iota(jnp.int32, LANES)
    czero = iota - iota
    kvec = [k0 + iota for k0 in range(0, d, LANES)]

    def gather_start(j, b):
        pltpu.make_async_copy(table_hbm.at[idx_v.at[j]], rows[b], gsem[b]).start()

    def gather_wait(b):
        pltpu.make_async_copy(table_hbm.at[idx_v.at[0]], rows[b], gsem[b]).wait()

    def transpose(b):
        @plsc.parallel_loop(0, BLK, unroll=16)
        def one(c):
            cvec = czero + c
            for t in range(d // LANES):
                v = rows[b][c, pl.ds(t * LANES, LANES)]
                plsc.store_scatter(tbuf[b], [kvec[t], cvec], v)

    def store_start(j, b):
        for s in range(d // 8):
            pltpu.make_async_copy(
                tbuf[b].at[pl.ds(s * 8, 8), pl.ds(0, BLK)],
                out_hbm.at[j, s, wid, :, :],
                ssem[b],
            ).start()

    def store_wait(j, b):
        for s in range(d // 8):
            pltpu.make_async_copy(
                tbuf[b].at[pl.ds(s * 8, 8), pl.ds(0, BLK)],
                out_hbm.at[j, s, wid, :, :],
                ssem[b],
            ).wait()

    for b in range(N_BUF):
        gather_start(b, b)

    for b in range(N_BUF):
        gather_wait(b)
        transpose(b)
        gather_start(b + N_BUF, b)
        store_start(b, b)

    def body(p, carry):
        j0 = p * N_BUF
        for b in range(N_BUF):
            j = j0 + b
            gather_wait(b)
            store_wait(j, b)
            transpose(b)
            gather_start(j + N_BUF, b)
            store_start(j, b)
        return carry

    lax.fori_loop(1, nj // N_BUF - 1, body, 0)

    for b in range(N_BUF):
        j = nj - N_BUF + b
        gather_wait(b)
        store_wait(j, b)
        transpose(b)
        store_start(j, b)
        store_wait(j, b)


TBLK = 256
NT_FULL = 3906


def _table_body(wt_hbm, wtail_hbm, wf_hbm, *scratch):
    bufs = scratch[:2]
    tbufs = scratch[2:4]
    lsem = scratch[4:6]
    ssem = scratch[6:8]

    wid = lax.axis_index("s") * NUM_CORES + lax.axis_index("c")
    d = wt_hbm.shape[0]

    iota = lax.iota(jnp.int32, LANES)
    kvec = [k0 + iota for k0 in range(0, d, LANES)]
    zero = jnp.full((LANES,), 0, jnp.int32)

    def load_start(m, b, w=TBLK):
        pltpu.make_async_copy(
            wt_hbm.at[:, pl.ds(m * TBLK, w)],
            bufs[b].at[:, pl.ds(0, w)],
            lsem[b],
        ).start()

    def load_wait(b, w=TBLK):
        pltpu.make_async_copy(
            wt_hbm.at[:, pl.ds(0, w)],
            bufs[b].at[:, pl.ds(0, w)],
            lsem[b],
        ).wait()

    def transpose(b, na=TBLK // 4):
        @plsc.parallel_loop(0, na, unroll=8)
        def one(a):
            base = zero + 4 * a
            evecs = [base + q for q in range(4)]
            vs = [
                plsc.load_gather(bufs[b], [kvec[h % 2], evecs[h // 2]])
                for h in range(128 // LANES)
            ]
            for h, v in enumerate(vs):
                tbufs[b][a, pl.ds(16 * h, LANES)] = v

    def store_start(m, b, nr=TBLK * 32 // 128):
        pltpu.make_async_copy(
            tbufs[b].at[pl.ds(0, nr)],
            wf_hbm.at[pl.ds(m * (TBLK * d // 128), nr)],
            ssem[b],
        ).start()

    def store_wait(b, nr=TBLK * 32 // 128):
        pltpu.make_async_copy(
            tbufs[b].at[pl.ds(0, nr)], wf_hbm.at[pl.ds(0, nr)], ssem[b]
        ).wait()

    def blk(t):
        return t * NUM_WORKERS + wid

    for b in range(2):
        load_start(blk(b), b)

    for t in range(2):
        b = t % 2
        load_wait(b)
        transpose(b)
        load_start(blk(t + 2), b)
        store_start(blk(t), b)

    def body(p, carry):
        for b in range(2):
            t = 2 * p + b
            load_wait(b)
            store_wait(b)
            transpose(b)
            pl.when(blk(t + 2) < NT_FULL)(
                lambda t=t, b=b: load_start(blk(t + 2), b)
            )
            store_start(blk(t), b)
        return carry

    lax.fori_loop(1, NT_FULL // NUM_WORKERS // 2, body, 0)

    t_last = NT_FULL // NUM_WORKERS
    b = t_last % 2

    @pl.when(blk(t_last) < NT_FULL)
    def _():
        load_wait(b)
        store_wait(b)
        transpose(b)
        store_start(blk(t_last), b)

    store_wait(b)
    store_wait(1 - b)

    @pl.when(wid == 0)
    def _():
        pltpu.sync_copy(wtail_hbm, tbufs[0].at[pl.ds(0, 16)])
        pltpu.sync_copy(
            tbufs[0].at[pl.ds(0, 16)],
            wf_hbm.at[pl.ds(NT_FULL * TBLK * d // 128, 16)],
        )


@jax.jit
def _transpose_table(wt, wtail):
    d, v = wt.shape
    mesh = plsc.VectorSubcoreMesh(core_axis_name="c", subcore_axis_name="s")
    scratch = [pltpu.VMEM((d, TBLK + 1), jnp.float32) for _ in range(2)]
    scratch += [pltpu.VMEM((TBLK * d // 128, 128), jnp.float32) for _ in range(2)]
    scratch += [pltpu.SemaphoreType.DMA for _ in range(4)]
    return pl.kernel(
        _table_body,
        out_type=jax.ShapeDtypeStruct((v * d // 128, 128), wt.dtype),
        mesh=mesh,
        scratch_types=scratch,
        compiler_params=pltpu.CompilerParams(
            use_tc_tiling_on_sc=True, needs_layout_passes=False
        ),
    )(wt, wtail)


@jax.jit
def _embedding_lookup(idx_t, weight):
    nj, ni = idx_t.shape
    d = weight.shape[1]
    mesh = plsc.VectorSubcoreMesh(core_axis_name="c", subcore_axis_name="s")
    scratch = [pltpu.VMEM((nj, BLK), jnp.int32)]
    scratch += [pltpu.VMEM((BLK, d), jnp.float32) for _ in range(N_BUF)]
    scratch += [pltpu.VMEM((d, BLK + 1), jnp.float32) for _ in range(N_BUF)]
    scratch += [pltpu.SemaphoreType.DMA for _ in range(2 * N_BUF)]
    return pl.kernel(
        _gather_body,
        out_type=jax.ShapeDtypeStruct((nj, d // 8, ni // BLK, 8, BLK), weight.dtype),
        mesh=mesh,
        scratch_types=scratch,
        compiler_params=pltpu.CompilerParams(
            use_tc_tiling_on_sc=False, needs_layout_passes=False
        ),
    )(idx_t, weight)


def kernel(token_ids, weight):
    ni, nj = token_ids.shape
    d = weight.shape[1]
    ntail = weight.shape[0] % TBLK
    wtail = weight[weight.shape[0] - ntail :].reshape(ntail * d // 128, 128)
    w_rows = _transpose_table(weight.T, wtail).reshape(weight.shape)
    out5 = _embedding_lookup(token_ids.T.astype(jnp.int32), w_rows)
    return out5.transpose(2, 4, 0, 1, 3).reshape(ni, nj, d)

# --- scband reference (transcript-rebuilt; emitter-appended) ---
"""Pipeline reference for scband-embedding-16466904613792 (READ-ONLY COPY).

The authoritative reference and input builder live on the scoring server;
editing this copy changes nothing except your own understanding.
"""

import jax, jax.numpy as jnp
import numpy as np
import math

NUM_EMBEDDINGS = 1000000
EMBEDDING_DIM = 32

def setup_inputs(seed: int = 0) -> dict:
    key = jax.random.key(seed)
    k_idx, k_w = jax.random.split(key)
    token_ids = jax.random.randint(k_idx, (4096, 200), 0, NUM_EMBEDDINGS, dtype=jnp.int64 if jax.config.jax_enable_x64 else jnp.int32)
    std = math.sqrt(2.0 / (NUM_EMBEDDINGS + EMBEDDING_DIM))
    # truncated normal in [-3*std, 3*std]
    weight = jax.random.truncated_normal(k_w, -3.0, 3.0, (NUM_EMBEDDINGS, EMBEDDING_DIM), dtype=jnp.float32) * std
    return {"token_ids": token_ids, "weight": weight}

def reference(token_ids, weight):
    # Faithful translation of Embedding.forward: weight[token_ids]
    return jnp.take(weight, token_ids, axis=0)

if __name__ == "__main__":
    import jax
    _d = setup_inputs()
    print(jax.jit(kernel)(*tuple(_d.values())))

</pallas_src>

<mosaic_0001>
#map = affine_map<(d0, d1) -> (0, 0)>
module attributes {stable_mosaic.version = 14 : i64} {
  func.func @_table_body(%arg0: i32, %arg1: i32, %arg2: memref<32x1000000xf32, #tpu.memory_space<hbm>>, %arg3: memref<16x128xf32, #tpu.memory_space<hbm>>, %arg4: memref<250000x128xf32, #tpu.memory_space<hbm>>, %arg5: memref<32x257xf32, #tpu.memory_space<vmem>>, %arg6: memref<32x257xf32, #tpu.memory_space<vmem>>, %arg7: memref<64x128xf32, #tpu.memory_space<vmem>>, %arg8: memref<64x128xf32, #tpu.memory_space<vmem>>, %arg9: memref<!tpu.dma_semaphore, #tpu.memory_space<semaphore_mem>>, %arg10: memref<!tpu.dma_semaphore, #tpu.memory_space<semaphore_mem>>, %arg11: memref<!tpu.dma_semaphore, #tpu.memory_space<semaphore_mem>>, %arg12: memref<!tpu.dma_semaphore, #tpu.memory_space<semaphore_mem>>) attributes {dimension_semantics = [#tpu.dimension_semantics<core_parallel>, #tpu.dimension_semantics<subcore_parallel>], iteration_bounds = array<i64: 2, 16>, scalar_prefetch = 0 : i64, scratch_operands = 8 : i64, tpu.core_type = #tpu.core_type<sc_vector_subcore>, window_params = [{transform_indices = #map}, {transform_indices = #map}, {transform_indices = #map}]} {
    %mul3A = arith.constant 2 : i32
    %mul3A_0 = arith.muli %arg1, %mul3A : i32
    %add3A = arith.addi %mul3A_0, %arg0 : i32
    %iota3A = tpu.iota {dimensions = array<i32: 0>} : vector<16xi32>
    %add3A_1 = arith.constant 0 : i32
    %add3A_2 = vector.broadcast %add3A_1 : i32 to vector<16xi32>
    %add3A_3 = arith.addi %add3A_2, %iota3A : vector<16xi32>
    %add3A_4 = arith.constant 16 : i32
    %add3A_5 = vector.broadcast %add3A_4 : i32 to vector<16xi32>
    %add3A_6 = arith.addi %add3A_5, %iota3A : vector<16xi32>
    %broadcast_in_dim3A = arith.constant 0 : i32
    %broadcast_in_dim3A_7 = vector.broadcast %broadcast_in_dim3A : i32 to vector<16xi32>
    %add3A_8 = arith.constant 0 : i32
    %add3A_9 = arith.addi %add3A_8, %add3A : i32
    %mul3A_10 = arith.constant 256 : i32
    %mul3A_11 = arith.muli %add3A_9, %mul3A_10 : i32
    %dma_start3A = arith.constant 0 : i32
    %dma_start3A_12 = arith.constant 0 : i32
    %dma_start3A_13 = tpu.memref_slice %arg5[%dma_start3A, %dma_start3A_12] : memref<32x257xf32, #tpu.memory_space<vmem>> -> memref<32x256xf32, #tpu.memory_space<vmem>>
    %dma_start3A_14 = arith.constant 0 : i32
    %dma_start3A_15 = tpu.memref_slice %arg2[%dma_start3A_14, %mul3A_11] : memref<32x1000000xf32, #tpu.memory_space<hbm>> -> memref<32x256xf32, #tpu.memory_space<hbm>>
    %dma_start3A_16 = arith.constant 0 : i32
    %dma_start3A_17 = arith.constant 0 : i32
    %dma_start3A_18 = tpu.memref_slice %arg5[%dma_start3A_16, %dma_start3A_17] : memref<32x257xf32, #tpu.memory_space<vmem>> -> memref<32x256xf32, #tpu.memory_space<vmem>>
    %dma_start3A_19 = arith.constant 0 : i32
    %dma_start3A_20 = tpu.memref_slice %arg2[%dma_start3A_19, %mul3A_11] : memref<32x1000000xf32, #tpu.memory_space<hbm>> -> memref<32x256xf32, #tpu.memory_space<hbm>>
    tpu.enqueue_dma source(%dma_start3A_20 : memref<32x256xf32, #tpu.memory_space<hbm>>) target(%dma_start3A_18 : memref<32x256xf32, #tpu.memory_space<vmem>>) target_semaphore(%arg9 : memref<!tpu.dma_semaphore, #tpu.memory_space<semaphore_mem>>)
    %add3A_21 = arith.constant 32 : i32
    %add3A_22 = arith.addi %add3A_21, %add3A : i32
    %mul3A_23 = arith.constant 256 : i32
    %mul3A_24 = arith.muli %add3A_22, %mul3A_23 : i32
    %dma_start3A_25 = arith.constant 0 : i32
    %dma_start3A_26 = arith.constant 0 : i32
    %dma_start3A_27 = tpu.memref_slice %arg6[%dma_start3A_25, %dma_start3A_26] : memref<32x257xf32, #tpu.memory_space<vmem>> -> memref<32x256xf32, #tpu.memory_space<vmem>>
    %dma_start3A_28 = arith.constant 0 : i32
    %dma_start3A_29 = tpu.memref_slice %arg2[%dma_start3A_28, %mul3A_24] : memref<32x1000000xf32, #tpu.memory_space<hbm>> -> memref<32x256xf32, #tpu.memory_space<hbm>>
    %dma_start3A_30 = arith.constant 0 : i32
    %dma_start3A_31 = arith.constant 0 : i32
    %dma_start3A_32 = tpu.memref_slice %arg6[%dma_start3A_30, %dma_start3A_31] : memref<32x257xf32, #tpu.memory_space<vmem>> -> memref<32x256xf32, #tpu.memory_space<vmem>>
    %dma_start3A_33 = arith.constant 0 : i32
    %dma_start3A_34 = tpu.memref_slice %arg2[%dma_start3A_33, %mul3A_24] : memref<32x1000000xf32, #tpu.memory_space<hbm>> -> memref<32x256xf32, #tpu.memory_space<hbm>>
    tpu.enqueue_dma source(%dma_start3A_34 : memref<32x256xf32, #tpu.memory_space<hbm>>) target(%dma_start3A_32 : memref<32x256xf32, #tpu.memory_space<vmem>>) target_semaphore(%arg10 : memref<!tpu.dma_semaphore, #tpu.memory_space<semaphore_mem>>)
    %dma_wait3A = arith.constant 0 : i32
    %dma_wait3A_35 = arith.constant 0 : i32
    %dma_wait3A_36 = tpu.memref_slice %arg5[%dma_wait3A, %dma_wait3A_35] : memref<32x257xf32, #tpu.memory_space<vmem>> -> memref<32x256xf32, #tpu.memory_space<vmem>>
    %dma_wait3A_37 = arith.constant 0 : i32
    %dma_wait3A_38 = arith.constant 0 : i32
    %dma_wait3A_39 = tpu.memref_slice %arg2[%dma_wait3A_37, %dma_wait3A_38] : memref<32x1000000xf32, #tpu.memory_space<hbm>> -> memref<32x256xf32, #tpu.memory_space<hbm>>
    %dma_wait3A_40 = arith.constant 0 : i32
    %dma_wait3A_41 = arith.constant 0 : i32
    %dma_wait3A_42 = tpu.memref_slice %arg5[%dma_wait3A_40, %dma_wait3A_41] : memref<32x257xf32, #tpu.memory_space<vmem>> -> memref<32x256xf32, #tpu.memory_space<vmem>>
    %dma_wait3A_43 = arith.constant 0 : i32
    %dma_wait3A_44 = arith.constant 0 : i32
    %dma_wait3A_45 = tpu.memref_slice %arg2[%dma_wait3A_43, %dma_wait3A_44] : memref<32x1000000xf32, #tpu.memory_space<hbm>> -> memref<32x256xf32, #tpu.memory_space<hbm>>
    tpu.wait_dma2 semaphore(%arg9 : memref<!tpu.dma_semaphore, #tpu.memory_space<semaphore_mem>>) src(%dma_wait3A_45 : memref<32x256xf32, #tpu.memory_space<hbm>>) dst(%dma_wait3A_42 : memref<32x256xf32, #tpu.memory_space<vmem>>)
    %parallel_loop3A = arith.constant 0 : i32
    %parallel_loop3A_46 = arith.constant 64 : i32
    %parallel_loop3A_47 = arith.constant 1 : i32
    scf.for %parallel_loop3A_156 = %parallel_loop3A to %parallel_loop3A_46 step %parallel_loop3A_47  : i32 {
      %parallel_loop3A_157 = arith.constant 4 : i32
      %parallel_loop3A_158 = arith.muli %parallel_loop3A_157, %parallel_loop3A_156 : i32
      %parallel_loop3A_159 = vector.broadcast %parallel_loop3A_158 : i32 to vector<16xi32>
      %parallel_loop3A_160 = arith.addi %broadcast_in_dim3A_7, %parallel_loop3A_159 : vector<16xi32>
      %parallel_loop3A_161 = arith.constant 0 : i32
      %parallel_loop3A_162 = vector.broadcast %parallel_loop3A_161 : i32 to vector<16xi32>
      %parallel_loop3A_163 = arith.addi %parallel_loop3A_160, %parallel_loop3A_162 : vector<16xi32>
      %parallel_loop3A_164 = arith.constant 1 : i32
      %parallel_loop3A_165 = vector.broadcast %parallel_loop3A_164 : i32 to vector<16xi32>
      %parallel_loop3A_166 = arith.addi %parallel_loop3A_160, %parallel_loop3A_165 : vector<16xi32>
      %parallel_loop3A_167 = arith.constant 2 : i32
      %parallel_loop3A_168 = vector.broadcast %parallel_loop3A_167 : i32 to vector<16xi32>
      %parallel_loop3A_169 = arith.addi %parallel_loop3A_160, %parallel_loop3A_168 : vector<16xi32>
      %parallel_loop3A_170 = arith.constant 3 : i32
      %parallel_loop3A_171 = vector.broadcast %parallel_loop3A_170 : i32 to vector<16xi32>
      %parallel_loop3A_172 = arith.addi %parallel_loop3A_160, %parallel_loop3A_171 : vector<16xi32>
      %parallel_loop3A_173 = tpu.vector_load_idx %arg5[%add3A_3, %parallel_loop3A_163] : memref<32x257xf32, #tpu.memory_space<vmem>>[vector<16xi32>, vector<16xi32>], vector<16xf32>,
      %parallel_loop3A_174 = tpu.vector_load_idx %arg5[%add3A_6, %parallel_loop3A_163] : memref<32x257xf32, #tpu.memory_space<vmem>>[vector<16xi32>, vector<16xi32>], vector<16xf32>,
      %parallel_loop3A_175 = tpu.vector_load_idx %arg5[%add3A_3, %parallel_loop3A_166] : memref<32x257xf32, #tpu.memory_space<vmem>>[vector<16xi32>, vector<16xi32>], vector<16xf32>,
      %parallel_loop3A_176 = tpu.vector_load_idx %arg5[%add3A_6, %parallel_loop3A_166] : memref<32x257xf32, #tpu.memory_space<vmem>>[vector<16xi32>, vector<16xi32>], vector<16xf32>,
      %parallel_loop3A_177 = tpu.vector_load_idx %arg5[%add3A_3, %parallel_loop3A_169] : memref<32x257xf32, #tpu.memory_space<vmem>>[vector<16xi32>, vector<16xi32>], vector<16xf32>,
      %parallel_loop3A_178 = tpu.vector_load_idx %arg5[%add3A_6, %parallel_loop3A_169] : memref<32x257xf32, #tpu.memory_space<vmem>>[vector<16xi32>, vector<16xi32>], vector<16xf32>,
      %parallel_loop3A_179 = tpu.vector_load_idx %arg5[%add3A_3, %parallel_loop3A_172] : memref<32x257xf32, #tpu.memory_space<vmem>>[vector<16xi32>, vector<16xi32>], vector<16xf32>,
      %parallel_loop3A_180 = tpu.vector_load_idx %arg5[%add3A_6, %parallel_loop3A_172] : memref<32x257xf32, #tpu.memory_space<vmem>>[vector<16xi32>, vector<16xi32>], vector<16xf32>,
      %parallel_loop3A_181 = arith.index_cast %parallel_loop3A_156 : i32 to index
      %parallel_loop3A_182 = arith.constant 0 : index
      %parallel_loop3A_183 = tpu.vector_load %arg7[%parallel_loop3A_181, %parallel_loop3A_182] {strides = array<i32>} : memref<64x128xf32, #tpu.memory_space<vmem>>, vector<16xf32>,
      tpu.vector_store %arg7[%parallel_loop3A_181, %parallel_loop3A_182], %parallel_loop3A_173 {strides = array<i32>} : memref<64x128xf32, #tpu.memory_space<vmem>>, vector<16xf32>,
      %parallel_loop3A_184 = arith.index_cast %parallel_loop3A_156 : i32 to index
      %parallel_loop3A_185 = arith.constant 16 : index
      %parallel_loop3A_186 = tpu.vector_load %arg7[%parallel_loop3A_184, %parallel_loop3A_185] {strides = array<i32>} : memref<64x128xf32, #tpu.memory_space<vmem>>, vector<16xf32>,
      tpu.vector_store %arg7[%parallel_loop3A_184, %parallel_loop3A_185], %parallel_loop3A_174 {strides = array<i32>} : memref<64x128xf32, #tpu.memory_space<vmem>>, vector<16xf32>,
      %parallel_loop3A_187 = arith.index_cast %parallel_loop3A_156 : i32 to index
      %parallel_loop3A_188 = arith.constant 32 : index
      %parallel_loop3A_189 = tpu.vector_load %arg7[%parallel_loop3A_187, %parallel_loop3A_188] {strides = array<i32>} : memref<64x128xf32, #tpu.memory_space<vmem>>, vector<16xf32>,
      tpu.vector_store %arg7[%parallel_loop3A_187, %parallel_loop3A_188], %parallel_loop3A_175 {strides = array<i32>} : memref<64x128xf32, #tpu.memory_space<vmem>>, vector<16xf32>,
      %parallel_loop3A_190 = arith.index_cast %parallel_loop3A_156 : i32 to index
      %parallel_loop3A_191 = arith.constant 48 : index
      %parallel_loop3A_192 = tpu.vector_load %arg7[%parallel_loop3A_190, %parallel_loop3A_191] {strides = array<i32>} : memref<64x128xf32, #tpu.memory_space<vmem>>, vector<16xf32>,
      tpu.vector_store %arg7[%parallel_loop3A_190, %parallel_loop3A_191], %parallel_loop3A_176 {strides = array<i32>} : memref<64x128xf32, #tpu.memory_space<vmem>>, vector<16xf32>,
      %parallel_loop3A_193 = arith.index_cast %parallel_loop3A_156 : i32 to index
      %parallel_loop3A_194 = arith.constant 64 : index
      %parallel_loop3A_195 = tpu.vector_load %arg7[%parallel_loop3A_193, %parallel_loop3A_194] {strides = array<i32>} : memref<64x128xf32, #tpu.memory_space<vmem>>, vector<16xf32>,
      tpu.vector_store %arg7[%parallel_loop3A_193, %parallel_loop3A_194], %parallel_loop3A_177 {strides = array<i32>} : memref<64x128xf32, #tpu.memory_space<vmem>>, vector<16xf32>,
      %parallel_loop3A_196 = arith.index_cast %parallel_loop3A_156 : i32 to index
      %parallel_loop3A_197 = arith.constant 80 : index
      %parallel_loop3A_198 = tpu.vector_load %arg7[%parallel_loop3A_196, %parallel_loop3A_197] {strides = array<i32>} : memref<64x128xf32, #tpu.memory_space<vmem>>, vector<16xf32>,
      tpu.vector_store %arg7[%parallel_loop3A_196, %parallel_loop3A_197], %parallel_loop3A_178 {strides = array<i32>} : memref<64x128xf32, #tpu.memory_space<vmem>>, vector<16xf32>,
      %parallel_loop3A_199 = arith.index_cast %parallel_loop3A_156 : i32 to index
      %parallel_loop3A_200 = arith.constant 96 : index
      %parallel_loop3A_201 = tpu.vector_load %arg7[%parallel_loop3A_199, %parallel_loop3A_200] {strides = array<i32>} : memref<64x128xf32, #tpu.memory_space<vmem>>, vector<16xf32>,
      tpu.vector_store %arg7[%parallel_loop3A_199, %parallel_loop3A_200], %parallel_loop3A_179 {strides = array<i32>} : memref<64x128xf32, #tpu.memory_space<vmem>>, vector<16xf32>,
      %parallel_loop3A_202 = arith.index_cast %parallel_loop3A_156 : i32 to index
      %parallel_loop3A_203 = arith.constant 112 : index
      %parallel_loop3A_204 = tpu.vector_load %arg7[%parallel_loop3A_202, %parallel_loop3A_203] {strides = array<i32>} : memref<64x128xf32, #tpu.memory_space<vmem>>, vector<16xf32>,
      tpu.vector_store %arg7[%parallel_loop3A_202, %parallel_loop3A_203], %parallel_loop3A_180 {strides = array<i32>} : memref<64x128xf32, #tpu.memory_space<vmem>>, vector<16xf32>,
    } {sc.loop_unroll_factor = 8 : i64, sc.parallel_access}
    %add3A_48 = arith.constant 64 : i32
    %add3A_49 = arith.addi %add3A_48, %add3A : i32
    %mul3A_50 = arith.constant 256 : i32
    %mul3A_51 = arith.muli %add3A_49, %mul3A_50 : i32
    %dma_start3A_52 = arith.constant 0 : i32
    %dma_start3A_53 = arith.constant 0 : i32
    %dma_start3A_54 = tpu.memref_slice %arg5[%dma_start3A_52, %dma_start3A_53] : memref<32x257xf32, #tpu.memory_space<vmem>> -> memref<32x256xf32, #tpu.memory_space<vmem>>
    %dma_start3A_55 = arith.constant 0 : i32
    %dma_start3A_56 = tpu.memref_slice %arg2[%dma_start3A_55, %mul3A_51] : memref<32x1000000xf32, #tpu.memory_space<hbm>> -> memref<32x256xf32, #tpu.memory_space<hbm>>
    %dma_start3A_57 = arith.constant 0 : i32
    %dma_start3A_58 = arith.constant 0 : i32
    %dma_start3A_59 = tpu.memref_slice %arg5[%dma_start3A_57, %dma_start3A_58] : memref<32x257xf32, #tpu.memory_space<vmem>> -> memref<32x256xf32, #tpu.memory_space<vmem>>
    %dma_start3A_60 = arith.constant 0 : i32
    %dma_start3A_61 = tpu.memref_slice %arg2[%dma_start3A_60, %mul3A_51] : memref<32x1000000xf32, #tpu.memory_space<hbm>> -> memref<32x256xf32, #tpu.memory_space<hbm>>
    tpu.enqueue_dma source(%dma_start3A_61 : memref<32x256xf32, #tpu.memory_space<hbm>>) target(%dma_start3A_59 : memref<32x256xf32, #tpu.memory_space<vmem>>) target_semaphore(%arg9 : memref<!tpu.dma_semaphore, #tpu.memory_space<semaphore_mem>>)
    %add3A_62 = arith.constant 0 : i32
    %add3A_63 = arith.addi %add3A_62, %add3A : i32
    %mul3A_64 = arith.constant 64 : i32
    %mul3A_65 = arith.muli %add3A_63, %mul3A_64 : i32
    %dma_start3A_66 = arith.constant 0 : i32
    %dma_start3A_67 = arith.constant 0 : i32
    %dma_start3A_68 = tpu.memref_slice %arg7[%dma_start3A_66, %dma_start3A_67] : memref<64x128xf32, #tpu.memory_space<vmem>> -> memref<64x128xf32, #tpu.memory_space<vmem>>
    %dma_start3A_69 = arith.constant 0 : i32
    %dma_start3A_70 = tpu.memref_slice %arg4[%mul3A_65, %dma_start3A_69] : memref<250000x128xf32, #tpu.memory_space<hbm>> -> memref<64x128xf32, #tpu.memory_space<hbm>>
    %dma_start3A_71 = arith.constant 0 : i32
    %dma_start3A_72 = tpu.memref_slice %arg4[%mul3A_65, %dma_start3A_71] : memref<250000x128xf32, #tpu.memory_space<hbm>> -> memref<64x128xf32, #tpu.memory_space<hbm>>
    %dma_start3A_73 = arith.constant 0 : i32
    %dma_start3A_74 = arith.constant 0 : i32
    %dma_start3A_75 = tpu.memref_slice %arg7[%dma_start3A_73, %dma_start3A_74] : memref<64x128xf32, #tpu.memory_space<vmem>> -> memref<64x128xf32, #tpu.memory_space<vmem>>
    tpu.enqueue_dma source(%dma_start3A_75 : memref<64x128xf32, #tpu.memory_space<vmem>>) target(%dma_start3A_72 : memref<64x128xf32, #tpu.memory_space<hbm>>) target_semaphore(%arg11 : memref<!tpu.dma_semaphore, #tpu.memory_space<semaphore_mem>>)
    %dma_wait3A_76 = arith.constant 0 : i32
    %dma_wait3A_77 = arith.constant 0 : i32
    %dma_wait3A_78 = tpu.memref_slice %arg6[%dma_wait3A_76, %dma_wait3A_77] : memref<32x257xf32, #tpu.memory_space<vmem>> -> memref<32x256xf32, #tpu.memory_space<vmem>>
    %dma_wait3A_79 = arith.constant 0 : i32
    %dma_wait3A_80 = arith.constant 0 : i32
    %dma_wait3A_81 = tpu.memref_slice %arg2[%dma_wait3A_79, %dma_wait3A_80] : memref<32x1000000xf32, #tpu.memory_space<hbm>> -> memref<32x256xf32, #tpu.memory_space<hbm>>
    %dma_wait3A_82 = arith.constant 0 : i32
    %dma_wait3A_83 = arith.constant 0 : i32
    %dma_wait3A_84 = tpu.memref_slice %arg6[%dma_wait3A_82, %dma_wait3A_83] : memref<32x257xf32, #tpu.memory_space<vmem>> -> memref<32x256xf32, #tpu.memory_space<vmem>>
    %dma_wait3A_85 = arith.constant 0 : i32
    %dma_wait3A_86 = arith.constant 0 : i32
    %dma_wait3A_87 = tpu.memref_slice %arg2[%dma_wait3A_85, %dma_wait3A_86] : memref<32x1000000xf32, #tpu.memory_space<hbm>> -> memref<32x256xf32, #tpu.memory_space<hbm>>
    tpu.wait_dma2 semaphore(%arg10 : memref<!tpu.dma_semaphore, #tpu.memory_space<semaphore_mem>>) src(%dma_wait3A_87 : memref<32x256xf32, #tpu.memory_space<hbm>>) dst(%dma_wait3A_84 : memref<32x256xf32, #tpu.memory_space<vmem>>)
    %parallel_loop3A_88 = arith.constant 0 : i32
    %parallel_loop3A_89 = arith.constant 64 : i32
    %parallel_loop3A_90 = arith.constant 1 : i32
    scf.for %parallel_loop3A_156 = %parallel_loop3A_88 to %parallel_loop3A_89 step %parallel_loop3A_90  : i32 {
      %parallel_loop3A_157 = arith.constant 4 : i32
      %parallel_loop3A_158 = arith.muli %parallel_loop3A_157, %parallel_loop3A_156 : i32
      %parallel_loop3A_159 = vector.broadcast %parallel_loop3A_158 : i32 to vector<16xi32>
      %parallel_loop3A_160 = arith.addi %broadcast_in_dim3A_7, %parallel_loop3A_159 : vector<16xi32>
      %parallel_loop3A_161 = arith.constant 0 : i32
      %parallel_loop3A_162 = vector.broadcast %parallel_loop3A_161 : i32 to vector<16xi32>
      %parallel_loop3A_163 = arith.addi %parallel_loop3A_160, %parallel_loop3A_162 : vector<16xi32>
      %parallel_loop3A_164 = arith.constant 1 : i32
      %parallel_loop3A_165 = vector.broadcast %parallel_loop3A_164 : i32 to vector<16xi32>
      %parallel_loop3A_166 = arith.addi %parallel_loop3A_160, %parallel_loop3A_165 : vector<16xi32>
      %parallel_loop3A_167 = arith.constant 2 : i32
      %parallel_loop3A_168 = vector.broadcast %parallel_loop3A_167 : i32 to vector<16xi32>
      %parallel_loop3A_169 = arith.addi %parallel_loop3A_160, %parallel_loop3A_168 : vector<16xi32>
      %parallel_loop3A_170 = arith.constant 3 : i32
      %parallel_loop3A_171 = vector.broadcast %parallel_loop3A_170 : i32 to vector<16xi32>
      %parallel_loop3A_172 = arith.addi %parallel_loop3A_160, %parallel_loop3A_171 : vector<16xi32>
      %parallel_loop3A_173 = tpu.vector_load_idx %arg6[%add3A_3, %parallel_loop3A_163] : memref<32x257xf32, #tpu.memory_space<vmem>>[vector<16xi32>, vector<16xi32>], vector<16xf32>,
      %parallel_loop3A_174 = tpu.vector_load_idx %arg6[%add3A_6, %parallel_loop3A_163] : memref<32x257xf32, #tpu.memory_space<vmem>>[vector<16xi32>, vector<16xi32>], vector<16xf32>,
      %parallel_loop3A_175 = tpu.vector_load_idx %arg6[%add3A_3, %parallel_loop3A_166] : memref<32x257xf32, #tpu.memory_space<vmem>>[vector<16xi32>, vector<16xi32>], vector<16xf32>,
      %parallel_loop3A_176 = tpu.vector_load_idx %arg6[%add3A_6, %parallel_loop3A_166] : memref<32x257xf32, #tpu.memory_space<vmem>>[vector<16xi32>, vector<16xi32>], vector<16xf32>,
      %parallel_loop3A_177 = tpu.vector_load_idx %arg6[%add3A_3, %parallel_loop3A_169] : memref<32x257xf32, #tpu.memory_space<vmem>>[vector<16xi32>, vector<16xi32>], vector<16xf32>,
      %parallel_loop3A_178 = tpu.vector_load_idx %arg6[%add3A_6, %parallel_loop3A_169] : memref<32x257xf32, #tpu.memory_space<vmem>>[vector<16xi32>, vector<16xi32>], vector<16xf32>,
      %parallel_loop3A_179 = tpu.vector_load_idx %arg6[%add3A_3, %parallel_loop3A_172] : memref<32x257xf32, #tpu.memory_space<vmem>>[vector<16xi32>, vector<16xi32>], vector<16xf32>,
      %parallel_loop3A_180 = tpu.vector_load_idx %arg6[%add3A_6, %parallel_loop3A_172] : memref<32x257xf32, #tpu.memory_space<vmem>>[vector<16xi32>, vector<16xi32>], vector<16xf32>,
      %parallel_loop3A_181 = arith.index_cast %parallel_loop3A_156 : i32 to index
      %parallel_loop3A_182 = arith.constant 0 : index
      %parallel_loop3A_183 = tpu.vector_load %arg8[%parallel_loop3A_181, %parallel_loop3A_182] {strides = array<i32>} : memref<64x128xf32, #tpu.memory_space<vmem>>, vector<16xf32>,
      tpu.vector_store %arg8[%parallel_loop3A_181, %parallel_loop3A_182], %parallel_loop3A_173 {strides = array<i32>} : memref<64x128xf32, #tpu.memory_space<vmem>>, vector<16xf32>,
      %parallel_loop3A_184 = arith.index_cast %parallel_loop3A_156 : i32 to index
      %parallel_loop3A_185 = arith.constant 16 : index
      %parallel_loop3A_186 = tpu.vector_load %arg8[%parallel_loop3A_184, %parallel_loop3A_185] {strides = array<i32>} : memref<64x128xf32, #tpu.memory_space<vmem>>, vector<16xf32>,
      tpu.vector_store %arg8[%parallel_loop3A_184, %parallel_loop3A_185], %parallel_loop3A_174 {strides = array<i32>} : memref<64x128xf32, #tpu.memory_space<vmem>>, vector<16xf32>,
      %parallel_loop3A_187 = arith.index_cast %parallel_loop3A_156 : i32 to index
      %parallel_loop3A_188 = arith.constant 32 : index
      %parallel_loop3A_189 = tpu.vector_load %arg8[%parallel_loop3A_187, %parallel_loop3A_188] {strides = array<i32>} : memref<64x128xf32, #tpu.memory_space<vmem>>, vector<16xf32>,
      tpu.vector_store %arg8[%parallel_loop3A_187, %parallel_loop3A_188], %parallel_loop3A_175 {strides = array<i32>} : memref<64x128xf32, #tpu.memory_space<vmem>>, vector<16xf32>,
      %parallel_loop3A_190 = arith.index_cast %parallel_loop3A_156 : i32 to index
      %parallel_loop3A_191 = arith.constant 48 : index
      %parallel_loop3A_192 = tpu.vector_load %arg8[%parallel_loop3A_190, %parallel_loop3A_191] {strides = array<i32>} : memref<64x128xf32, #tpu.memory_space<vmem>>, vector<16xf32>,
      tpu.vector_store %arg8[%parallel_loop3A_190, %parallel_loop3A_191], %parallel_loop3A_176 {strides = array<i32>} : memref<64x128xf32, #tpu.memory_space<vmem>>, vector<16xf32>,
      %parallel_loop3A_193 = arith.index_cast %parallel_loop3A_156 : i32 to index
      %parallel_loop3A_194 = arith.constant 64 : index
      %parallel_loop3A_195 = tpu.vector_load %arg8[%parallel_loop3A_193, %parallel_loop3A_194] {strides = array<i32>} : memref<64x128xf32, #tpu.memory_space<vmem>>, vector<16xf32>,
      tpu.vector_store %arg8[%parallel_loop3A_193, %parallel_loop3A_194], %parallel_loop3A_177 {strides = array<i32>} : memref<64x128xf32, #tpu.memory_space<vmem>>, vector<16xf32>,
      %parallel_loop3A_196 = arith.index_cast %parallel_loop3A_156 : i32 to index
      %parallel_loop3A_197 = arith.constant 80 : index
      %parallel_loop3A_198 = tpu.vector_load %arg8[%parallel_loop3A_196, %parallel_loop3A_197] {strides = array<i32>} : memref<64x128xf32, #tpu.memory_space<vmem>>, vector<16xf32>,
      tpu.vector_store %arg8[%parallel_loop3A_196, %parallel_loop3A_197], %parallel_loop3A_178 {strides = array<i32>} : memref<64x128xf32, #tpu.memory_space<vmem>>, vector<16xf32>,
      %parallel_loop3A_199 = arith.index_cast %parallel_loop3A_156 : i32 to index
      %parallel_loop3A_200 = arith.constant 96 : index
      %parallel_loop3A_201 = tpu.vector_load %arg8[%parallel_loop3A_199, %parallel_loop3A_200] {strides = array<i32>} : memref<64x128xf32, #tpu.memory_space<vmem>>, vector<16xf32>,
      tpu.vector_store %arg8[%parallel_loop3A_199, %parallel_loop3A_200], %parallel_loop3A_179 {strides = array<i32>} : memref<64x128xf32, #tpu.memory_space<vmem>>, vector<16xf32>,
      %parallel_loop3A_202 = arith.index_cast %parallel_loop3A_156 : i32 to index
      %parallel_loop3A_203 = arith.constant 112 : index
      %parallel_loop3A_204 = tpu.vector_load %arg8[%parallel_loop3A_202, %parallel_loop3A_203] {strides = array<i32>} : memref<64x128xf32, #tpu.memory_space<vmem>>, vector<16xf32>,
      tpu.vector_store %arg8[%parallel_loop3A_202, %parallel_loop3A_203], %parallel_loop3A_180 {strides = array<i32>} : memref<64x128xf32, #tpu.memory_space<vmem>>, vector<16xf32>,
    } {sc.loop_unroll_factor = 8 : i64, sc.parallel_access}
    %add3A_91 = arith.constant 96 : i32
    %add3A_92 = arith.addi %add3A_91, %add3A : i32
    %mul3A_93 = arith.constant 256 : i32
    %mul3A_94 = arith.muli %add3A_92, %mul3A_93 : i32
    %dma_start3A_95 = arith.constant 0 : i32
    %dma_start3A_96 = arith.constant 0 : i32
    %dma_start3A_97 = tpu.memref_slice %arg6[%dma_start3A_95, %dma_start3A_96] : memref<32x257xf32, #tpu.memory_space<vmem>> -> memref<32x256xf32, #tpu.memory_space<vmem>>
    %dma_start3A_98 = arith.constant 0 : i32
    %dma_start3A_99 = tpu.memref_slice %arg2[%dma_start3A_98, %mul3A_94] : memref<32x1000000xf32, #tpu.memory_space<hbm>> -> memref<32x256xf32, #tpu.memory_space<hbm>>
    %dma_start3A_100 = arith.constant 0 : i32
    %dma_start3A_101 = arith.constant 0 : i32
    %dma_start3A_102 = tpu.memref_slice %arg6[%dma_start3A_100, %dma_start3A_101] : memref<32x257xf32, #tpu.memory_space<vmem>> -> memref<32x256xf32, #tpu.memory_space<vmem>>
    %dma_start3A_103 = arith.constant 0 : i32
    %dma_start3A_104 = tpu.memref_slice %arg2[%dma_start3A_103, %mul3A_94] : memref<32x1000000xf32, #tpu.memory_space<hbm>> -> memref<32x256xf32, #tpu.memory_space<hbm>>
    tpu.enqueue_dma source(%dma_start3A_104 : memref<32x256xf32, #tpu.memory_space<hbm>>) target(%dma_start3A_102 : memref<32x256xf32, #tpu.memory_space<vmem>>) target_semaphore(%arg10 : memref<!tpu.dma_semaphore, #tpu.memory_space<semaphore_mem>>)
    %add3A_105 = arith.constant 32 : i32
    %add3A_106 = arith.addi %add3A_105, %add3A : i32
    %mul3A_107 = arith.constant 64 : i32
    %mul3A_108 = arith.muli %add3A_106, %mul3A_107 : i32
    %dma_start3A_109 = arith.constant 0 : i32
    %dma_start3A_110 = arith.constant 0 : i32
    %dma_start3A_111 = tpu.memref_slice %arg8[%dma_start3A_109, %dma_start3A_110] : memref<64x128xf32, #tpu.memory_space<vmem>> -> memref<64x128xf32, #tpu.memory_space<vmem>>
    %dma_start3A_112 = arith.constant 0 : i32
    %dma_start3A_113 = tpu.memref_slice %arg4[%mul3A_108, %dma_start3A_112] : memref<250000x128xf32, #tpu.memory_space<hbm>> -> memref<64x128xf32, #tpu.memory_space<hbm>>
    %dma_start3A_114 = arith.constant 0 : i32
    %dma_start3A_115 = tpu.memref_slice %arg4[%mul3A_108, %dma_start3A_114] : memref<250000x128xf32, #tpu.memory_space<hbm>> -> memref<64x128xf32, #tpu.memory_space<hbm>>
    %dma_start3A_116 = arith.constant 0 : i32
    %dma_start3A_117 = arith.constant 0 : i32
    %dma_start3A_118 = tpu.memref_slice %arg8[%dma_start3A_116, %dma_start3A_117] : memref<64x128xf32, #tpu.memory_space<vmem>> -> memref<64x128xf32, #tpu.memory_space<vmem>>
    tpu.enqueue_dma source(%dma_start3A_118 : memref<64x128xf32, #tpu.memory_space<vmem>>) target(%dma_start3A_115 : memref<64x128xf32, #tpu.memory_space<hbm>>) target_semaphore(%arg12 : memref<!tpu.dma_semaphore, #tpu.memory_space<semaphore_mem>>)
    %scan3A = arith.constant 0 : i32
    %scan3A_119 = arith.constant 1 : i32
    %scan3A_120 = arith.constant 60 : i32
    %scan3A_121 = arith.addi %scan3A_119, %scan3A_120 : i32
    %scan3A_122 = arith.constant 1 : i32
    scf.for %scan3A_156 = %scan3A_119 to %scan3A_121 step %scan3A_122  : i32 {
      %mul3A_157 = arith.constant 2 : i32
      %mul3A_158 = arith.muli %mul3A_157, %scan3A_156 : i32
      %add3A_159 = arith.constant 0 : i32
      %add3A_160 = arith.addi %mul3A_158, %add3A_159 : i32
      %dma_wait3A_161 = arith.constant 0 : i32
      %dma_wait3A_162 = arith.constant 0 : i32
      %dma_wait3A_163 = tpu.memref_slice %arg5[%dma_wait3A_161, %dma_wait3A_162] : memref<32x257xf32, #tpu.memory_space<vmem>> -> memref<32x256xf32, #tpu.memory_space<vmem>>
      %dma_wait3A_164 = arith.constant 0 : i32
      %dma_wait3A_165 = arith.constant 0 : i32
      %dma_wait3A_166 = tpu.memref_slice %arg2[%dma_wait3A_164, %dma_wait3A_165] : memref<32x1000000xf32, #tpu.memory_space<hbm>> -> memref<32x256xf32, #tpu.memory_space<hbm>>
      %dma_wait3A_167 = arith.constant 0 : i32
      %dma_wait3A_168 = arith.constant 0 : i32
      %dma_wait3A_169 = tpu.memref_slice %arg5[%dma_wait3A_167, %dma_wait3A_168] : memref<32x257xf32, #tpu.memory_space<vmem>> -> memref<32x256xf32, #tpu.memory_space<vmem>>
      %dma_wait3A_170 = arith.constant 0 : i32
      %dma_wait3A_171 = arith.constant 0 : i32
      %dma_wait3A_172 = tpu.memref_slice %arg2[%dma_wait3A_170, %dma_wait3A_171] : memref<32x1000000xf32, #tpu.memory_space<hbm>> -> memref<32x256xf32, #tpu.memory_space<hbm>>
      tpu.wait_dma2 semaphore(%arg9 : memref<!tpu.dma_semaphore, #tpu.memory_space<semaphore_mem>>) src(%dma_wait3A_172 : memref<32x256xf32, #tpu.memory_space<hbm>>) dst(%dma_wait3A_169 : memref<32x256xf32, #tpu.memory_space<vmem>>)
      %dma_wait3A_173 = arith.constant 0 : i32
      %dma_wait3A_174 = arith.constant 0 : i32
      %dma_wait3A_175 = tpu.memref_slice %arg7[%dma_wait3A_173, %dma_wait3A_174] : memref<64x128xf32, #tpu.memory_space<vmem>> -> memref<64x128xf32, #tpu.memory_space<vmem>>
      %dma_wait3A_176 = arith.constant 0 : i32
      %dma_wait3A_177 = arith.constant 0 : i32
      %dma_wait3A_178 = tpu.memref_slice %arg4[%dma_wait3A_176, %dma_wait3A_177] : memref<250000x128xf32, #tpu.memory_space<hbm>> -> memref<64x128xf32, #tpu.memory_space<hbm>>
      %dma_wait3A_179 = arith.constant 0 : i32
      %dma_wait3A_180 = arith.constant 0 : i32
      %dma_wait3A_181 = tpu.memref_slice %arg4[%dma_wait3A_179, %dma_wait3A_180] : memref<250000x128xf32, #tpu.memory_space<hbm>> -> memref<64x128xf32, #tpu.memory_space<hbm>>
      %dma_wait3A_182 = arith.constant 0 : i32
      %dma_wait3A_183 = arith.constant 0 : i32
      %dma_wait3A_184 = tpu.memref_slice %arg7[%dma_wait3A_182, %dma_wait3A_183] : memref<64x128xf32, #tpu.memory_space<vmem>> -> memref<64x128xf32, #tpu.memory_space<vmem>>
      tpu.wait_dma2 semaphore(%arg11 : memref<!tpu.dma_semaphore, #tpu.memory_space<semaphore_mem>>) src(%dma_wait3A_184 : memref<64x128xf32, #tpu.memory_space<vmem>>) dst(%dma_wait3A_181 : memref<64x128xf32, #tpu.memory_space<hbm>>)
      %parallel_loop3A_185 = arith.constant 0 : i32
      %parallel_loop3A_186 = arith.constant 64 : i32
      %parallel_loop3A_187 = arith.constant 1 : i32
      scf.for %parallel_loop3A_269 = %parallel_loop3A_185 to %parallel_loop3A_186 step %parallel_loop3A_187  : i32 {
        %parallel_loop3A_270 = arith.constant 4 : i32
        %parallel_loop3A_271 = arith.muli %parallel_loop3A_270, %parallel_loop3A_269 : i32
        %parallel_loop3A_272 = vector.broadcast %parallel_loop3A_271 : i32 to vector<16xi32>
        %parallel_loop3A_273 = arith.addi %broadcast_in_dim3A_7, %parallel_loop3A_272 : vector<16xi32>
        %parallel_loop3A_274 = arith.constant 0 : i32
        %parallel_loop3A_275 = vector.broadcast %parallel_loop3A_274 : i32 to vector<16xi32>
        %parallel_loop3A_276 = arith.addi %parallel_loop3A_273, %parallel_loop3A_275 : vector<16xi32>
        %parallel_loop3A_277 = arith.constant 1 : i32
        %parallel_loop3A_278 = vector.broadcast %parallel_loop3A_277 : i32 to vector<16xi32>
        %parallel_loop3A_279 = arith.addi %parallel_loop3A_273, %parallel_loop3A_278 : vector<16xi32>
        %parallel_loop3A_280 = arith.constant 2 : i32
        %parallel_loop3A_281 = vector.broadcast %parallel_loop3A_280 : i32 to vector<16xi32>
        %parallel_loop3A_282 = arith.addi %parallel_loop3A_273, %parallel_loop3A_281 : vector<16xi32>
        %parallel_loop3A_283 = arith.constant 3 : i32
        %parallel_loop3A_284 = vector.broadcast %parallel_loop3A_283 : i32 to vector<16xi32>
        %parallel_loop3A_285 = arith.addi %parallel_loop3A_273, %parallel_loop3A_284 : vector<16xi32>
        %parallel_loop3A_286 = tpu.vector_load_idx %arg5[%add3A_3, %parallel_loop3A_276] : memref<32x257xf32, #tpu.memory_space<vmem>>[vector<16xi32>, vector<16xi32>], vector<16xf32>,
        %parallel_loop3A_287 = tpu.vector_load_idx %arg5[%add3A_6, %parallel_loop3A_276] : memref<32x257xf32, #tpu.memory_space<vmem>>[vector<16xi32>, vector<16xi32>], vector<16xf32>,
        %parallel_loop3A_288 = tpu.vector_load_idx %arg5[%add3A_3, %parallel_loop3A_279] : memref<32x257xf32, #tpu.memory_space<vmem>>[vector<16xi32>, vector<16xi32>], vector<16xf32>,
        %parallel_loop3A_289 = tpu.vector_load_idx %arg5[%add3A_6, %parallel_loop3A_279] : memref<32x257xf32, #tpu.memory_space<vmem>>[vector<16xi32>, vector<16xi32>], vector<16xf32>,
        %parallel_loop3A_290 = tpu.vector_load_idx %arg5[%add3A_3, %parallel_loop3A_282] : memref<32x257xf32, #tpu.memory_space<vmem>>[vector<16xi32>, vector<16xi32>], vector<16xf32>,
        %parallel_loop3A_291 = tpu.vector_load_idx %arg5[%add3A_6, %parallel_loop3A_282] : memref<32x257xf32, #tpu.memory_space<vmem>>[vector<16xi32>, vector<16xi32>], vector<16xf32>,
        %parallel_loop3A_292 = tpu.vector_load_idx %arg5[%add3A_3, %parallel_loop3A_285] : memref<32x257xf32, #tpu.memory_space<vmem>>[vector<16xi32>, vector<16xi32>], vector<16xf32>,
        %parallel_loop3A_293 = tpu.vector_load_idx %arg5[%add3A_6, %parallel_loop3A_285] : memref<32x257xf32, #tpu.memory_space<vmem>>[vector<16xi32>, vector<16xi32>], vector<16xf32>,
        %parallel_loop3A_294 = arith.index_cast %parallel_loop3A_269 : i32 to index
        %parallel_loop3A_295 = arith.constant 0 : index
        %parallel_loop3A_296 = tpu.vector_load %arg7[%parallel_loop3A_294, %parallel_loop3A_295] {strides = array<i32>} : memref<64x128xf32, #tpu.memory_space<vmem>>, vector<16xf32>,
        tpu.vector_store %arg7[%parallel_loop3A_294, %parallel_loop3A_295], %parallel_loop3A_286 {strides = array<i32>} : memref<64x128xf32, #tpu.memory_space<vmem>>, vector<16xf32>,
        %parallel_loop3A_297 = arith.index_cast %parallel_loop3A_269 : i32 to index
        %parallel_loop3A_298 = arith.constant 16 : index
        %parallel_loop3A_299 = tpu.vector_load %arg7[%parallel_loop3A_297, %parallel_loop3A_298] {strides = array<i32>} : memref<64x128xf32, #tpu.memory_space<vmem>>, vector<16xf32>,
        tpu.vector_store %arg7[%parallel_loop3A_297, %parallel_loop3A_298], %parallel_loop3A_287 {strides = array<i32>} : memref<64x128xf32, #tpu.memory_space<vmem>>, vector<16xf32>,
        %parallel_loop3A_300 = arith.index_cast %parallel_loop3A_269 : i32 to index
        %parallel_loop3A_301 = arith.constant 32 : index
        %parallel_loop3A_302 = tpu.vector_load %arg7[%parallel_loop3A_300, %parallel_loop3A_301] {strides = array<i32>} : memref<64x128xf32, #tpu.memory_space<vmem>>, vector<16xf32>,
        tpu.vector_store %arg7[%parallel_loop3A_300, %parallel_loop3A_301], %parallel_loop3A_288 {strides = array<i32>} : memref<64x128xf32, #tpu.memory_space<vmem>>, vector<16xf32>,
        %parallel_loop3A_303 = arith.index_cast %parallel_loop3A_269 : i32 to index
        %parallel_loop3A_304 = arith.constant 48 : index
        %parallel_loop3A_305 = tpu.vector_load %arg7[%parallel_loop3A_303, %parallel_loop3A_304] {strides = array<i32>} : memref<64x128xf32, #tpu.memory_space<vmem>>, vector<16xf32>,
        tpu.vector_store %arg7[%parallel_loop3A_303, %parallel_loop3A_304], %parallel_loop3A_289 {strides = array<i32>} : memref<64x128xf32, #tpu.memory_space<vmem>>, vector<16xf32>,
        %parallel_loop3A_306 = arith.index_cast %parallel_loop3A_269 : i32 to index
        %parallel_loop3A_307 = arith.constant 64 : index
        %parallel_loop3A_308 = tpu.vector_load %arg7[%parallel_loop3A_306, %parallel_loop3A_307] {strides = array<i32>} : memref<64x128xf32, #tpu.memory_space<vmem>>, vector<16xf32>,
        tpu.vector_store %arg7[%parallel_loop3A_306, %parallel_loop3A_307], %parallel_loop3A_290 {strides = array<i32>} : memref<64x128xf32, #tpu.memory_space<vmem>>, vector<16xf32>,
        %parallel_loop3A_309 = arith.index_cast %parallel_loop3A_269 : i32 to index
        %parallel_loop3A_310 = arith.constant 80 : index
        %parallel_loop3A_311 = tpu.vector_load %arg7[%parallel_loop3A_309, %parallel_loop3A_310] {strides = array<i32>} : memref<64x128xf32, #tpu.memory_space<vmem>>, vector<16xf32>,
        tpu.vector_store %arg7[%parallel_loop3A_309, %parallel_loop3A_310], %parallel_loop3A_291 {strides = array<i32>} : memref<64x128xf32, #tpu.memory_space<vmem>>, vector<16xf32>,
        %parallel_loop3A_312 = arith.index_cast %parallel_loop3A_269 : i32 to index
        %parallel_loop3A_313 = arith.constant 96 : index
        %parallel_loop3A_314 = tpu.vector_load %arg7[%parallel_loop3A_312, %parallel_loop3A_313] {strides = array<i32>} : memref<64x128xf32, #tpu.memory_space<vmem>>, vector<16xf32>,
        tpu.vector_store %arg7[%parallel_loop3A_312, %parallel_loop3A_313], %parallel_loop3A_292 {strides = array<i32>} : memref<64x128xf32, #tpu.memory_space<vmem>>, vector<16xf32>,
        %parallel_loop3A_315 = arith.index_cast %parallel_loop3A_269 : i32 to index
        %parallel_loop3A_316 = arith.constant 112 : index
        %parallel_loop3A_317 = tpu.vector_load %arg7[%parallel_loop3A_315, %parallel_loop3A_316] {strides = array<i32>} : memref<64x128xf32, #tpu.memory_space<vmem>>, vector<16xf32>,
        tpu.vector_store %arg7[%parallel_loop3A_315, %parallel_loop3A_316], %parallel_loop3A_293 {strides = array<i32>} : memref<64x128xf32, #tpu.memory_space<vmem>>, vector<16xf32>,
      } {sc.loop_unroll_factor = 8 : i64, sc.parallel_access}
      %add3A_188 = arith.constant 2 : i32
      %add3A_189 = arith.addi %add3A_160, %add3A_188 : i32
      %mul3A_190 = arith.constant 32 : i32
      %mul3A_191 = arith.muli %add3A_189, %mul3A_190 : i32
      %add3A_192 = arith.addi %mul3A_191, %add3A : i32
      %lt3A_193 = arith.constant 3906 : i32
      %lt3A_194 = arith.cmpi slt, %add3A_192, %lt3A_193 : i32
      %convert_element_type3A_195 = arith.extui %lt3A_194 : i1 to i32
      %cond3A_196 = arith.constant 0 : i32
      %cond3A_197 = arith.cmpi ne, %convert_element_type3A_195, %cond3A_196 : i32
      scf.if %cond3A_197 {
        %add3A_269 = arith.constant 2 : i32
        %add3A_270 = arith.addi %add3A_160, %add3A_269 : i32
        %mul3A_271 = arith.constant 32 : i32
        %mul3A_272 = arith.muli %add3A_270, %mul3A_271 : i32
        %add3A_273 = arith.addi %mul3A_272, %add3A : i32
        %mul3A_274 = arith.constant 256 : i32
        %mul3A_275 = arith.muli %add3A_273, %mul3A_274 : i32
        %dma_start3A_276 = arith.constant 0 : i32
        %dma_start3A_277 = arith.constant 0 : i32
        %dma_start3A_278 = tpu.memref_slice %arg5[%dma_start3A_276, %dma_start3A_277] : memref<32x257xf32, #tpu.memory_space<vmem>> -> memref<32x256xf32, #tpu.memory_space<vmem>>
        %dma_start3A_279 = arith.constant 0 : i32
        %dma_start3A_280 = tpu.memref_slice %arg2[%dma_start3A_279, %mul3A_275] : memref<32x1000000xf32, #tpu.memory_space<hbm>> -> memref<32x256xf32, #tpu.memory_space<hbm>>
        %dma_start3A_281 = arith.constant 0 : i32
        %dma_start3A_282 = arith.constant 0 : i32
        %dma_start3A_283 = tpu.memref_slice %arg5[%dma_start3A_281, %dma_start3A_282] : memref<32x257xf32, #tpu.memory_space<vmem>> -> memref<32x256xf32, #tpu.memory_space<vmem>>
        %dma_start3A_284 = arith.constant 0 : i32
        %dma_start3A_285 = tpu.memref_slice %arg2[%dma_start3A_284, %mul3A_275] : memref<32x1000000xf32, #tpu.memory_space<hbm>> -> memref<32x256xf32, #tpu.memory_space<hbm>>
        tpu.enqueue_dma source(%dma_start3A_285 : memref<32x256xf32, #tpu.memory_space<hbm>>) target(%dma_start3A_283 : memref<32x256xf32, #tpu.memory_space<vmem>>) target_semaphore(%arg9 : memref<!tpu.dma_semaphore, #tpu.memory_space<semaphore_mem>>)
      } else {
      }
      %mul3A_198 = arith.constant 32 : i32
      %mul3A_199 = arith.muli %add3A_160, %mul3A_198 : i32
      %add3A_200 = arith.addi %mul3A_199, %add3A : i32
      %mul3A_201 = arith.constant 64 : i32
      %mul3A_202 = arith.muli %add3A_200, %mul3A_201 : i32
      %dma_start3A_203 = arith.constant 0 : i32
      %dma_start3A_204 = arith.constant 0 : i32
      %dma_start3A_205 = tpu.memref_slice %arg7[%dma_start3A_203, %dma_start3A_204] : memref<64x128xf32, #tpu.memory_space<vmem>> -> memref<64x128xf32, #tpu.memory_space<vmem>>
      %dma_start3A_206 = arith.constant 0 : i32
      %dma_start3A_207 = tpu.memref_slice %arg4[%mul3A_202, %dma_start3A_206] : memref<250000x128xf32, #tpu.memory_space<hbm>> -> memref<64x128xf32, #tpu.memory_space<hbm>>
      %dma_start3A_208 = arith.constant 0 : i32
      %dma_start3A_209 = tpu.memref_slice %arg4[%mul3A_202, %dma_start3A_208] : memref<250000x128xf32, #tpu.memory_space<hbm>> -> memref<64x128xf32, #tpu.memory_space<hbm>>
      %dma_start3A_210 = arith.constant 0 : i32
      %dma_start3A_211 = arith.constant 0 : i32
      %dma_start3A_212 = tpu.memref_slice %arg7[%dma_start3A_210, %dma_start3A_211] : memref<64x128xf32, #tpu.memory_space<vmem>> -> memref<64x128xf32, #tpu.memory_space<vmem>>
      tpu.enqueue_dma source(%dma_start3A_212 : memref<64x128xf32, #tpu.memory_space<vmem>>) target(%dma_start3A_209 : memref<64x128xf32, #tpu.memory_space<hbm>>) target_semaphore(%arg11 : memref<!tpu.dma_semaphore, #tpu.memory_space<semaphore_mem>>)
      %mul3A_213 = arith.constant 2 : i32
      %mul3A_214 = arith.muli %mul3A_213, %scan3A_156 : i32
      %add3A_215 = arith.constant 1 : i32
      %add3A_216 = arith.addi %mul3A_214, %add3A_215 : i32
      %dma_wait3A_217 = arith.constant 0 : i32
      %dma_wait3A_218 = arith.constant 0 : i32
      %dma_wait3A_219 = tpu.memref_slice %arg6[%dma_wait3A_217, %dma_wait3A_218] : memref<32x257xf32, #tpu.memory_space<vmem>> -> memref<32x256xf32, #tpu.memory_space<vmem>>
      %dma_wait3A_220 = arith.constant 0 : i32
      %dma_wait3A_221 = arith.constant 0 : i32
      %dma_wait3A_222 = tpu.memref_slice %arg2[%dma_wait3A_220, %dma_wait3A_221] : memref<32x1000000xf32, #tpu.memory_space<hbm>> -> memref<32x256xf32, #tpu.memory_space<hbm>>
      %dma_wait3A_223 = arith.constant 0 : i32
      %dma_wait3A_224 = arith.constant 0 : i32
      %dma_wait3A_225 = tpu.memref_slice %arg6[%dma_wait3A_223, %dma_wait3A_224] : memref<32x257xf32, #tpu.memory_space<vmem>> -> memref<32x256xf32, #tpu.memory_space<vmem>>
      %dma_wait3A_226 = arith.constant 0 : i32
      %dma_wait3A_227 = arith.constant 0 : i32
      %dma_wait3A_228 = tpu.memref_slice %arg2[%dma_wait3A_226, %dma_wait3A_227] : memref<32x1000000xf32, #tpu.memory_space<hbm>> -> memref<32x256xf32, #tpu.memory_space<hbm>>
      tpu.wait_dma2 semaphore(%arg10 : memref<!tpu.dma_semaphore, #tpu.memory_space<semaphore_mem>>) src(%dma_wait3A_228 : memref<32x256xf32, #tpu.memory_space<hbm>>) dst(%dma_wait3A_225 : memref<32x256xf32, #tpu.memory_space<vmem>>)
      %dma_wait3A_229 = arith.constant 0 : i32
      %dma_wait3A_230 = arith.constant 0 : i32
      %dma_wait3A_231 = tpu.memref_slice %arg8[%dma_wait3A_229, %dma_wait3A_230] : memref<64x128xf32, #tpu.memory_space<vmem>> -> memref<64x128xf32, #tpu.memory_space<vmem>>
      %dma_wait3A_232 = arith.constant 0 : i32
      %dma_wait3A_233 = arith.constant 0 : i32
      %dma_wait3A_234 = tpu.memref_slice %arg4[%dma_wait3A_232, %dma_wait3A_233] : memref<250000x128xf32, #tpu.memory_space<hbm>> -> memref<64x128xf32, #tpu.memory_space<hbm>>
      %dma_wait3A_235 = arith.constant 0 : i32
      %dma_wait3A_236 = arith.constant 0 : i32
      %dma_wait3A_237 = tpu.memref_slice %arg4[%dma_wait3A_235, %dma_wait3A_236] : memref<250000x128xf32, #tpu.memory_space<hbm>> -> memref<64x128xf32, #tpu.memory_space<hbm>>
      %dma_wait3A_238 = arith.constant 0 : i32
      %dma_wait3A_239 = arith.constant 0 : i32
      %dma_wait3A_240 = tpu.memref_slice %arg8[%dma_wait3A_238, %dma_wait3A_239] : memref<64x128xf32, #tpu.memory_space<vmem>> -> memref<64x128xf32, #tpu.memory_space<vmem>>
      tpu.wait_dma2 semaphore(%arg12 : memref<!tpu.dma_semaphore, #tpu.memory_space<semaphore_mem>>) src(%dma_wait3A_240 : memref<64x128xf32, #tpu.memory_space<vmem>>) dst(%dma_wait3A_237 : memref<64x128xf32, #tpu.memory_space<hbm>>)
      %parallel_loop3A_241 = arith.constant 0 : i32
      %parallel_loop3A_242 = arith.constant 64 : i32
      %parallel_loop3A_243 = arith.constant 1 : i32
      scf.for %parallel_loop3A_269 = %parallel_loop3A_241 to %parallel_loop3A_242 step %parallel_loop3A_243  : i32 {
        %parallel_loop3A_270 = arith.constant 4 : i32
        %parallel_loop3A_271 = arith.muli %parallel_loop3A_270, %parallel_loop3A_269 : i32
        %parallel_loop3A_272 = vector.broadcast %parallel_loop3A_271 : i32 to vector<16xi32>
        %parallel_loop3A_273 = arith.addi %broadcast_in_dim3A_7, %parallel_loop3A_272 : vector<16xi32>
        %parallel_loop3A_274 = arith.constant 0 : i32
        %parallel_loop3A_275 = vector.broadcast %parallel_loop3A_274 : i32 to vector<16xi32>
        %parallel_loop3A_276 = arith.addi %parallel_loop3A_273, %parallel_loop3A_275 : vector<16xi32>
        %parallel_loop3A_277 = arith.constant 1 : i32
        %parallel_loop3A_278 = vector.broadcast %parallel_loop3A_277 : i32 to vector<16xi32>
        %parallel_loop3A_279 = arith.addi %parallel_loop3A_273, %parallel_loop3A_278 : vector<16xi32>
        %parallel_loop3A_280 = arith.constant 2 : i32
        %parallel_loop3A_281 = vector.broadcast %parallel_loop3A_280 : i32 to vector<16xi32>
        %parallel_loop3A_282 = arith.addi %parallel_loop3A_273, %parallel_loop3A_281 : vector<16xi32>
        %parallel_loop3A_283 = arith.constant 3 : i32
        %parallel_loop3A_284 = vector.broadcast %parallel_loop3A_283 : i32 to vector<16xi32>
        %parallel_loop3A_285 = arith.addi %parallel_loop3A_273, %parallel_loop3A_284 : vector<16xi32>
        %parallel_loop3A_286 = tpu.vector_load_idx %arg6[%add3A_3, %parallel_loop3A_276] : memref<32x257xf32, #tpu.memory_space<vmem>>[vector<16xi32>, vector<16xi32>], vector<16xf32>,
        %parallel_loop3A_287 = tpu.vector_load_idx %arg6[%add3A_6, %parallel_loop3A_276] : memref<32x257xf32, #tpu.memory_space<vmem>>[vector<16xi32>, vector<16xi32>], vector<16xf32>,
        %parallel_loop3A_288 = tpu.vector_load_idx %arg6[%add3A_3, %parallel_loop3A_279] : memref<32x257xf32, #tpu.memory_space<vmem>>[vector<16xi32>, vector<16xi32>], vector<16xf32>,
        %parallel_loop3A_289 = tpu.vector_load_idx %arg6[%add3A_6, %parallel_loop3A_279] : memref<32x257xf32, #tpu.memory_space<vmem>>[vector<16xi32>, vector<16xi32>], vector<16xf32>,
        %parallel_loop3A_290 = tpu.vector_load_idx %arg6[%add3A_3, %parallel_loop3A_282] : memref<32x257xf32, #tpu.memory_space<vmem>>[vector<16xi32>, vector<16xi32>], vector<16xf32>,
        %parallel_loop3A_291 = tpu.vector_load_idx %arg6[%add3A_6, %parallel_loop3A_282] : memref<32x257xf32, #tpu.memory_space<vmem>>[vector<16xi32>, vector<16xi32>], vector<16xf32>,
        %parallel_loop3A_292 = tpu.vector_load_idx %arg6[%add3A_3, %parallel_loop3A_285] : memref<32x257xf32, #tpu.memory_space<vmem>>[vector<16xi32>, vector<16xi32>], vector<16xf32>,
        %parallel_loop3A_293 = tpu.vector_load_idx %arg6[%add3A_6, %parallel_loop3A_285] : memref<32x257xf32, #tpu.memory_space<vmem>>[vector<16xi32>, vector<16xi32>], vector<16xf32>,
        %parallel_loop3A_294 = arith.index_cast %parallel_loop3A_269 : i32 to index
        %parallel_loop3A_295 = arith.constant 0 : index
        %parallel_loop3A_296 = tpu.vector_load %arg8[%parallel_loop3A_294, %parallel_loop3A_295] {strides = array<i32>} : memref<64x128xf32, #tpu.memory_space<vmem>>, vector<16xf32>,
        tpu.vector_store %arg8[%parallel_loop3A_294, %parallel_loop3A_295], %parallel_loop3A_286 {strides = array<i32>} : memref<64x128xf32, #tpu.memory_space<vmem>>, vector<16xf32>,
        %parallel_loop3A_297 = arith.index_cast %parallel_loop3A_269 : i32 to index
        %parallel_loop3A_298 = arith.constant 16 : index
        %parallel_loop3A_299 = tpu.vector_load %arg8[%parallel_loop3A_297, %parallel_loop3A_298] {strides = array<i32>} : memref<64x128xf32, #tpu.memory_space<vmem>>, vector<16xf32>,
        tpu.vector_store %arg8[%parallel_loop3A_297, %parallel_loop3A_298], %parallel_loop3A_287 {strides = array<i32>} : memref<64x128xf32, #tpu.memory_space<vmem>>, vector<16xf32>,
        %parallel_loop3A_300 = arith.index_cast %parallel_loop3A_269 : i32 to index
        %parallel_loop3A_301 = arith.constant 32 : index
        %parallel_loop3A_302 = tpu.vector_load %arg8[%parallel_loop3A_300, %parallel_loop3A_301] {strides = array<i32>} : memref<64x128xf32, #tpu.memory_space<vmem>>, vector<16xf32>,
        tpu.vector_store %arg8[%parallel_loop3A_300, %parallel_loop3A_301], %parallel_loop3A_288 {strides = array<i32>} : memref<64x128xf32, #tpu.memory_space<vmem>>, vector<16xf32>,
        %parallel_loop3A_303 = arith.index_cast %parallel_loop3A_269 : i32 to index
        %parallel_loop3A_304 = arith.constant 48 : index
        %parallel_loop3A_305 = tpu.vector_load %arg8[%parallel_loop3A_303, %parallel_loop3A_304] {strides = array<i32>} : memref<64x128xf32, #tpu.memory_space<vmem>>, vector<16xf32>,
        tpu.vector_store %arg8[%parallel_loop3A_303, %parallel_loop3A_304], %parallel_loop3A_289 {strides = array<i32>} : memref<64x128xf32, #tpu.memory_space<vmem>>, vector<16xf32>,
        %parallel_loop3A_306 = arith.index_cast %parallel_loop3A_269 : i32 to index
        %parallel_loop3A_307 = arith.constant 64 : index
        %parallel_loop3A_308 = tpu.vector_load %arg8[%parallel_loop3A_306, %parallel_loop3A_307] {strides = array<i32>} : memref<64x128xf32, #tpu.memory_space<vmem>>, vector<16xf32>,
        tpu.vector_store %arg8[%parallel_loop3A_306, %parallel_loop3A_307], %parallel_loop3A_290 {strides = array<i32>} : memref<64x128xf32, #tpu.memory_space<vmem>>, vector<16xf32>,
        %parallel_loop3A_309 = arith.index_cast %parallel_loop3A_269 : i32 to index
        %parallel_loop3A_310 = arith.constant 80 : index
        %parallel_loop3A_311 = tpu.vector_load %arg8[%parallel_loop3A_309, %parallel_loop3A_310] {strides = array<i32>} : memref<64x128xf32, #tpu.memory_space<vmem>>, vector<16xf32>,
        tpu.vector_store %arg8[%parallel_loop3A_309, %parallel_loop3A_310], %parallel_loop3A_291 {strides = array<i32>} : memref<64x128xf32, #tpu.memory_space<vmem>>, vector<16xf32>,
        %parallel_loop3A_312 = arith.index_cast %parallel_loop3A_269 : i32 to index
        %parallel_loop3A_313 = arith.constant 96 : index
        %parallel_loop3A_314 = tpu.vector_load %arg8[%parallel_loop3A_312, %parallel_loop3A_313] {strides = array<i32>} : memref<64x128xf32, #tpu.memory_space<vmem>>, vector<16xf32>,
        tpu.vector_store %arg8[%parallel_loop3A_312, %parallel_loop3A_313], %parallel_loop3A_292 {strides = array<i32>} : memref<64x128xf32, #tpu.memory_space<vmem>>, vector<16xf32>,
        %parallel_loop3A_315 = arith.index_cast %parallel_loop3A_269 : i32 to index
        %parallel_loop3A_316 = arith.constant 112 : index
        %parallel_loop3A_317 = tpu.vector_load %arg8[%parallel_loop3A_315, %parallel_loop3A_316] {strides = array<i32>} : memref<64x128xf32, #tpu.memory_space<vmem>>, vector<16xf32>,
        tpu.vector_store %arg8[%parallel_loop3A_315, %parallel_loop3A_316], %parallel_loop3A_293 {strides = array<i32>} : memref<64x128xf32, #tpu.memory_space<vmem>>, vector<16xf32>,
      } {sc.loop_unroll_factor = 8 : i64, sc.parallel_access}
      %add3A_244 = arith.constant 2 : i32
      %add3A_245 = arith.addi %add3A_216, %add3A_244 : i32
      %mul3A_246 = arith.constant 32 : i32
      %mul3A_247 = arith.muli %add3A_245, %mul3A_246 : i32
      %add3A_248 = arith.addi %mul3A_247, %add3A : i32
      %lt3A_249 = arith.constant 3906 : i32
      %lt3A_250 = arith.cmpi slt, %add3A_248, %lt3A_249 : i32
      %convert_element_type3A_251 = arith.extui %lt3A_250 : i1 to i32
      %cond3A_252 = arith.constant 0 : i32
      %cond3A_253 = arith.cmpi ne, %convert_element_type3A_251, %cond3A_252 : i32
      scf.if %cond3A_253 {
        %add3A_269 = arith.constant 2 : i32
        %add3A_270 = arith.addi %add3A_216, %add3A_269 : i32
        %mul3A_271 = arith.constant 32 : i32
        %mul3A_272 = arith.muli %add3A_270, %mul3A_271 : i32
        %add3A_273 = arith.addi %mul3A_272, %add3A : i32
        %mul3A_274 = arith.constant 256 : i32
        %mul3A_275 = arith.muli %add3A_273, %mul3A_274 : i32
        %dma_start3A_276 = arith.constant 0 : i32
        %dma_start3A_277 = arith.constant 0 : i32
        %dma_start3A_278 = tpu.memref_slice %arg6[%dma_start3A_276, %dma_start3A_277] : memref<32x257xf32, #tpu.memory_space<vmem>> -> memref<32x256xf32, #tpu.memory_space<vmem>>
        %dma_start3A_279 = arith.constant 0 : i32
        %dma_start3A_280 = tpu.memref_slice %arg2[%dma_start3A_279, %mul3A_275] : memref<32x1000000xf32, #tpu.memory_space<hbm>> -> memref<32x256xf32, #tpu.memory_space<hbm>>
        %dma_start3A_281 = arith.constant 0 : i32
        %dma_start3A_282 = arith.constant 0 : i32
        %dma_start3A_283 = tpu.memref_slice %arg6[%dma_start3A_281, %dma_start3A_282] : memref<32x257xf32, #tpu.memory_space<vmem>> -> memref<32x256xf32, #tpu.memory_space<vmem>>
        %dma_start3A_284 = arith.constant 0 : i32
        %dma_start3A_285 = tpu.memref_slice %arg2[%dma_start3A_284, %mul3A_275] : memref<32x1000000xf32, #tpu.memory_space<hbm>> -> memref<32x256xf32, #tpu.memory_space<hbm>>
        tpu.enqueue_dma source(%dma_start3A_285 : memref<32x256xf32, #tpu.memory_space<hbm>>) target(%dma_start3A_283 : memref<32x256xf32, #tpu.memory_space<vmem>>) target_semaphore(%arg10 : memref<!tpu.dma_semaphore, #tpu.memory_space<semaphore_mem>>)
      } else {
      }
      %mul3A_254 = arith.constant 32 : i32
      %mul3A_255 = arith.muli %add3A_216, %mul3A_254 : i32
      %add3A_256 = arith.addi %mul3A_255, %add3A : i32
      %mul3A_257 = arith.constant 64 : i32
      %mul3A_258 = arith.muli %add3A_256, %mul3A_257 : i32
      %dma_start3A_259 = arith.constant 0 : i32
      %dma_start3A_260 = arith.constant 0 : i32
      %dma_start3A_261 = tpu.memref_slice %arg8[%dma_start3A_259, %dma_start3A_260] : memref<64x128xf32, #tpu.memory_space<vmem>> -> memref<64x128xf32, #tpu.memory_space<vmem>>
      %dma_start3A_262 = arith.constant 0 : i32
      %dma_start3A_263 = tpu.memref_slice %arg4[%mul3A_258, %dma_start3A_262] : memref<250000x128xf32, #tpu.memory_space<hbm>> -> memref<64x128xf32, #tpu.memory_space<hbm>>
      %dma_start3A_264 = arith.constant 0 : i32
      %dma_start3A_265 = tpu.memref_slice %arg4[%mul3A_258, %dma_start3A_264] : memref<250000x128xf32, #tpu.memory_space<hbm>> -> memref<64x128xf32, #tpu.memory_space<hbm>>
      %dma_start3A_266 = arith.constant 0 : i32
      %dma_start3A_267 = arith.constant 0 : i32
      %dma_start3A_268 = tpu.memref_slice %arg8[%dma_start3A_266, %dma_start3A_267] : memref<64x128xf32, #tpu.memory_space<vmem>> -> memref<64x128xf32, #tpu.memory_space<vmem>>
      tpu.enqueue_dma source(%dma_start3A_268 : memref<64x128xf32, #tpu.memory_space<vmem>>) target(%dma_start3A_265 : memref<64x128xf32, #tpu.memory_space<hbm>>) target_semaphore(%arg12 : memref<!tpu.dma_semaphore, #tpu.memory_space<semaphore_mem>>)
    }
    %scan3A_123 = arith.constant 60 : i32
    %add3A_124 = arith.constant 3904 : i32
    %add3A_125 = arith.addi %add3A_124, %add3A : i32
    %lt3A = arith.constant 3906 : i32
    %lt3A_126 = arith.cmpi slt, %add3A_125, %lt3A : i32
    %convert_element_type3A = arith.extui %lt3A_126 : i1 to i32
    %cond3A = arith.constant 0 : i32
    %cond3A_127 = arith.cmpi ne, %convert_element_type3A, %cond3A : i32
    scf.if %cond3A_127 {
      %dma_wait3A_156 = arith.constant 0 : i32
      %dma_wait3A_157 = arith.constant 0 : i32
      %dma_wait3A_158 = tpu.memref_slice %arg5[%dma_wait3A_156, %dma_wait3A_157] : memref<32x257xf32, #tpu.memory_space<vmem>> -> memref<32x256xf32, #tpu.memory_space<vmem>>
      %dma_wait3A_159 = arith.constant 0 : i32
      %dma_wait3A_160 = arith.constant 0 : i32
      %dma_wait3A_161 = tpu.memref_slice %arg2[%dma_wait3A_159, %dma_wait3A_160] : memref<32x1000000xf32, #tpu.memory_space<hbm>> -> memref<32x256xf32, #tpu.memory_space<hbm>>
      %dma_wait3A_162 = arith.constant 0 : i32
      %dma_wait3A_163 = arith.constant 0 : i32
      %dma_wait3A_164 = tpu.memref_slice %arg5[%dma_wait3A_162, %dma_wait3A_163] : memref<32x257xf32, #tpu.memory_space<vmem>> -> memref<32x256xf32, #tpu.memory_space<vmem>>
      %dma_wait3A_165 = arith.constant 0 : i32
      %dma_wait3A_166 = arith.constant 0 : i32
      %dma_wait3A_167 = tpu.memref_slice %arg2[%dma_wait3A_165, %dma_wait3A_166] : memref<32x1000000xf32, #tpu.memory_space<hbm>> -> memref<32x256xf32, #tpu.memory_space<hbm>>
      tpu.wait_dma2 semaphore(%arg9 : memref<!tpu.dma_semaphore, #tpu.memory_space<semaphore_mem>>) src(%dma_wait3A_167 : memref<32x256xf32, #tpu.memory_space<hbm>>) dst(%dma_wait3A_164 : memref<32x256xf32, #tpu.memory_space<vmem>>)
      %dma_wait3A_168 = arith.constant 0 : i32
      %dma_wait3A_169 = arith.constant 0 : i32
      %dma_wait3A_170 = tpu.memref_slice %arg7[%dma_wait3A_168, %dma_wait3A_169] : memref<64x128xf32, #tpu.memory_space<vmem>> -> memref<64x128xf32, #tpu.memory_space<vmem>>
      %dma_wait3A_171 = arith.constant 0 : i32
      %dma_wait3A_172 = arith.constant 0 : i32
      %dma_wait3A_173 = tpu.memref_slice %arg4[%dma_wait3A_171, %dma_wait3A_172] : memref<250000x128xf32, #tpu.memory_space<hbm>> -> memref<64x128xf32, #tpu.memory_space<hbm>>
      %dma_wait3A_174 = arith.constant 0 : i32
      %dma_wait3A_175 = arith.constant 0 : i32
      %dma_wait3A_176 = tpu.memref_slice %arg4[%dma_wait3A_174, %dma_wait3A_175] : memref<250000x128xf32, #tpu.memory_space<hbm>> -> memref<64x128xf32, #tpu.memory_space<hbm>>
      %dma_wait3A_177 = arith.constant 0 : i32
      %dma_wait3A_178 = arith.constant 0 : i32
      %dma_wait3A_179 = tpu.memref_slice %arg7[%dma_wait3A_177, %dma_wait3A_178] : memref<64x128xf32, #tpu.memory_space<vmem>> -> memref<64x128xf32, #tpu.memory_space<vmem>>
      tpu.wait_dma2 semaphore(%arg11 : memref<!tpu.dma_semaphore, #tpu.memory_space<semaphore_mem>>) src(%dma_wait3A_179 : memref<64x128xf32, #tpu.memory_space<vmem>>) dst(%dma_wait3A_176 : memref<64x128xf32, #tpu.memory_space<hbm>>)
      %parallel_loop3A_180 = arith.constant 0 : i32
      %parallel_loop3A_181 = arith.constant 64 : i32
      %parallel_loop3A_182 = arith.constant 1 : i32
      scf.for %parallel_loop3A_197 = %parallel_loop3A_180 to %parallel_loop3A_181 step %parallel_loop3A_182  : i32 {
        %parallel_loop3A_198 = arith.constant 4 : i32
        %parallel_loop3A_199 = arith.muli %parallel_loop3A_198, %parallel_loop3A_197 : i32
        %parallel_loop3A_200 = vector.broadcast %parallel_loop3A_199 : i32 to vector<16xi32>
        %parallel_loop3A_201 = arith.addi %broadcast_in_dim3A_7, %parallel_loop3A_200 : vector<16xi32>
        %parallel_loop3A_202 = arith.constant 0 : i32
        %parallel_loop3A_203 = vector.broadcast %parallel_loop3A_202 : i32 to vector<16xi32>
        %parallel_loop3A_204 = arith.addi %parallel_loop3A_201, %parallel_loop3A_203 : vector<16xi32>
        %parallel_loop3A_205 = arith.constant 1 : i32
        %parallel_loop3A_206 = vector.broadcast %parallel_loop3A_205 : i32 to vector<16xi32>
        %parallel_loop3A_207 = arith.addi %parallel_loop3A_201, %parallel_loop3A_206 : vector<16xi32>
        %parallel_loop3A_208 = arith.constant 2 : i32
        %parallel_loop3A_209 = vector.broadcast %parallel_loop3A_208 : i32 to vector<16xi32>
        %parallel_loop3A_210 = arith.addi %parallel_loop3A_201, %parallel_loop3A_209 : vector<16xi32>
        %parallel_loop3A_211 = arith.constant 3 : i32
        %parallel_loop3A_212 = vector.broadcast %parallel_loop3A_211 : i32 to vector<16xi32>
        %parallel_loop3A_213 = arith.addi %parallel_loop3A_201, %parallel_loop3A_212 : vector<16xi32>
        %parallel_loop3A_214 = tpu.vector_load_idx %arg5[%add3A_3, %parallel_loop3A_204] : memref<32x257xf32, #tpu.memory_space<vmem>>[vector<16xi32>, vector<16xi32>], vector<16xf32>,
        %parallel_loop3A_215 = tpu.vector_load_idx %arg5[%add3A_6, %parallel_loop3A_204] : memref<32x257xf32, #tpu.memory_space<vmem>>[vector<16xi32>, vector<16xi32>], vector<16xf32>,
        %parallel_loop3A_216 = tpu.vector_load_idx %arg5[%add3A_3, %parallel_loop3A_207] : memref<32x257xf32, #tpu.memory_space<vmem>>[vector<16xi32>, vector<16xi32>], vector<16xf32>,
        %parallel_loop3A_217 = tpu.vector_load_idx %arg5[%add3A_6, %parallel_loop3A_207] : memref<32x257xf32, #tpu.memory_space<vmem>>[vector<16xi32>, vector<16xi32>], vector<16xf32>,
        %parallel_loop3A_218 = tpu.vector_load_idx %arg5[%add3A_3, %parallel_loop3A_210] : memref<32x257xf32, #tpu.memory_space<vmem>>[vector<16xi32>, vector<16xi32>], vector<16xf32>,
        %parallel_loop3A_219 = tpu.vector_load_idx %arg5[%add3A_6, %parallel_loop3A_210] : memref<32x257xf32, #tpu.memory_space<vmem>>[vector<16xi32>, vector<16xi32>], vector<16xf32>,
        %parallel_loop3A_220 = tpu.vector_load_idx %arg5[%add3A_3, %parallel_loop3A_213] : memref<32x257xf32, #tpu.memory_space<vmem>>[vector<16xi32>, vector<16xi32>], vector<16xf32>,
        %parallel_loop3A_221 = tpu.vector_load_idx %arg5[%add3A_6, %parallel_loop3A_213] : memref<32x257xf32, #tpu.memory_space<vmem>>[vector<16xi32>, vector<16xi32>], vector<16xf32>,
        %parallel_loop3A_222 = arith.index_cast %parallel_loop3A_197 : i32 to index
        %parallel_loop3A_223 = arith.constant 0 : index
        %parallel_loop3A_224 = tpu.vector_load %arg7[%parallel_loop3A_222, %parallel_loop3A_223] {strides = array<i32>} : memref<64x128xf32, #tpu.memory_space<vmem>>, vector<16xf32>,
        tpu.vector_store %arg7[%parallel_loop3A_222, %parallel_loop3A_223], %parallel_loop3A_214 {strides = array<i32>} : memref<64x128xf32, #tpu.memory_space<vmem>>, vector<16xf32>,
        %parallel_loop3A_225 = arith.index_cast %parallel_loop3A_197 : i32 to index
        %parallel_loop3A_226 = arith.constant 16 : index
        %parallel_loop3A_227 = tpu.vector_load %arg7[%parallel_loop3A_225, %parallel_loop3A_226] {strides = array<i32>} : memref<64x128xf32, #tpu.memory_space<vmem>>, vector<16xf32>,
        tpu.vector_store %arg7[%parallel_loop3A_225, %parallel_loop3A_226], %parallel_loop3A_215 {strides = array<i32>} : memref<64x128xf32, #tpu.memory_space<vmem>>, vector<16xf32>,
        %parallel_loop3A_228 = arith.index_cast %parallel_loop3A_197 : i32 to index
        %parallel_loop3A_229 = arith.constant 32 : index
        %parallel_loop3A_230 = tpu.vector_load %arg7[%parallel_loop3A_228, %parallel_loop3A_229] {strides = array<i32>} : memref<64x128xf32, #tpu.memory_space<vmem>>, vector<16xf32>,
        tpu.vector_store %arg7[%parallel_loop3A_228, %parallel_loop3A_229], %parallel_loop3A_216 {strides = array<i32>} : memref<64x128xf32, #tpu.memory_space<vmem>>, vector<16xf32>,
        %parallel_loop3A_231 = arith.index_cast %parallel_loop3A_197 : i32 to index
        %parallel_loop3A_232 = arith.constant 48 : index
        %parallel_loop3A_233 = tpu.vector_load %arg7[%parallel_loop3A_231, %parallel_loop3A_232] {strides = array<i32>} : memref<64x128xf32, #tpu.memory_space<vmem>>, vector<16xf32>,
        tpu.vector_store %arg7[%parallel_loop3A_231, %parallel_loop3A_232], %parallel_loop3A_217 {strides = array<i32>} : memref<64x128xf32, #tpu.memory_space<vmem>>, vector<16xf32>,
        %parallel_loop3A_234 = arith.index_cast %parallel_loop3A_197 : i32 to index
        %parallel_loop3A_235 = arith.constant 64 : index
        %parallel_loop3A_236 = tpu.vector_load %arg7[%parallel_loop3A_234, %parallel_loop3A_235] {strides = array<i32>} : memref<64x128xf32, #tpu.memory_space<vmem>>, vector<16xf32>,
        tpu.vector_store %arg7[%parallel_loop3A_234, %parallel_loop3A_235], %parallel_loop3A_218 {strides = array<i32>} : memref<64x128xf32, #tpu.memory_space<vmem>>, vector<16xf32>,
        %parallel_loop3A_237 = arith.index_cast %parallel_loop3A_197 : i32 to index
        %parallel_loop3A_238 = arith.constant 80 : index
        %parallel_loop3A_239 = tpu.vector_load %arg7[%parallel_loop3A_237, %parallel_loop3A_238] {strides = array<i32>} : memref<64x128xf32, #tpu.memory_space<vmem>>, vector<16xf32>,
        tpu.vector_store %arg7[%parallel_loop3A_237, %parallel_loop3A_238], %parallel_loop3A_219 {strides = array<i32>} : memref<64x128xf32, #tpu.memory_space<vmem>>, vector<16xf32>,
        %parallel_loop3A_240 = arith.index_cast %parallel_loop3A_197 : i32 to index
        %parallel_loop3A_241 = arith.constant 96 : index
        %parallel_loop3A_242 = tpu.vector_load %arg7[%parallel_loop3A_240, %parallel_loop3A_241] {strides = array<i32>} : memref<64x128xf32, #tpu.memory_space<vmem>>, vector<16xf32>,
        tpu.vector_store %arg7[%parallel_loop3A_240, %parallel_loop3A_241], %parallel_loop3A_220 {strides = array<i32>} : memref<64x128xf32, #tpu.memory_space<vmem>>, vector<16xf32>,
        %parallel_loop3A_243 = arith.index_cast %parallel_loop3A_197 : i32 to index
        %parallel_loop3A_244 = arith.constant 112 : index
        %parallel_loop3A_245 = tpu.vector_load %arg7[%parallel_loop3A_243, %parallel_loop3A_244] {strides = array<i32>} : memref<64x128xf32, #tpu.memory_space<vmem>>, vector<16xf32>,
        tpu.vector_store %arg7[%parallel_loop3A_243, %parallel_loop3A_244], %parallel_loop3A_221 {strides = array<i32>} : memref<64x128xf32, #tpu.memory_space<vmem>>, vector<16xf32>,
      } {sc.loop_unroll_factor = 8 : i64, sc.parallel_access}
      %add3A_183 = arith.constant 3904 : i32
      %add3A_184 = arith.addi %add3A_183, %add3A : i32
      %mul3A_185 = arith.constant 64 : i32
      %mul3A_186 = arith.muli %add3A_184, %mul3A_185 : i32
      %dma_start3A_187 = arith.constant 0 : i32
      %dma_start3A_188 = arith.constant 0 : i32
      %dma_start3A_189 = tpu.memref_slice %arg7[%dma_start3A_187, %dma_start3A_188] : memref<64x128xf32, #tpu.memory_space<vmem>> -> memref<64x128xf32, #tpu.memory_space<vmem>>
      %dma_start3A_190 = arith.constant 0 : i32
      %dma_start3A_191 = tpu.memref_slice %arg4[%mul3A_186, %dma_start3A_190] : memref<250000x128xf32, #tpu.memory_space<hbm>> -> memref<64x128xf32, #tpu.memory_space<hbm>>
      %dma_start3A_192 = arith.constant 0 : i32
      %dma_start3A_193 = tpu.memref_slice %arg4[%mul3A_186, %dma_start3A_192] : memref<250000x128xf32, #tpu.memory_space<hbm>> -> memref<64x128xf32, #tpu.memory_space<hbm>>
      %dma_start3A_194 = arith.constant 0 : i32
      %dma_start3A_195 = arith.constant 0 : i32
      %dma_start3A_196 = tpu.memref_slice %arg7[%dma_start3A_194, %dma_start3A_195] : memref<64x128xf32, #tpu.memory_space<vmem>> -> memref<64x128xf32, #tpu.memory_space<vmem>>
      tpu.enqueue_dma source(%dma_start3A_196 : memref<64x128xf32, #tpu.memory_space<vmem>>) target(%dma_start3A_193 : memref<64x128xf32, #tpu.memory_space<hbm>>) target_semaphore(%arg11 : memref<!tpu.dma_semaphore, #tpu.memory_space<semaphore_mem>>)
    } else {
    }
    %dma_wait3A_128 = arith.constant 0 : i32
    %dma_wait3A_129 = arith.constant 0 : i32
    %dma_wait3A_130 = tpu.memref_slice %arg7[%dma_wait3A_128, %dma_wait3A_129] : memref<64x128xf32, #tpu.memory_space<vmem>> -> memref<64x128xf32, #tpu.memory_space<vmem>>
    %dma_wait3A_131 = arith.constant 0 : i32
    %dma_wait3A_132 = arith.constant 0 : i32
    %dma_wait3A_133 = tpu.memref_slice %arg4[%dma_wait3A_131, %dma_wait3A_132] : memref<250000x128xf32, #tpu.memory_space<hbm>> -> memref<64x128xf32, #tpu.memory_space<hbm>>
    %dma_wait3A_134 = arith.constant 0 : i32
    %dma_wait3A_135 = arith.constant 0 : i32
    %dma_wait3A_136 = tpu.memref_slice %arg4[%dma_wait3A_134, %dma_wait3A_135] : memref<250000x128xf32, #tpu.memory_space<hbm>> -> memref<64x128xf32, #tpu.memory_space<hbm>>
    %dma_wait3A_137 = arith.constant 0 : i32
    %dma_wait3A_138 = arith.constant 0 : i32
    %dma_wait3A_139 = tpu.memref_slice %arg7[%dma_wait3A_137, %dma_wait3A_138] : memref<64x128xf32, #tpu.memory_space<vmem>> -> memref<64x128xf32, #tpu.memory_space<vmem>>
    tpu.wait_dma2 semaphore(%arg11 : memref<!tpu.dma_semaphore, #tpu.memory_space<semaphore_mem>>) src(%dma_wait3A_139 : memref<64x128xf32, #tpu.memory_space<vmem>>) dst(%dma_wait3A_136 : memref<64x128xf32, #tpu.memory_space<hbm>>)
    %dma_wait3A_140 = arith.constant 0 : i32
    %dma_wait3A_141 = arith.constant 0 : i32
    %dma_wait3A_142 = tpu.memref_slice %arg8[%dma_wait3A_140, %dma_wait3A_141] : memref<64x128xf32, #tpu.memory_space<vmem>> -> memref<64x128xf32, #tpu.memory_space<vmem>>
    %dma_wait3A_143 = arith.constant 0 : i32
    %dma_wait3A_144 = arith.constant 0 : i32
    %dma_wait3A_145 = tpu.memref_slice %arg4[%dma_wait3A_143, %dma_wait3A_144] : memref<250000x128xf32, #tpu.memory_space<hbm>> -> memref<64x128xf32, #tpu.memory_space<hbm>>
    %dma_wait3A_146 = arith.constant 0 : i32
    %dma_wait3A_147 = arith.constant 0 : i32
    %dma_wait3A_148 = tpu.memref_slice %arg4[%dma_wait3A_146, %dma_wait3A_147] : memref<250000x128xf32, #tpu.memory_space<hbm>> -> memref<64x128xf32, #tpu.memory_space<hbm>>
    %dma_wait3A_149 = arith.constant 0 : i32
    %dma_wait3A_150 = arith.constant 0 : i32
    %dma_wait3A_151 = tpu.memref_slice %arg8[%dma_wait3A_149, %dma_wait3A_150] : memref<64x128xf32, #tpu.memory_space<vmem>> -> memref<64x128xf32, #tpu.memory_space<vmem>>
    tpu.wait_dma2 semaphore(%arg12 : memref<!tpu.dma_semaphore, #tpu.memory_space<semaphore_mem>>) src(%dma_wait3A_151 : memref<64x128xf32, #tpu.memory_space<vmem>>) dst(%dma_wait3A_148 : memref<64x128xf32, #tpu.memory_space<hbm>>)
    %eq3A = arith.constant 0 : i32
    %eq3A_152 = arith.cmpi eq, %add3A, %eq3A : i32
    %convert_element_type3A_153 = arith.extui %eq3A_152 : i1 to i32
    %cond3A_154 = arith.constant 0 : i32
    %cond3A_155 = arith.cmpi ne, %convert_element_type3A_153, %cond3A_154 : i32
    scf.if %cond3A_155 {
      "tpu.region"() ({
        %run_scoped3A = tpu.sem_alloc : memref<!tpu.dma_semaphore, #tpu.memory_space<semaphore_mem>>
        %dma_start3A_156 = arith.constant 0 : i32
        %dma_start3A_157 = arith.constant 0 : i32
        %dma_start3A_158 = tpu.memref_slice %arg7[%dma_start3A_156, %dma_start3A_157] : memref<64x128xf32, #tpu.memory_space<vmem>> -> memref<16x128xf32, #tpu.memory_space<vmem>>
        %dma_start3A_159 = arith.constant 0 : i32
        %dma_start3A_160 = arith.constant 0 : i32
        %dma_start3A_161 = tpu.memref_slice %arg7[%dma_start3A_159, %dma_start3A_160] : memref<64x128xf32, #tpu.memory_space<vmem>> -> memref<16x128xf32, #tpu.memory_space<vmem>>
        tpu.enqueue_dma source(%arg3 : memref<16x128xf32, #tpu.memory_space<hbm>>) target(%dma_start3A_161 : memref<16x128xf32, #tpu.memory_space<vmem>>) target_semaphore(%run_scoped3A : memref<!tpu.dma_semaphore, #tpu.memory_space<semaphore_mem>>)
        %dma_wait3A_162 = arith.constant 0 : i32
        %dma_wait3A_163 = arith.constant 0 : i32
        %dma_wait3A_164 = tpu.memref_slice %arg7[%dma_wait3A_162, %dma_wait3A_163] : memref<64x128xf32, #tpu.memory_space<vmem>> -> memref<16x128xf32, #tpu.memory_space<vmem>>
        %dma_wait3A_165 = arith.constant 0 : i32
        %dma_wait3A_166 = arith.constant 0 : i32
        %dma_wait3A_167 = tpu.memref_slice %arg7[%dma_wait3A_165, %dma_wait3A_166] : memref<64x128xf32, #tpu.memory_space<vmem>> -> memref<16x128xf32, #tpu.memory_space<vmem>>
        tpu.wait_dma2 semaphore(%run_scoped3A : memref<!tpu.dma_semaphore, #tpu.memory_space<semaphore_mem>>) src(%arg3 : memref<16x128xf32, #tpu.memory_space<hbm>>) dst(%dma_wait3A_167 : memref<16x128xf32, #tpu.memory_space<vmem>>)
        tpu.yield
      }) : () -> ()
      "tpu.region"() ({
        %run_scoped3A = tpu.sem_alloc : memref<!tpu.dma_semaphore, #tpu.memory_space<semaphore_mem>>
        %dma_start3A_156 = arith.constant 0 : i32
        %dma_start3A_157 = arith.constant 0 : i32
        %dma_start3A_158 = tpu.memref_slice %arg7[%dma_start3A_156, %dma_start3A_157] : memref<64x128xf32, #tpu.memory_space<vmem>> -> memref<16x128xf32, #tpu.memory_space<vmem>>
        %dma_start3A_159 = arith.constant 249984 : i32
        %dma_start3A_160 = arith.constant 0 : i32
        %dma_start3A_161 = tpu.memref_slice %arg4[%dma_start3A_159, %dma_start3A_160] : memref<250000x128xf32, #tpu.memory_space<hbm>> -> memref<16x128xf32, #tpu.memory_space<hbm>>
        %dma_start3A_162 = arith.constant 249984 : i32
        %dma_start3A_163 = arith.constant 0 : i32
        %dma_start3A_164 = tpu.memref_slice %arg4[%dma_start3A_162, %dma_start3A_163] : memref<250000x128xf32, #tpu.memory_space<hbm>> -> memref<16x128xf32, #tpu.memory_space<hbm>>
        %dma_start3A_165 = arith.constant 0 : i32
        %dma_start3A_166 = arith.constant 0 : i32
        %dma_start3A_167 = tpu.memref_slice %arg7[%dma_start3A_165, %dma_start3A_166] : memref<64x128xf32, #tpu.memory_space<vmem>> -> memref<16x128xf32, #tpu.memory_space<vmem>>
        tpu.enqueue_dma source(%dma_start3A_167 : memref<16x128xf32, #tpu.memory_space<vmem>>) target(%dma_start3A_164 : memref<16x128xf32, #tpu.memory_space<hbm>>) target_semaphore(%run_scoped3A : memref<!tpu.dma_semaphore, #tpu.memory_space<semaphore_mem>>)
        %dma_wait3A_168 = arith.constant 0 : i32
        %dma_wait3A_169 = arith.constant 0 : i32
        %dma_wait3A_170 = tpu.memref_slice %arg7[%dma_wait3A_168, %dma_wait3A_169] : memref<64x128xf32, #tpu.memory_space<vmem>> -> memref<16x128xf32, #tpu.memory_space<vmem>>
        %dma_wait3A_171 = arith.constant 249984 : i32
        %dma_wait3A_172 = arith.constant 0 : i32
        %dma_wait3A_173 = tpu.memref_slice %arg4[%dma_wait3A_171, %dma_wait3A_172] : memref<250000x128xf32, #tpu.memory_space<hbm>> -> memref<16x128xf32, #tpu.memory_space<hbm>>
        %dma_wait3A_174 = arith.constant 249984 : i32
        %dma_wait3A_175 = arith.constant 0 : i32
        %dma_wait3A_176 = tpu.memref_slice %arg4[%dma_wait3A_174, %dma_wait3A_175] : memref<250000x128xf32, #tpu.memory_space<hbm>> -> memref<16x128xf32, #tpu.memory_space<hbm>>
        %dma_wait3A_177 = arith.constant 0 : i32
        %dma_wait3A_178 = arith.constant 0 : i32
        %dma_wait3A_179 = tpu.memref_slice %arg7[%dma_wait3A_177, %dma_wait3A_178] : memref<64x128xf32, #tpu.memory_space<vmem>> -> memref<16x128xf32, #tpu.memory_space<vmem>>
        tpu.wait_dma2 semaphore(%run_scoped3A : memref<!tpu.dma_semaphore, #tpu.memory_space<semaphore_mem>>) src(%dma_wait3A_179 : memref<16x128xf32, #tpu.memory_space<vmem>>) dst(%dma_wait3A_176 : memref<16x128xf32, #tpu.memory_space<hbm>>)
        tpu.yield
      }) : () -> ()
    } else {
    }
    return
  }
}

</mosaic_0001>

<sc_bundles>
// kernel: _transpose_table.3.cloned.1.call-start
scs
__scs_entry_jumppad:
0x0: {  	(pc) =	sbr.rel $0x88, $3  }
0x1: {  	(tag) =	ssettag $0x0;
	lr =	simm.s32 $0x1  }
0x2: {  	[smem:$0x3F9F] =	sst lr;
	_ =	strace $0xD0000000  }
0x3: {  	_ = 	snop  }
0x4: {  	_ = 	snop  }
0x5: {  	_ = 	snop  }
0x6: {  	_ = 	snop  }
0x7: {  	_ = 	snop  }
__scs_overlays_trampoline_lowered:
0x8: {  	[smem:$0x3FAE] =	sst s0  }
0x9: {  	[smem:$0x3FAF] =	sst s1  }
0xa: {  	[smem:$0x3FB0] =	sst s2  }
0xb: {  	[smem:$0x3FB1] =	sst s3  }
0xc: {  	[smem:$0x3FB2] =	sst s4  }
0xd: {  	[smem:$0x3FB3] =	sst s5  }
0xe: {  	[smem:$0x3FB4] =	sst s6  }
0xf: {  	[smem:$0x3FB5] =	sst s7  }
0x10: {  	[smem:$0x3FB6] =	sst s8  }
0x11: {  	[smem:$0x3FB7] =	sst s9;
	s0 =	simm.s32 @!p0 $0x0  }
0x12: {  	s1 =	sld [smem:$0x3F9D];
	s0 =	simm.s32 @p0 $0x1  }
0x13: {  	[smem:$0x3FB8] =	sst s0;
	s0 =	simm.s32 @!p1 $0x0  }
0x14: {  	s2 =	sld [smem:$0x3F9C];
	s0 =	simm.s32 @p1 $0x1  }
0x15: {  	[smem:$0x3FB9] =	sst s0;
	s0 =	simm.s32 @!p2 $0x0  }
0x16: {  	s3 =	sld [smem:$0x3FDB];
	s0 =	simm.s32 @p2 $0x1  }
0x17: {  	s4 =	simm.s32 $0x1BF5;
	[smem:$0x3FBB] =	sst s0  }
0x18: {  	s0 =	sld [smem:$0x3F9E];
	_ =	swait.ge [sflag:s4], $0x0  }
0x19: {  	s7 =	sld [smem:$0x3F9F]  }
0x1a: {  	s8 =	sadd.s32 $0xFFFFE003, lr  }
0x1b: {  	s9 =	sadd.s32 $0xFFFFFEF7, lr;
	s5 =	simm.s32 $0xFFFFFFFF;
	p2 =	slt.u32 s8, $0xFFFFF086  }
0x1c: {  	p1 =	slt.u32 s9, $0xF7A;
	s5 =	simm.s32 @!p2 $0x0  }
0x1d: {  	s5 =	simm.s32 @p1 $0x1;
	p0 =	seq.s32 s7, s2  }
0x1e: {  	s7 =	smul.u32 @!p0 $0xF7A, s2;
	p2 =	seq.s32 @!p0 s5, $0x0  }
0x1f: {  	s9 =	smul.u32 $0xF7A, s1;
	s8 =	simm.s32 @!p0 $0x1BF5;
	p2 =	por !p2, p0  }
0x20: {  	[sflag:s8] =	ssyncset.s32 @!p0 $0xFFFFF086;
	s6 =	sadd.s32 @!p0 s3, s7;
	s7 =	simm.s32 @!p0 $0x108  }
0x21: {  	s3 =	sadd.s32 s3, s9;
	s6 =	sadd.s32 @!p0 $0x88, s6;
	s7 =	simm.s32 @p2 $0x1082  }
0x22: {  	[simem:s7], [sflag:s8] =	dma.local @!p0 [hbm:s6], $0xF7A  }
0x23: {  	s9 =	sor.u32 $0xD0000000, s2;
	s6 =	simm.s32 $0x108;
	_ =	swait.ge @!p0 [sflag:s8], $0x0  }
0x24: {  	s3 =	sadd.s32 $0x88, s3;
	s6 =	simm.s32 @!p1 $0x1082;
	[sflag:s4] =	ssyncset.s32 $0xFFFFF086  }
0x25: {  	[simem:s6], [sflag:s4] =	dma.local [hbm:s3], $0xF7A  }
0x26: {  	[smem:$0x3F9F] =	sst s1;
	(tag) =	ssettag s2;
	_ =	strace s9  }
0x27: {  	s1 =	sld [smem:$0x3FAF]  }
0x28: {  	s2 =	sld [smem:$0x3FB0]  }
0x29: {  	s4 =	sld [smem:$0x3FB2]  }
0x2a: {  	p0 =	seq.s32 s5, $0x0;
	s5 =	sld [smem:$0x3FB3]  }
0x2b: {  	s6 =	sld [smem:$0x3FB4]  }
0x2c: {  	s7 =	sld [smem:$0x3FB5]  }
0x2d: {  	s3 =	simm.s32 $0x108;
	s8 =	sld [smem:$0x3FB6]  }
0x2e: {  	s3 =	simm.s32 @!p0 $0x1082;
	s9 =	sld [smem:$0x3FB7]  }
0x2f: {  	lr =	sadd.s32 s0, s3;
	s0 =	sld [smem:$0x3FAE]  }
0x30: {  	s3 =	sld [smem:$0x3FB1]  }
0x31: {  	[smem:$0x3FBA] =	sst s10  }
0x32: {  	s10 =	sld [smem:$0x3FB8];
	_ =	sdelay $0x3  }
0x33: {  	p0 =	seq.s32 s10, $0x1;
	s10 =	sld [smem:$0x3FBA];
	_ =	sdelay $0x3  }
0x34: {  	[smem:$0x3FBA] =	sst s10  }
0x35: {  	s10 =	sld [smem:$0x3FB9];
	_ =	sdelay $0x3  }
0x36: {  	p1 =	seq.s32 s10, $0x1;
	s10 =	sld [smem:$0x3FBA];
	_ =	sdelay $0x3  }
0x37: {  	[smem:$0x3FBA] =	sst s10  }
0x38: {  	s10 =	sld [smem:$0x3FBB]  }
0x39: {  	_ = 	snop;
	(pc) =	sbr.ind lr, $3  }
0x3a: {  	_ = 	snop  }
0x3b: {  	_ = 	snop  }
0x3c: {  	p2 =	seq.s32 s10, $0x1;
	s10 =	sld [smem:$0x3FBA]  }
0x3d: {  	_ =	shalt  }
0x3e: {  	_ =	shalt  }
0x3f: {  	_ =	shalt  }
0x40: {  	_ =	shalt  }
0x41: {  	_ =	shalt  }
0x42: {  	_ =	shalt  }
0x43: {  	_ =	shalt  }
0x44: {  	_ =	shalt  }
0x45: {  	_ =	shalt  }
0x46: {  	_ =	shalt  }
0x47: {  	_ =	shalt  }
0x48: {  	_ =	shalt  }
0x49: {  	_ =	shalt  }
0x4a: {  	_ =	shalt  }
0x4b: {  	_ =	shalt  }
0x4c: {  	_ =	shalt  }
0x4d: {  	_ =	shalt  }
0x4e: {  	_ =	shalt  }
0x4f: {  	_ =	shalt  }
0x50: {  	_ =	shalt  }
0x51: {  	_ =	shalt  }
0x52: {  	_ =	shalt  }
0x53: {  	_ =	shalt  }
0x54: {  	_ =	shalt  }
0x55: {  	_ =	shalt  }
0x56: {  	_ =	shalt  }
0x57: {  	_ =	shalt  }
0x58: {  	_ =	shalt  }
0x59: {  	_ =	shalt  }
0x5a: {  	_ =	shalt  }
0x5b: {  	_ =	shalt  }
0x5c: {  	_ =	shalt  }
0x5d: {  	_ =	shalt  }
0x5e: {  	_ =	shalt  }
0x5f: {  	_ =	shalt  }
0x60: {  	_ =	shalt  }
0x61: {  	_ =	shalt  }
0x62: {  	_ =	shalt  }
0x63: {  	_ =	shalt  }
0x64: {  	_ =	shalt  }
0x65: {  	_ =	shalt  }
0x66: {  	_ =	shalt  }
0x67: {  	_ =	shalt  }
0x68: {  	_ =	shalt  }
0x69: {  	_ =	shalt  }
0x6a: {  	_ =	shalt  }
0x6b: {  	_ =	shalt  }
0x6c: {  	_ =	shalt  }
0x6d: {  	_ =	shalt  }
0x6e: {  	_ =	shalt  }
0x6f: {  	_ =	shalt  }
0x70: {  	_ =	shalt  }
0x71: {  	_ =	shalt  }
0x72: {  	_ =	shalt  }
0x73: {  	_ =	shalt  }
0x74: {  	_ =	shalt  }
0x75: {  	_ =	shalt  }
0x76: {  	_ =	shalt  }
0x77: {  	_ =	shalt  }
0x78: {  	_ =	shalt  }
0x79: {  	_ =	shalt  }
0x7a: {  	_ =	shalt  }
0x7b: {  	_ =	shalt  }
0x7c: {  	_ =	shalt  }
0x7d: {  	_ =	shalt  }
0x7e: {  	_ =	shalt  }
0x7f: {  	_ =	shalt  }
0x80: {  	_ =	shalt  }
0x81: {  	_ =	shalt  }
0x82: {  	_ =	shalt  }
0x83: {  	_ =	shalt  }
0x84: {  	_ =	shalt  }
0x85: {  	_ =	shalt  }
0x86: {  	_ =	shalt  }
0x87: {  	_ =	shalt  }
.Lfunc_end0:
.L_simem_size_0:
called_computation_lowered:
.L_overlay_start_0:
0x88: {  	s2 =	sld [smem:$0x3FD9]  }
0x89: {  	s3 =	sld [smem:$0x3FFE];
	_ =	sdelay $0x1  }
0x8a: {  	s1 =	srdreg.scid  }
0x8b: {  	s0 =	sand.u32 $0x1, s1  }
0x8c: {  	s18 =	sshll.u32 s0, $0xA;
	s2 =	sadd.s32 s3, s2  }
0x8d: {  	s2 =	sadd.s32 s2, s18  }
0x8e: {  	[smem:$0x3FC6] =	sst s2  }
0x8f: {  	_ = 	snop  }
0x90: {  	s2 =	sld [smem:$0x3FC9]  }
0x91: {  	s19 =	sld [smem:$0x3FC8]  }
0x92: {  	s4 =	sld [smem:$0x3FD0];
	(tm) =	ssettm $0x1  }
0x93: {  	s5 =	sld [smem:$0x3FFB];
	_ =	sdelay $0x3  }
0x94: {  	_ =	strace s5  }
0x95: {  	s5 =	sld [smem:$0x3FFC];
	_ =	sdelay $0x3  }
0x96: {  	_ =	strace s5  }
0x97: {  	s5 =	sld [smem:$0x3FFD];
	_ =	sdelay $0x3  }
0x98: {  	_ =	strace s5  }
0x99: {  	_ =	strace $0x8FFFFFFF  }
0x9a: {  	s20 =	sld [smem:$0x3FDB];
	_ =	sdelay $0x1  }
0x9b: {  	s6 =	simm.s32 $_scs_section_size  }
0x9c: {  	s7 =	simm.s32 $_size__tile_overlayer_lowered;
	s8 =	simm.s32 $_tile_overlayer_lowered  }
0x9d: {  	s23 =	simm.s32 $0x1BFF;
	s22 =	sshll.u32 s8, $0x1;
	s5 =	sadd.s32 s6, s20  }
0x9e: {  	s9 =	simm.s32 $0x0;
	s21 =	sshll.u32 s7, $0x1;
	s7 =	sadd.s32 s22, s5  }
0x9f: {  	[timem:s9], [sflag:s23] =	dma.local [hbm:s7], s21  }
0xa0: {  	_ =	swait.ge [sflag:s23], s21  }
0xa1: {  	s6 =	ssub.s32 $0x0, s21;
	[sflag:s23] =	ssyncset.done $0x0  }
0xa2: {  	[sflag:s23] =	ssyncadd.s32 s6;
	_ =	sdelay $0x1  }
0xa3: {  	s24 =	simm.s32 $0x1B8B  }
0xa4: {  	_ =	swait.ge [sflag:s24], $0x1  }
0xa5: {  	[sflag:s24] =	ssyncset.done $0x0  }
0xa6: {  	s25 =	simm.s32 $0x1B8E;
	[sflag:s24] =	ssyncadd.s32 $0xFFFFFFFF  }
0xa7: {  	s26 =	simm.s32 $execute0_lowered;
	[smem:$0x3FD2] =	sst s25  }
0xa8: {  	s6 =	sshll.u32 s26, $0x1;
	_ =	strace $0x80000046;
	[dreg:$0x1] =	wrdreg $0xFFFFFFFF  }
0xa9: {  	s28 =	simm.s32 $_size_execute0_lowered;
	s5 =	sadd.s32 s5, s6;
	[dreg:$0x0] =	wrdreg $0x0  }
0xaa: {  	s6 =	sshll.u32 s28, $0x1;
	[dreg:$0x2] =	wrdreg s5  }
0xab: {  	[dreg:$0x3] =	wrdreg s6  }
0xac: {  	[dreg:$0x4] =	wrdreg $0xC0  }
0xad: {  	_ =	task [dreg:s9], $0x5FFFF  }
0xae: {  	[dreg:$0x1] =	wrdreg $0xFFFFFFFF  }
0xaf: {  	[dreg:$0x0] =	wrdreg $0x60  }
0xb0: {  	[dreg:$0x2] =	wrdreg s2  }
0xb1: {  	[dreg:$0x3] =	wrdreg s19  }
0xb2: {  	[dreg:$0x4] =	wrdreg s4  }
0xb3: {  	[dreg:$0x5] =	wrdreg $0x9  }
0xb4: {  	_ =	task.clear_ibuf [dreg:s9], $0x6FFFF;
	_ =	strace $0x90000046  }
0xb5: {  	s29 =	simm.s32 $0x9;
	_ =	strace $0x80000048  }
0xb6: {  	_ =	swait.ge [sflag:s29], $0x1  }
0xb7: {  	[sflag:s29] =	ssyncadd.s32 $0xFFFFFFFF  }
0xb8: {  	_ =	strace $0x90000048  }
0xb9: {  	_ =	sfence  }
0xba: {  	s30 =	sld [smem:$0x0];
	_ =	sdelay $0x2  }
0xbb: {  	s31 =	sshll.u32 s1, $0xD;
	s1 =	sshrl.u32 s1, $0x2  }
0xbc: {  	s3 =	sand.u32 $0x4000, s31;
	s1 =	sadd.s32 s1, s30  }
0xbd: {  	s0 =	sor.u32 s3, s0;
	s1 =	sshll.u32 s1, $0x11  }
0xbe: {  	s0 =	sor.u32 s1, s0  }
0xbf: {  	s0 =	sadd.s32 $0x8F2B, s0  }
0xc0: {  	[sflag:s0] =	ssyncadd.remote.s32 $0x1  }
0xc1: {  	_ =	sfence.sel $0xFFFF  }
0xc2: {  	[dreg:$0x0] =	wrdreg $0xFFFFFFFF;
	(pc) =	sbr.abs _section_cstart, $3  }
0xc3: {  	[dreg:$0x1] =	wrdreg $0xFFFFFFFF  }
0xc4: {  	_ =	task.clear_ibuf [dreg:s9], $0x2FFFF;
	_ =	strace $0x9FFFFFFF  }
0xc5: {  	(tm) =	ssettm $0x7FFFFFFF  }
tec
execute0_lowered:
.L_overlay_start_1:
0x0: {  	(tag) =	ssettag $0x1  }
0x1: {  	s1 =	rddreg [dreg:$0x0]  }
0x2: {  	s3 =	rddreg [dreg:$0x2]  }
0x3: {  	s2 =	srdreg.scid;
	s0 =	stileid.u32;
	s4 =	simm.s32 $0x0  }
0x4: {  	s28 =	simm.s32 $0x3000;
	s16 =	simm.s32 $0x6000;
	s29 =	simm.s32 $0x0  }
0x5: {  	vm0 =	vcmask $0x300;
	v1 =	vimm.s32 $0x2780;
	s2 =	sand.u32 $0x1, s2;
	s5 =	sshll.u32 s0, $0x1;
	[smem:$0x7FF] =	sst s4  }
0x6: {  	v0 =	vimm.s32 $0xF80;
	vm1 =	vcmask $0x704;
	v1 =	vsel vm0, $0x1800, v1;
	s14 =	sadd.s32 $0x8000, s3;
	s15 =	sadd.s32 $0x3D0800, s3;
	p0 =	sne.s32 s0, $0x0  }
0x7: {  	vm15 =	vcmask $0xB08;
	v0 =	vsel vm0, $0x0, v0;
	s0 =	simm.s32 $0x1;
	s6 =	ssub.s32 $0x2, s2;
	s2 =	sor.u32 s2, s5;
	v1 =	vsel vm1, $0x1880, v1  }
0x8: {  	vm4 =	vcmask $0xF0C;
	_ =	strace $0x80000047;
	v0 =	vsel vm1, $0x80, v0;
	[dreg:$0x5] =	wrdreg s15;
	s20 =	sshrl.u32 s6, $0x1;
	v1 =	vsel vm15, $0x1900, v1  }
0x9: {  	vm5 =	vcmask $0x1310;
	s10 =	sor.u32 $0x20, s2;
	s21 =	sshll.u32 s2, $0x8;
	v0 =	vsel vm15, $0x100, v0;
	s7 =	sshll.u32 s2, $0xA;
	v1 =	vsel vm4, $0x1980, v1  }
0xa: {  	vm6 =	vcmask $0x1714;
	s13 =	sor.u32 $0x60, s2;
	p1 =	sne.s32 s2, $0x0;
	s11 =	ssub.s32 s6, s20;
	v0 =	vsel vm4, $0x180, v0;
	v1 =	vsel vm5, $0x1A00, v1  }
0xb: {  	vm7 =	vcmask $0x1B18;
	s22 =	sshll.u32 s10, $0x8;
	s5 =	sadd.s32 s1, s21;
	s9 =	sadd.s32 s3, s7;
	v0 =	vsel vm5, $0x200, v0;
	v1 =	vsel vm6, $0x1A80, v1  }
0xc: {  	vm8 =	vcmask $0x1F1C;
	s12 =	sshll.u32 s10, $0xA;
	s20 =	simm.s32 $0xC00;
	s21 =	simm.s32 $0x1800;
	v0 =	vsel vm6, $0x280, v0;
	v1 =	vsel vm7, $0x1B00, v1  }
0xd: {  	vm9 =	vcmask $0x2320;
	s6 =	sadd.s32 s1, s22;
	s8 =	sadd.s32 $0x4000, s5;
	s12 =	sadd.s32 s3, s12;
	v0 =	vsel vm7, $0x300, v0;
	v1 =	vsel vm8, $0x1B80, v1  }
0xe: {  	vm10 =	vcmask $0x2724;
	s10 =	sadd.s32 $0x6000, s5;
	s23 =	sadd.s32 $0x3D0000, s9;
	[dreg:$0x4] =	wrdreg s12;
	v0 =	vsel vm8, $0x380, v0;
	v1 =	vsel vm9, $0x2400, v1  }
0xf: {  	vm11 =	vcmask $0x2B28;
	s11 =	smax.u32 s11, $0x1;
	s24 =	sadd.s32 $0x2DC780, s5;
	[dreg:$0x6] =	wrdreg s23;
	v0 =	vsel vm9, $0xC00, v0;
	v1 =	vsel vm10, $0x2480, v1  }
0x10: {  	vm12 =	vcmask $0x2F2C;
	s25 =	sadd.s32 $0xF4280, s5;
	s26 =	sadd.s32 $0x1E8500, s5;
	[dreg:$0x7] =	wrdreg s11;
	v0 =	vsel vm10, $0xC80, v0;
	v1 =	vsel vm11, $0x2500, v1  }
.Ltmp0:
0x11: {  	vm13 =	vcmask $0x3330;
	s22 =	simm.s32 $0x2400;
	[dreg:$0x8] =	wrdreg s24;
	v0 =	vsel vm11, $0xD00, v0;
	v1 =	vsel vm12, $0x2580, v1;
	(pc) =	sbr.rel .LBB2_1-.Ltmp0, $4  }
0x12: {  	vm14 =	vcmask $0x3734;
	s12 =	sor.u32 $0x40, s2;
	[dreg:$0x9] =	wrdreg s25;
	s30 =	sadd.s32 $0x1E8500, s6;
	v0 =	vsel vm12, $0xD80, v0;
	v1 =	vsel vm13, $0x2600, v1  }
0x13: {  	vm15 =	vcmask $0x3B38;
	[dreg:$0xa] =	wrdreg s26;
	s31 =	sadd.s32 $0xF4280, s6;
	s23 =	sadd.s32 $0x2DC780, s6;
	v0 =	vsel vm13, $0xE00, v0;
	v1 =	vsel vm14, $0x2680, v1  }
0x14: {  	s2 =	simm.s32 $0x2;
	s24 =	simm.s32 $0x8000;
	[dreg:$0xb] =	wrdreg s30;
	v0 =	vsel vm14, $0xE80, v0;
	v1 =	vsel vm15, $0x2700, v1  }
0x15: {  	s25 =	simm.s32 $0x3;
	s26 =	simm.s32 $0x4;
	[dreg:$0xc] =	wrdreg s31;
	v0 =	vsel vm15, $0xF00, v0;
	[tilespmem:$0x1FFF0] =	vst v1  }
.LBB2_15:
0x16: {  	_ =	swait.ge [sflag:s25], $0x2000  }
0x17: {  	[sflag:s25] =	ssyncset.done $0x0  }
0x18: {  	[sflag:s25] =	ssyncadd.s32 $0xFFFFE000  }
0x19: {  	_ =	swait.ge [sflag:s26], $0x2000  }
0x1a: {  	[sflag:s26] =	ssyncset.done $0x0  }
0x1b: {  	[sflag:s26] =	ssyncadd.s32 $0xFFFFE000  }
0x1c: {  	s11 =	simm.s32 @!p1 $0x0;
	s15 =	simm.s32 @!p1 $0x6000;
	s17 =	rddreg [dreg:$0x1]  }
0x1d: {  	[tilespmem:s15], [sflag:$0x5] =	stream.linear.gather @!p1 [hbm4b:s17+s11], $0x800, $0x38;
	[tilespmem:$0xA000] =	vst v63  }
0x1e: {  	s17 =	simm.s32 @!p1 $0x5  }
0x1f: {  	_ =	swait.ge @!p1 [sflag:s17], $0x800  }
0x20: {  	[sflag:s17] =	ssyncset.done @!p1 $0x0  }
0x21: {  	s18 =	rddreg [dreg:$0x5];
	[sflag:s17] =	ssyncadd.s32 @!p1 $0xFFFFF800  }
0x22: {  	[hbm4b:s18+s11] =	stream.linear.scatter @!p1 [tilespmem:s15], [sflag:$0x5], $0x800, $0x38;
	[tilespmem:$0xA000] =	vst v63  }
0x23: {  	_ =	swait.ge @!p1 [sflag:s17], $0x800  }
0x24: {  	s29 =	sadd.s32 $0x1, s29;
	s31 =	rddreg [dreg:$0x7]  }
0x25: {  	p2 =	sne.s32 s29, s31  }
.Ltmp1:
0x26: {  	_ = 	snop;
	(pc) =	sbr.rel @!p2 .LBB2_16-.Ltmp1, $3  }
0x27: {  	_ =	sdelay $0x1  }
0x28: {  	[sflag:s17] =	ssyncset.done @!p1 $0x0  }
0x29: {  	s20 =	simm.s32 $0xC00;
	s21 =	simm.s32 $0x1800;
	[sflag:s17] =	ssyncadd.s32 @!p1 $0xFFFFF800  }
.LBB2_1:
0x2a: {  	[tilespmem:s4], [sflag:$0x1] =	stream.linear.gather [hbm4b:s5+s4], $0x800, $0x38;
	[tilespmem:$0xA000] =	vst v63  }
0x2b: {  	s11 =	rddreg [dreg:$0x9]  }
0x2c: {  	[tilespmem:s20], [sflag:$0x1] =	stream.linear.gather [hbm4b:s11+s4], $0x800, $0x38;
	[tilespmem:$0xA000] =	vst v63  }
0x2d: {  	s31 =	rddreg [dreg:$0xa]  }
0x2e: {  	[tilespmem:s21], [sflag:$0x1] =	stream.linear.gather [hbm4b:s31+s4], $0x800, $0x38;
	[tilespmem:$0xA000] =	vst v63  }
0x2f: {  	s15 =	rddreg [dreg:$0x8]  }
0x30: {  	[tilespmem:s22], [sflag:$0x1] =	stream.linear.gather [hbm4b:s15+s4], $0x800, $0x38;
	[tilespmem:$0xA000] =	vst v63  }
0x31: {  	s17 =	simm.s32 $0x1C  }
0x32: {  	[tilespmem:s28], [sflag:$0x2] =	stream.linear.gather [hbm4b:s6+s4], $0x800, $0x38;
	[tilespmem:$0xA000] =	vst v63  }
0x33: {  	s18 =	rddreg [dreg:$0xc];
	v2 =	vmov s17;
	s15 =	simm.s32 $0x3C00  }
0x34: {  	v3 =	vshll.u32 v2, $0x3;
	[tilespmem:s15], [sflag:$0x2] =	stream.linear.gather [hbm4b:s18+s4], $0x800, $0x38;
	[tilespmem:$0xA000] =	vst v63  }
0x35: {  	s19 =	rddreg [dreg:$0xb];
	s30 =	simm.s32 $0x4800;
	v3 =	vand.u32 $0x400, v3  }
0x36: {  	v2 =	vand.u32 $0x7C, v2;
	v4 =	vadd.s32 v0, v3;
	[tilespmem:s30], [sflag:$0x2] =	stream.linear.gather [hbm4b:s19+s4], $0x800, $0x38;
	[tilespmem:$0xA000] =	vst v63  }
0x37: {  	s17 =	simm.s32 $0x8;
	v6 =	vor.u32 $0x3, v2;
	v3 =	vadd.s32 v1, v3;
	s31 =	simm.s32 $0x5400;
	v5 =	vor.u32 v2, v4  }
0x38: {  	v7 =	vor.u32 v6, v3;
	[tilespmem:s31], [sflag:$0x2] =	stream.linear.gather [hbm4b:s23+s4], $0x800, $0x38;
	[tilespmem:$0xA000] =	vst v63  }
0x39: {  	v18 =	vmov s17;
	v9 =	vor.u32 $0x1, v2;
	v8 =	vor.u32 v2, v3;
	_ =	swait.ge [sflag:s0], $0x2000  }
0x3a: {  	v20 =	vshll.u32 v18, $0x3;
	v10 =	vor.u32 v9, v4;
	s15 =	simm.s32 $0x4;
	[sflag:s0] =	ssyncset.done $0x0  }
0x3b: {  	v9 =	vor.u32 v9, v3;
	v2 =	vor.u32 $0x2, v2;
	v11 =	vmov s15;
	[sflag:s0] =	ssyncadd.s32 $0xFFFFE000  }
0x3c: {  	v18 =	vand.u32 $0x68, v18;
	v13 =	vor.u32 v2, v4;
	v12 =	vshll.u32 v11, $0x3;
	v5 =	vld.idx.msk [tilespmem:v5+s4+$0x0], $0xffff  }
0x3d: {  	v20 =	vand.u32 $0x400, v20;
	v2 =	vor.u32 v2, v3;
	v12 =	vand.u32 $0x400, v12;
	v3 =	vld.idx.msk [tilespmem:v7+s4+$0x0], $0xffff  }
0x3e: {  	v4 =	vor.u32 v6, v4;
	v6 =	vand.u32 $0x64, v11;
	v11 =	vadd.s32 v1, v12;
	v7 =	vld.idx.msk [tilespmem:v8+s4+$0x0], $0xffff  }
0x3f: {  	v22 =	vor.u32 $0x1, v18;
	v21 =	vadd.s32 v0, v20;
	v15 =	vor.u32 v6, v11;
	v10 =	vld.idx.msk [tilespmem:v10+s4+$0x0], $0xffff  }
0x40: {  	v24 =	vor.u32 v22, v21;
	v8 =	vadd.s32 v0, v12;
	v9 =	vld.idx.msk [tilespmem:v9+s4+$0x0], $0xffff  }
0x41: {  	v14 =	vor.u32 $0x1, v6;
	v13 =	vld.idx.msk [tilespmem:v13+s4+$0x0], $0xffff;
	v12 =	vor.u32 v6, v8  }
0x42: {  	v2 =	vld.idx.msk [tilespmem:v2+s4+$0x0], $0xffff;
	v16 =	vor.u32 v14, v8  }
0x43: {  	v17 =	vor.u32 $0x2, v6;
	v4 =	vld.idx.msk [tilespmem:v4+s4+$0x0], $0xffff;
	v14 =	vor.u32 v14, v11  }
0x44: {  	s11 =	simm.s32 $0x6200;
	v19 =	vor.u32 v17, v8;
	v15 =	vld.idx.msk [tilespmem:v15+s4+$0x0], $0xffff  }
0x45: {  	v6 =	vor.u32 $0x3, v6;
	v17 =	vor.u32 v17, v11;
	[tilespmem:s11+$0x1B0] =	vst v9;
	v9 =	vld.idx.msk [tilespmem:v24+s4+$0x0], $0xffff  }
0x46: {  	v8 =	vor.u32 v6, v8;
	v12 =	vld.idx.msk [tilespmem:v12+s4+$0x0], $0xffff  }
0x47: {  	v6 =	vor.u32 v6, v11;
	v11 =	vld.idx.msk [tilespmem:v16+s4+$0x0], $0xffff  }
0x48: {  	v16 =	vadd.s32 v1, v20;
	v20 =	vor.u32 v18, v21;
	v14 =	vld.idx.msk [tilespmem:v14+s4+$0x0], $0xffff  }
0x49: {  	[tilespmem:s11+$0x1F0] =	vst v3;
	v3 =	vor.u32 $0x2, v18;
	v19 =	vld.idx.msk [tilespmem:v19+s4+$0x0], $0xffff;
	v23 =	vor.u32 v18, v16  }
0x4a: {  	s18 =	simm.s32 $0xC;
	[tilespmem:s11+$0x180] =	vst v5;
	v17 =	vld.idx.msk [tilespmem:v17+s4+$0x0], $0xffff;
	v5 =	vor.u32 v3, v21  }
0x4b: {  	v25 =	vmov s18;
	[tilespmem:s11+$0x190] =	vst v7;
	v7 =	vor.u32 $0x3, v18;
	v22 =	vor.u32 v22, v16;
	v8 =	vld.idx.msk [tilespmem:v8+s4+$0x0], $0xffff  }
0x4c: {  	v26 =	vshll.u32 v25, $0x3;
	[tilespmem:s11+$0x1A0] =	vst v10;
	v10 =	vor.u32 v7, v21;
	v6 =	vld.idx.msk [tilespmem:v6+s4+$0x0], $0xffff  }
0x4d: {  	v3 =	vor.u32 v3, v16;
	v18 =	vld.idx.msk [tilespmem:v20+s4+$0x0], $0xffff;
	v20 =	vand.u32 $0x400, v26  }
0x4e: {  	[tilespmem:s11+$0x1C0] =	vst v13;
	v7 =	vor.u32 v7, v16;
	v21 =	vld.idx.msk [tilespmem:v23+s4+$0x0], $0xffff;
	v23 =	vand.u32 $0x6C, v25;
	v51 =	vadd.s32 v0, v20  }
0x4f: {  	[tilespmem:s11+$0x1D0] =	vst v2;
	v5 =	vld.idx.msk [tilespmem:v5+s4+$0x0], $0xffff;
	v16 =	vadd.s32 v1, v20;
	v13 =	vor.u32 v23, v51  }
0x50: {  	[tilespmem:s11+$0x1E0] =	vst v4;
	v20 =	vld.idx.msk [tilespmem:v22+s4+$0x0], $0xffff;
	v22 =	vor.u32 $0x1, v23;
	v2 =	vor.u32 v23, v16  }
0x51: {  	[tilespmem:s11+$0xFFFFFE90] =	vst v15;
	v10 =	vld.idx.msk [tilespmem:v10+s4+$0x0], $0xffff;
	v4 =	vor.u32 v22, v51  }
0x52: {  	s19 =	simm.s32 $0x10;
	[tilespmem:s11+$0xFFFFFE80] =	vst v12;
	v3 =	vld.idx.msk [tilespmem:v3+s4+$0x0], $0xffff;
	v52 =	vor.u32 $0x2, v23;
	v22 =	vor.u32 v22, v16  }
0x53: {  	v12 =	vmov s19;
	[tilespmem:s11+$0xFFFFFEA0] =	vst v11;
	v7 =	vld.idx.msk [tilespmem:v7+s4+$0x0], $0xffff;
	v53 =	vor.u32 v52, v51  }
0x54: {  	[tilespmem:s11+$0xFFFFFEB0] =	vst v14;
	v15 =	vshll.u32 v12, $0x3;
	v23 =	vor.u32 $0x3, v23;
	v24 =	vor.u32 v52, v16;
	v11 =	vld.idx.msk [tilespmem:v13+s4+$0x0], $0xffff  }
0x55: {  	[tilespmem:s11+$0xFFFFFEC0] =	vst v19;
	v16 =	vor.u32 v23, v16;
	v13 =	vand.u32 $0x400, v15;
	v2 =	vld.idx.msk [tilespmem:v2+s4+$0x0], $0xffff  }
0x56: {  	[tilespmem:s11+$0xFFFFFED0] =	vst v17;
	v12 =	vand.u32 $0x70, v12;
	v15 =	vor.u32 v23, v51;
	v14 =	vadd.s32 v0, v13;
	v4 =	vld.idx.msk [tilespmem:v4+s4+$0x0], $0xffff  }
0x57: {  	[tilespmem:s11+$0xFFFFFEE0] =	vst v8;
	v13 =	vadd.s32 v1, v13;
	v17 =	vld.idx.msk [tilespmem:v22+s4+$0x0], $0xffff;
	v19 =	vor.u32 v12, v14  }
0x58: {  	[tilespmem:s11+$0xFFFFFEF0] =	vst v6;
	v22 =	vor.u32 $0x1, v12;
	v8 =	vld.idx.msk [tilespmem:v53+s4+$0x0], $0xffff;
	v23 =	vor.u32 v12, v13  }
0x59: {  	[tilespmem:s11+$0xFFFFFF20] =	vst v9;
	v6 =	vld.idx.msk [tilespmem:v24+s4+$0x0], $0xffff;
	v54 =	vor.u32 v22, v14  }
0x5a: {  	s30 =	simm.s32 $0x14;
	v55 =	vor.u32 $0x2, v12;
	[tilespmem:s11+$0xFFFFFF00] =	vst v18;
	v16 =	vld.idx.msk [tilespmem:v16+s4+$0x0], $0xffff;
	v22 =	vor.u32 v22, v13  }
0x5b: {  	v18 =	vmov s30;
	[tilespmem:s11+$0xFFFFFF40] =	vst v5;
	v56 =	vor.u32 v55, v14;
	v15 =	vld.idx.msk [tilespmem:v15+s4+$0x0], $0xffff  }
0x5c: {  	[tilespmem:s11+$0xFFFFFF10] =	vst v21;
	v21 =	vshll.u32 v18, $0x3;
	v12 =	vor.u32 $0x3, v12;
	v24 =	vor.u32 v55, v13;
	v9 =	vld.idx.msk [tilespmem:v19+s4+$0x0], $0xffff  }
0x5d: {  	[tilespmem:s11+$0xFFFFFF60] =	vst v10;
	v14 =	vor.u32 v12, v14;
	v19 =	vand.u32 $0x400, v21;
	v27 =	vld.idx.msk [tilespmem:v23+s4+$0x0], $0xffff  }
0x5e: {  	[tilespmem:s11+$0xFFFFFF30] =	vst v20;
	v18 =	vand.u32 $0x74, v18;
	v12 =	vor.u32 v12, v13;
	v5 =	vld.idx.msk [tilespmem:v54+s4+$0x0], $0xffff;
	v20 =	vadd.s32 v0, v19  }
0x5f: {  	[tilespmem:s11+$0xFFFFFF50] =	vst v3;
	v3 =	vld.idx.msk [tilespmem:v22+s4+$0x0], $0xffff;
	v13 =	vadd.s32 v1, v19;
	v19 =	vor.u32 v18, v20  }
0x60: {  	[tilespmem:s11+$0xFFFFFF70] =	vst v7;
	v21 =	vor.u32 $0x1, v18;
	v57 =	vld.idx.msk [tilespmem:v56+s4+$0x0], $0xffff;
	v22 =	vor.u32 v18, v13  }
0x61: {  	[tilespmem:s11+$0xFFFFFF80] =	vst v11;
	v7 =	vld.idx.msk [tilespmem:v24+s4+$0x0], $0xffff;
	v10 =	vor.u32 v21, v20  }
0x62: {  	s31 =	simm.s32 $0x18;
	[tilespmem:s11+$0xFFFFFF90] =	vst v2;
	v23 =	vor.u32 $0x2, v18;
	v58 =	vld.idx.msk [tilespmem:v14+s4+$0x0], $0xffff;
	v21 =	vor.u32 v21, v13  }
0x63: {  	v11 =	vmov s31;
	[tilespmem:s11+$0xFFFFFFA0] =	vst v4;
	v2 =	vld.idx.msk [tilespmem:v12+s4+$0x0], $0xffff;
	v14 =	vor.u32 v23, v20  }
0x64: {  	[tilespmem:s11+$0xFFFFFFB0] =	vst v17;
	v12 =	vshll.u32 v11, $0x3;
	v18 =	vor.u32 $0x3, v18;
	v59 =	vor.u32 v23, v13;
	v28 =	vld.idx.msk [tilespmem:v19+s4+$0x0], $0xffff  }
0x65: {  	[tilespmem:s11+$0xFFFFFFC0] =	vst v8;
	v4 =	vand.u32 $0x400, v12;
	v12 =	vor.u32 v18, v20;
	v29 =	vld.idx.msk [tilespmem:v22+s4+$0x0], $0xffff  }
0x66: {  	[tilespmem:s11+$0xFFFFFFD0] =	vst v6;
	v11 =	vand.u32 $0x78, v11;
	v17 =	vadd.s32 v0, v4;
	v13 =	vor.u32 v18, v13;
	v23 =	vld.idx.msk [tilespmem:v10+s4+$0x0], $0xffff  }
0x67: {  	[tilespmem:s11+$0xFFFFFFF0] =	vst v16;
	v4 =	vadd.s32 v1, v4;
	v8 =	vor.u32 v11, v17;
	v21 =	vld.idx.msk [tilespmem:v21+s4+$0x0], $0xffff  }
0x68: {  	[tilespmem:s11+$0xFFFFFFE0] =	vst v15;
	v15 =	vor.u32 $0x2, v11;
	v18 =	vor.u32 v11, v4;
	v22 =	vld.idx.msk [tilespmem:v14+s4+$0x0], $0xffff  }
0x69: {  	v16 =	vor.u32 v15, v17;
	[tilespmem:s11+$0x0] =	vst v9;
	v19 =	vld.idx.msk [tilespmem:v59+s4+$0x0], $0xffff  }
0x6a: {  	v6 =	vor.u32 $0x1, v11;
	v60 =	vor.u32 v15, v4;
	[tilespmem:s11+$0x10] =	vst v27;
	v20 =	vld.idx.msk [tilespmem:v12+s4+$0x0], $0xffff  }
0x6b: {  	[tilespmem:s11+$0x20] =	vst v5;
	v14 =	vor.u32 v6, v17;
	v10 =	vld.idx.msk [tilespmem:v13+s4+$0x0], $0xffff  }
0x6c: {  	v9 =	vmov s4;
	[tilespmem:s11+$0x30] =	vst v3;
	v6 =	vor.u32 v6, v4;
	v13 =	vor.u32 $0x3, v11;
	v11 =	vld.idx.msk [tilespmem:v8+s4+$0x0], $0xffff  }
0x6d: {  	[tilespmem:s11+$0x40] =	vst v57;
	v5 =	vshll.u32 v9, $0x3;
	v17 =	vor.u32 v13, v17;
	v12 =	vld.idx.msk [tilespmem:v18+s4+$0x0], $0xffff  }
0x6e: {  	[tilespmem:s11+$0x50] =	vst v7;
	v3 =	vand.u32 $0x400, v5;
	v18 =	vor.u32 v13, v4;
	v15 =	vld.idx.msk [tilespmem:v16+s4+$0x0], $0xffff  }
0x6f: {  	[tilespmem:s11+$0x60] =	vst v58;
	v61 =	vadd.s32 v0, v3;
	v62 =	vadd.s32 v1, v3;
	v4 =	vand.u32 $0x60, v9;
	v16 =	vld.idx.msk [tilespmem:v60+s4+$0x0], $0xffff  }
0x70: {  	[tilespmem:s11+$0x70] =	vst v2;
	v3 =	vor.u32 $0x1, v4;
	v9 =	vor.u32 v4, v61;
	v63 =	vor.u32 $0x2, v4;
	v13 =	vld.idx.msk [tilespmem:v14+s4+$0x0], $0xffff  }
0x71: {  	v8 =	vor.u32 v4, v62;
	v7 =	vor.u32 v3, v61;
	v5 =	vor.u32 v63, v61;
	v14 =	vld.idx.msk [tilespmem:v6+s4+$0x0], $0xffff  }
0x72: {  	v2 =	vor.u32 $0x3, v4;
	v4 =	vor.u32 v63, v62;
	v6 =	vor.u32 v3, v62;
	[tilespmem:s11+$0x80] =	vst v28;
	v17 =	vld.idx.msk [tilespmem:v17+s4+$0x0], $0xffff  }
0x73: {  	s17 =	simm.s32 $0x0;
	s18 =	simm.s32 $0x20;
	s15 =	simm.s32 $0x6200;
	v3 =	vor.u32 v2, v61;
	v2 =	vor.u32 v2, v62;
	[tilespmem:s11+$0x90] =	vst v29;
	v18 =	vld.idx.msk [tilespmem:v18+s4+$0x0], $0xffff  }
.LBB2_2:
0x74: {  	s19 =	sadd.s32 $0x4, s18;
	[tilespmem:s11+$0xA0] =	vst v23  }
0x75: {  	v24 =	vmov s18;
	s30 =	sadd.s32 $0x8, s18;
	s31 =	sadd.s32 $0x1C, s18;
	v25 =	vld.idx.msk [tilespmem:v9+s4+$0x0], $0xffff;
	[tilespmem:s11+$0xB0] =	vst v21;
	v23 =	vmov s19;
	s19 =	sadd.s32 $0xC, s18  }
0x76: {  	[tilespmem:s11+$0xC0] =	vst v22;
	v26 =	vmov s30;
	s30 =	sadd.s32 $0x10, s18;
	v9 =	vmov s31;
	s31 =	sadd.s32 $0x18, s18;
	v27 =	vmov s19  }
0x77: {  	[tilespmem:s11+$0xE0] =	vst v20;
	v28 =	vmov s30;
	v29 =	vshll.u32 v9, $0x3;
	v30 =	vmov s31  }
0x78: {  	[tilespmem:s11+$0xF0] =	vst v10;
	s19 =	sadd.s32 $0x14, s18;
	v22 =	vshll.u32 v23, $0x3;
	v31 =	vand.u32 $0x7C, v9;
	v20 =	vshll.u32 v26, $0x3  }
0x79: {  	v21 =	vmov s19;
	v29 =	vand.u32 $0x400, v29;
	v33 =	vor.u32 $0x3, v31;
	[tilespmem:s11+$0x100] =	vst v11  }
0x7a: {  	v9 =	vld.idx.msk [tilespmem:v3+s4+$0x0], $0xffff;
	v34 =	vshll.u32 v27, $0x3;
	v3 =	vshll.u32 v28, $0x3;
	v37 =	vor.u32 $0x1, v31;
	[tilespmem:s11+$0x110] =	vst v12  }
0x7b: {  	v20 =	vand.u32 $0x400, v20;
	v32 =	vadd.s32 v0, v29;
	v29 =	vadd.s32 v1, v29;
	[tilespmem:s11+$0x120] =	vst v13  }
0x7c: {  	v10 =	vld.idx.msk [tilespmem:v2+s4+$0x0], $0xffff;
	v2 =	vshll.u32 v21, $0x3;
	v11 =	vshll.u32 v30, $0x3;
	v12 =	vshll.u32 v24, $0x3;
	[tilespmem:s11+$0x130] =	vst v14  }
0x7d: {  	v13 =	vand.u32 $0x400, v22;
	v14 =	vand.u32 $0x400, v34;
	v49 =	vand.u32 $0x400, v3;
	[tilespmem:s11+$0x150] =	vst v16  }
0x7e: {  	v16 =	vand.u32 $0x64, v23;
	v23 =	vand.u32 $0x68, v26;
	[tilespmem:s11+$0x160] =	vst v17;
	v17 =	vand.u32 $0x6C, v27  }
0x7f: {  	v27 =	vand.u32 $0x70, v28;
	v21 =	vand.u32 $0x74, v21;
	v3 =	vand.u32 $0x78, v30  }
0x80: {  	[tilespmem:s11+$0xD0] =	vst v19;
	v54 =	vadd.s32 v0, v20;
	v20 =	vadd.s32 v1, v20;
	v19 =	vor.u32 v31, v32  }
0x81: {  	v4 =	vld.idx.msk [tilespmem:v4+s4+$0x0], $0xffff;
	v35 =	vor.u32 v33, v29;
	v36 =	vor.u32 v31, v29;
	v38 =	vor.u32 v37, v32  }
0x82: {  	v5 =	vld.idx.msk [tilespmem:v5+s4+$0x0], $0xffff;
	[tilespmem:s11+$0x140] =	vst v15;
	v37 =	vor.u32 v37, v29;
	v31 =	vor.u32 $0x2, v31;
	v15 =	vand.u32 $0x400, v2  }
0x83: {  	v8 =	vld.idx.msk [tilespmem:v8+s4+$0x0], $0xffff;
	v11 =	vand.u32 $0x400, v11;
	v12 =	vand.u32 $0x400, v12;
	v2 =	vand.u32 $0x60, v24  }
0x84: {  	v7 =	vld.idx.msk [tilespmem:v7+s4+$0x0], $0xffff;
	[tilespmem:s11+$0x170] =	vst v18;
	v18 =	vadd.s32 v0, v13;
	v13 =	vadd.s32 v1, v13;
	v56 =	vor.u32 $0x1, v16  }
0x85: {  	v6 =	vld.idx.msk [tilespmem:v6+s4+$0x0], $0xffff;
	[tilespmem:s11+$0xFFFFFE00] =	vst v25;
	v30 =	vadd.s32 v0, v14;
	v14 =	vadd.s32 v1, v14;
	v57 =	vor.u32 $0x2, v16  }
0x86: {  	v58 =	vor.u32 $0x3, v16;
	v59 =	vor.u32 $0x1, v23;
	[tilespmem:s15+$0xFFFFFE50] =	vst v4;
	v4 =	vor.u32 v23, v54;
	v19 =	vld.idx.msk [tilespmem:v19+s4+$0x0], $0xffff  }
0x87: {  	v60 =	vor.u32 $0x2, v23;
	v61 =	vor.u32 $0x3, v23;
	[tilespmem:s15+$0xFFFFFE40] =	vst v5;
	v23 =	vor.u32 v23, v20;
	v50 =	vld.idx.msk [tilespmem:v35+s4+$0x0], $0xffff  }
0x88: {  	v39 =	vor.u32 $0x1, v17;
	v40 =	vor.u32 $0x2, v17;
	[tilespmem:s15+$0xFFFFFE70] =	vst v10;
	v22 =	vor.u32 v31, v32;
	v51 =	vld.idx.msk [tilespmem:v36+s4+$0x0], $0xffff  }
0x89: {  	v29 =	vor.u32 v31, v29;
	v32 =	vor.u32 v33, v32;
	v31 =	vadd.s32 v0, v49;
	v52 =	vld.idx.msk [tilespmem:v38+s4+$0x0], $0xffff  }
0x8a: {  	v41 =	vor.u32 $0x1, v27;
	v33 =	vadd.s32 v1, v49;
	v34 =	vadd.s32 v0, v15;
	[tilespmem:s15+$0xFFFFFE20] =	vst v7;
	v53 =	vld.idx.msk [tilespmem:v37+s4+$0x0], $0xffff  }
0x8b: {  	v7 =	vor.u32 v16, v18;
	v37 =	vor.u32 v60, v54;
	v38 =	vor.u32 v60, v20;
	v60 =	vld.idx.msk [tilespmem:v4+s4+$0x0], $0xffff  }
0x8c: {  	v42 =	vor.u32 $0x2, v27;
	[tilespmem:s15+$0xFFFFFE10] =	vst v8;
	v8 =	vor.u32 v16, v13;
	v16 =	vor.u32 v56, v13;
	v23 =	vld.idx.msk [tilespmem:v23+s4+$0x0], $0xffff  }
0x8d: {  	v62 =	vor.u32 $0x3, v27;
	v15 =	vadd.s32 v1, v15;
	[tilespmem:s15+$0xFFFFFE30] =	vst v6;
	v63 =	vor.u32 v57, v18;
	v22 =	vld.idx.msk [tilespmem:v22+s4+$0x0], $0xffff  }
0x8e: {  	v6 =	vor.u32 v56, v18;
	v5 =	vor.u32 v57, v13;
	v18 =	vor.u32 v58, v18;
	v55 =	vld.idx.msk [tilespmem:v29+s4+$0x0], $0xffff  }
0x8f: {  	v13 =	vor.u32 v58, v13;
	v26 =	vor.u32 v59, v54;
	v24 =	vor.u32 v61, v54;
	v32 =	vld.idx.msk [tilespmem:v32+s4+$0x0], $0xffff  }
0x90: {  	v43 =	vor.u32 $0x1, v21;
	v28 =	vor.u32 v17, v30;
	[tilespmem:s15+$0xFFFFFE60] =	vst v9;
	v56 =	vor.u32 v42, v31;
	v10 =	vld.idx.msk [tilespmem:v7+s4+$0x0], $0xffff  }
0x91: {  	v42 =	vor.u32 v42, v33;
	v25 =	vor.u32 v62, v33;
	v58 =	vor.u32 v43, v34;
	v16 =	vld.idx.msk [tilespmem:v16+s4+$0x0], $0xffff  }
0x92: {  	s11 =	sadd.s32 $0x400, s11;
	v43 =	vor.u32 v43, v15;
	v35 =	vadd.s32 v0, v12;
	v12 =	vadd.s32 v1, v12;
	v29 =	vld.idx.msk [tilespmem:v63+s4+$0x0], $0xffff  }
0x93: {  	v44 =	vor.u32 $0x2, v21;
	v36 =	vor.u32 v59, v20;
	v20 =	vor.u32 v61, v20;
	v57 =	vld.idx.msk [tilespmem:v5+s4+$0x0], $0xffff;
	[tilespmem:s11+$0x1F0] =	vst v50  }
0x94: {  	v45 =	vor.u32 $0x1, v3;
	v54 =	vor.u32 v40, v30;
	v40 =	vor.u32 v40, v14;
	v18 =	vld.idx.msk [tilespmem:v18+s4+$0x0], $0xffff;
	[tilespmem:s11+$0x180] =	vst v19  }
0x95: {  	v48 =	vor.u32 $0x2, v2;
	v59 =	vor.u32 v44, v34;
	v44 =	vor.u32 v44, v15;
	v13 =	vld.idx.msk [tilespmem:v13+s4+$0x0], $0xffff;
	[tilespmem:s11+$0x190] =	vst v51  }
0x96: {  	v46 =	vor.u32 $0x2, v3;
	v26 =	vld.idx.msk [tilespmem:v26+s4+$0x0], $0xffff;
	v9 =	vor.u32 v2, v35;
	v4 =	vor.u32 v48, v12;
	[tilespmem:s11+$0x1A0] =	vst v52  }
0x97: {  	v47 =	vor.u32 $0x1, v2;
	v19 =	vadd.s32 v0, v11;
	v11 =	vadd.s32 v1, v11;
	[tilespmem:s11+$0x1B0] =	vst v53;
	v51 =	vld.idx.msk [tilespmem:v8+s4+$0x0], $0xffff  }
0x98: {  	v50 =	vor.u32 $0x3, v2;
	v52 =	vor.u32 v39, v30;
	v39 =	vor.u32 v39, v14;
	v53 =	vld.idx.msk [tilespmem:v6+s4+$0x0], $0xffff;
	[tilespmem:s11+$0x1C0] =	vst v22  }
0x99: {  	v8 =	vor.u32 v2, v12;
	v6 =	vor.u32 v47, v12;
	v20 =	vld.idx.msk [tilespmem:v20+s4+$0x0], $0xffff;
	v22 =	vor.u32 $0x3, v17;
	[tilespmem:s11+$0x1D0] =	vst v55  }
0x9a: {  	[tilespmem:s11+$0x1E0] =	vst v32;
	v17 =	vor.u32 v17, v14;
	v55 =	vor.u32 v41, v31;
	v41 =	vor.u32 v41, v33  }
0x9b: {  	v49 =	vor.u32 $0x3, v3;
	v61 =	vor.u32 v3, v11;
	v2 =	vor.u32 v50, v12;
	v12 =	vld.idx.msk [tilespmem:v38+s4+$0x0], $0xffff;
	[tilespmem:s11+$0xFFFFFE80] =	vst v10  }
0x9c: {  	v32 =	vor.u32 $0x3, v21;
	v63 =	vor.u32 v46, v19;
	v46 =	vor.u32 v46, v11;
	v10 =	vld.idx.msk [tilespmem:v24+s4+$0x0], $0xffff;
	[tilespmem:s11+$0xFFFFFEE0] =	vst v18  }
0x9d: {  	v18 =	vld.idx.msk [tilespmem:v54+s4+$0x0], $0xffff;
	v30 =	vor.u32 v22, v30;
	v14 =	vor.u32 v22, v14;
	v22 =	vor.u32 v27, v31  }
0x9e: {  	[tilespmem:s11+$0xFFFFFEF0] =	vst v13;
	v27 =	vor.u32 v27, v33;
	v31 =	vor.u32 v62, v31;
	v33 =	vor.u32 v21, v34  }
0x9f: {  	v13 =	vld.idx.msk [tilespmem:v40+s4+$0x0], $0xffff;
	v21 =	vor.u32 v21, v15;
	v34 =	vor.u32 v32, v34;
	v15 =	vor.u32 v32, v15  }
0xa0: {  	v32 =	vor.u32 v3, v19;
	v62 =	vor.u32 v45, v19;
	v3 =	vor.u32 v49, v19;
	v19 =	vld.idx.msk [tilespmem:v36+s4+$0x0], $0xffff  }
0xa1: {  	[tilespmem:s11+$0xFFFFFEB0] =	vst v16;
	v45 =	vor.u32 v45, v11;
	v49 =	vor.u32 v49, v11;
	v11 =	vld.idx.msk [tilespmem:v37+s4+$0x0], $0xffff  }
0xa2: {  	[tilespmem:s11+$0xFFFFFF10] =	vst v23;
	v23 =	vld.idx.msk [tilespmem:v58+s4+$0x0], $0xffff  }
0xa3: {  	[tilespmem:s11+$0xFFFFFE90] =	vst v51;
	v51 =	vld.idx.msk [tilespmem:v28+s4+$0x0], $0xffff  }
0xa4: {  	[tilespmem:s11+$0xFFFFFEC0] =	vst v29;
	v16 =	vld.idx.msk [tilespmem:v17+s4+$0x0], $0xffff  }
0xa5: {  	[tilespmem:s11+$0xFFFFFED0] =	vst v57;
	v17 =	vld.idx.msk [tilespmem:v52+s4+$0x0], $0xffff  }
0xa6: {  	[tilespmem:s11+$0xFFFFFF00] =	vst v60;
	v52 =	vld.idx.msk [tilespmem:v39+s4+$0x0], $0xffff  }
0xa7: {  	[tilespmem:s11+$0xFFFFFF50] =	vst v12;
	v12 =	vld.idx.msk [tilespmem:v41+s4+$0x0], $0xffff  }
0xa8: {  	[tilespmem:s11+$0xFFFFFEA0] =	vst v53;
	v53 =	vld.idx.msk [tilespmem:v30+s4+$0x0], $0xffff  }
0xa9: {  	[tilespmem:s11+$0xFFFFFF20] =	vst v26;
	v14 =	vld.idx.msk [tilespmem:v14+s4+$0x0], $0xffff  }
0xaa: {  	[tilespmem:$0x1FFE0] =	vst v3;
	v54 =	vld.idx.msk [tilespmem:v22+s4+$0x0], $0xffff  }
0xab: {  	[tilespmem:s11+$0xFFFFFF70] =	vst v20;
	v27 =	vld.idx.msk [tilespmem:v27+s4+$0x0], $0xffff  }
0xac: {  	[tilespmem:s11+$0xFFFFFF40] =	vst v11;
	v11 =	vld.idx.msk [tilespmem:v55+s4+$0x0], $0xffff  }
0xad: {  	[tilespmem:s11+$0xFFFFFF60] =	vst v10;
	v55 =	vld.idx.msk [tilespmem:v56+s4+$0x0], $0xffff  }
0xae: {  	[tilespmem:s11+$0xFFFFFF30] =	vst v19;
	v56 =	vld.idx.msk [tilespmem:v42+s4+$0x0], $0xffff  }
0xaf: {  	v57 =	vld.idx.msk [tilespmem:v31+s4+$0x0], $0xffff;
	[tilespmem:s11+$0xFFFFFFC0] =	vst v18  }
0xb0: {  	v60 =	vld.idx.msk [tilespmem:v21+s4+$0x0], $0xffff;
	[tilespmem:s11+$0xFFFFFFD0] =	vst v13  }
0xb1: {  	v21 =	vld.idx.msk [tilespmem:v43+s4+$0x0], $0xffff;
	[tilespmem:s11+$0xFFFFFF80] =	vst v51  }
0xb2: {  	v22 =	vld.idx.msk [tilespmem:v59+s4+$0x0], $0xffff;
	[tilespmem:s11+$0xFFFFFF90] =	vst v16  }
0xb3: {  	[tilespmem:s11+$0xFFFFFFA0] =	vst v17;
	v17 =	vld.idx.msk [tilespmem:v33+s4+$0x0], $0xffff  }
0xb4: {  	v19 =	vld.idx.msk [tilespmem:v44+s4+$0x0], $0xffff;
	[tilespmem:s11+$0xFFFFFFB0] =	vst v52  }
0xb5: {  	v16 =	vld.idx.msk [tilespmem:v25+s4+$0x0], $0xffff;
	[tilespmem:s11+$0x30] =	vst v12  }
0xb6: {  	v20 =	vld.idx.msk [tilespmem:v34+s4+$0x0], $0xffff;
	[tilespmem:s11+$0xFFFFFFE0] =	vst v53  }
0xb7: {  	v10 =	vld.idx.msk [tilespmem:v15+s4+$0x0], $0xffff;
	[tilespmem:s11+$0xFFFFFFF0] =	vst v14  }
0xb8: {  	[tilespmem:s11+$0x80] =	vst v17;
	v17 =	vld [tilespmem:$0x1FFE0]  }
0xb9: {  	v13 =	vld.idx.msk [tilespmem:v62+s4+$0x0], $0xffff;
	[tilespmem:s11+$0x0] =	vst v54  }
0xba: {  	s17 =	sadd.s32 $0x8, s17;
	v15 =	vld.idx.msk [tilespmem:v63+s4+$0x0], $0xffff;
	[tilespmem:s11+$0x10] =	vst v27  }
0xbb: {  	p2 =	slt.u32 s17, $0x38;
	v18 =	vld.idx.msk [tilespmem:v49+s4+$0x0], $0xffff;
	[tilespmem:s11+$0x20] =	vst v11  }
.Ltmp2:
0xbc: {  	v12 =	vld.idx.msk [tilespmem:v61+s4+$0x0], $0xffff;
	[tilespmem:s11+$0x40] =	vst v55;
	(pc) =	sbr.rel @p2 .LBB2_2-.Ltmp2, $4  }
0xbd: {  	v11 =	vld.idx.msk [tilespmem:v32+s4+$0x0], $0xffff;
	[tilespmem:s11+$0x50] =	vst v56  }
0xbe: {  	v14 =	vld.idx.msk [tilespmem:v45+s4+$0x0], $0xffff;
	[tilespmem:s11+$0x60] =	vst v57  }
0xbf: {  	v7 =	vor.u32 v47, v35;
	[tilespmem:s11+$0x70] =	vst v16;
	v16 =	vld.idx.msk [tilespmem:v46+s4+$0x0], $0xffff  }
0xc0: {  	s18 =	sadd.s32 $0x20, s18;
	s15 =	smov.u32 s11;
	v5 =	vor.u32 v48, v35;
	v3 =	vor.u32 v50, v35;
	[tilespmem:s11+$0x90] =	vst v60;
	v17 =	vld.idx.msk [tilespmem:v17+s4+$0x0], $0xffff  }
0xc1: {  	[tilespmem:s11+$0xA0] =	vst v23  }
0xc2: {  	[tilespmem:s11+$0xB0] =	vst v21  }
0xc3: {  	[tilespmem:s11+$0xC0] =	vst v22  }
0xc4: {  	[tilespmem:s11+$0xD0] =	vst v19  }
0xc5: {  	[tilespmem:s11+$0xE0] =	vst v20  }
0xc6: {  	[tilespmem:s11+$0xF0] =	vst v10  }
0xc7: {  	[tilespmem:s11+$0x110] =	vst v12  }
0xc8: {  	v9 =	vld.idx.msk [tilespmem:v9+s4+$0x0], $0xffff;
	[tilespmem:s11+$0x120] =	vst v13  }
0xc9: {  	v8 =	vld.idx.msk [tilespmem:v8+s4+$0x0], $0xffff;
	[tilespmem:s11+$0x140] =	vst v15  }
0xca: {  	v7 =	vld.idx.msk [tilespmem:v7+s4+$0x0], $0xffff;
	[tilespmem:s11+$0x170] =	vst v18  }
0xcb: {  	v6 =	vld.idx.msk [tilespmem:v6+s4+$0x0], $0xffff;
	[tilespmem:s11+$0x100] =	vst v11  }
0xcc: {  	v5 =	vld.idx.msk [tilespmem:v5+s4+$0x0], $0xffff;
	[tilespmem:s11+$0x130] =	vst v14  }
0xcd: {  	v4 =	vld.idx.msk [tilespmem:v4+s4+$0x0], $0xffff;
	[tilespmem:s11+$0x150] =	vst v16  }
0xce: {  	v3 =	vld.idx.msk [tilespmem:v3+s4+$0x0], $0xffff;
	[tilespmem:s11+$0x160] =	vst v17  }
0xcf: {  	v2 =	vld.idx.msk [tilespmem:v2+s4+$0x0], $0xffff;
	[tilespmem:s11+$0xFFFFFE00] =	vst v9  }
0xd0: {  	[tilespmem:s15+$0xFFFFFE10] =	vst v8  }
0xd1: {  	[tilespmem:s15+$0xFFFFFE20] =	vst v7  }
0xd2: {  	[tilespmem:s15+$0xFFFFFE30] =	vst v6  }
0xd3: {  	[tilespmem:s15+$0xFFFFFE40] =	vst v5  }
0xd4: {  	[tilespmem:s15+$0xFFFFFE50] =	vst v4  }
0xd5: {  	[tilespmem:s15+$0xFFFFFE60] =	vst v3  }
0xd6: {  	[tilespmem:s15+$0xFFFFFE70] =	vst v2;
	s15 =	simm.s32 $0x0  }
0xd7: {  	[tilespmem:s15], [sflag:$0x1] =	stream.linear.gather [hbm4b:s8+s15], $0x800, $0x38;
	[tilespmem:$0xA000] =	vst v63  }
0xd8: {  	s30 =	sadd.s32 $0xF4280, s8;
	s31 =	simm.s32 $0x1C  }
0xd9: {  	[tilespmem:s20], [sflag:$0x1] =	stream.linear.gather [hbm4b:s30+s15], $0x800, $0x38;
	[tilespmem:$0xA000] =	vst v63  }
0xda: {  	s17 =	sadd.s32 $0x1E8500, s8;
	v2 =	vmov s31  }
0xdb: {  	v3 =	vshll.u32 v2, $0x3;
	[tilespmem:s21], [sflag:$0x1] =	stream.linear.gather [hbm4b:s17+s15], $0x800, $0x38;
	[tilespmem:$0xA000] =	vst v63  }
0xdc: {  	s18 =	sadd.s32 $0x2DC780, s8;
	v3 =	vand.u32 $0x400, v3  }
0xdd: {  	v2 =	vand.u32 $0x7C, v2;
	v4 =	vadd.s32 v0, v3;
	[tilespmem:s22], [sflag:$0x1] =	stream.linear.gather [hbm4b:s18+s15], $0x800, $0x38;
	[tilespmem:$0xA000] =	vst v63  }
0xde: {  	s19 =	simm.s32 $0x4;
	v6 =	vor.u32 $0x3, v2;
	v3 =	vadd.s32 v1, v3;
	v5 =	vor.u32 v2, v4  }
0xdf: {  	v7 =	vor.u32 v6, v3;
	[hbm4b:s9+s15] =	stream.linear.scatter [tilespmem:s16], [sflag:$0x3], $0x2000, $0x38;
	[tilespmem:$0xA000] =	vst v63  }
0xe0: {  	v11 =	vmov s19;
	v9 =	vor.u32 $0x1, v2;
	v8 =	vor.u32 v2, v3;
	_ =	swait.ge [sflag:s2], $0x2000  }
0xe1: {  	v12 =	vshll.u32 v11, $0x3;
	v10 =	vor.u32 v9, v4;
	[sflag:s2] =	ssyncset.done $0x0  }
0xe2: {  	v12 =	vand.u32 $0x400, v12;
	s20 =	simm.s32 $0x8;
	v9 =	vor.u32 v9, v3;
	v2 =	vor.u32 $0x2, v2;
	[sflag:s2] =	ssyncadd.s32 $0xFFFFE000  }
0xe3: {  	v18 =	vmov s20;
	v13 =	vor.u32 v2, v4;
	v2 =	vor.u32 v2, v3;
	v5 =	vld.idx.msk [tilespmem:v5+s28+$0x0], $0xffff  }
0xe4: {  	v4 =	vor.u32 v6, v4;
	v6 =	vand.u32 $0x64, v11;
	v20 =	vshll.u32 v18, $0x3;
	v3 =	vld.idx.msk [tilespmem:v7+s28+$0x0], $0xffff  }
0xe5: {  	v11 =	vadd.s32 v1, v12;
	v18 =	vand.u32 $0x68, v18;
	v20 =	vand.u32 $0x400, v20;
	v7 =	vld.idx.msk [tilespmem:v8+s28+$0x0], $0xffff  }
0xe6: {  	v15 =	vor.u32 v6, v11;
	v22 =	vor.u32 $0x1, v18;
	v21 =	vadd.s32 v0, v20;
	v10 =	vld.idx.msk [tilespmem:v10+s28+$0x0], $0xffff  }
0xe7: {  	v24 =	vor.u32 v22, v21;
	v8 =	vadd.s32 v0, v12;
	v9 =	vld.idx.msk [tilespmem:v9+s28+$0x0], $0xffff  }
0xe8: {  	v14 =	vor.u32 $0x1, v6;
	v13 =	vld.idx.msk [tilespmem:v13+s28+$0x0], $0xffff;
	v12 =	vor.u32 v6, v8  }
0xe9: {  	v2 =	vld.idx.msk [tilespmem:v2+s28+$0x0], $0xffff;
	v16 =	vor.u32 v14, v8  }
0xea: {  	v17 =	vor.u32 $0x2, v6;
	v4 =	vld.idx.msk [tilespmem:v4+s28+$0x0], $0xffff;
	v14 =	vor.u32 v14, v11  }
0xeb: {  	s11 =	simm.s32 $0x8200;
	v15 =	vld.idx.msk [tilespmem:v15+s28+$0x0], $0xffff;
	v19 =	vor.u32 v17, v8  }
0xec: {  	v6 =	vor.u32 $0x3, v6;
	v17 =	vor.u32 v17, v11;
	[tilespmem:s11+$0x1B0] =	vst v9;
	v9 =	vld.idx.msk [tilespmem:v24+s28+$0x0], $0xffff  }
0xed: {  	v8 =	vor.u32 v6, v8;
	v12 =	vld.idx.msk [tilespmem:v12+s28+$0x0], $0xffff  }
0xee: {  	v6 =	vor.u32 v6, v11;
	v11 =	vld.idx.msk [tilespmem:v16+s28+$0x0], $0xffff  }
0xef: {  	v16 =	vadd.s32 v1, v20;
	v20 =	vor.u32 v18, v21;
	v14 =	vld.idx.msk [tilespmem:v14+s28+$0x0], $0xffff  }
0xf0: {  	[tilespmem:s11+$0x1F0] =	vst v3;
	v3 =	vor.u32 $0x2, v18;
	v19 =	vld.idx.msk [tilespmem:v19+s28+$0x0], $0xffff;
	v23 =	vor.u32 v18, v16  }
0xf1: {  	s21 =	simm.s32 $0xC;
	[tilespmem:s11+$0x180] =	vst v5;
	v17 =	vld.idx.msk [tilespmem:v17+s28+$0x0], $0xffff;
	v5 =	vor.u32 v3, v21  }
0xf2: {  	v25 =	vmov s21;
	[tilespmem:s11+$0x190] =	vst v7;
	v7 =	vor.u32 $0x3, v18;
	v22 =	vor.u32 v22, v16;
	v8 =	vld.idx.msk [tilespmem:v8+s28+$0x0], $0xffff  }
0xf3: {  	v26 =	vshll.u32 v25, $0x3;
	[tilespmem:s11+$0x1A0] =	vst v10;
	v10 =	vor.u32 v7, v21;
	v6 =	vld.idx.msk [tilespmem:v6+s28+$0x0], $0xffff  }
0xf4: {  	v3 =	vor.u32 v3, v16;
	v18 =	vld.idx.msk [tilespmem:v20+s28+$0x0], $0xffff;
	v20 =	vand.u32 $0x400, v26  }
0xf5: {  	[tilespmem:s11+$0x1C0] =	vst v13;
	v7 =	vor.u32 v7, v16;
	v21 =	vld.idx.msk [tilespmem:v23+s28+$0x0], $0xffff;
	v23 =	vand.u32 $0x6C, v25;
	v51 =	vadd.s32 v0, v20  }
0xf6: {  	[tilespmem:s11+$0x1D0] =	vst v2;
	v5 =	vld.idx.msk [tilespmem:v5+s28+$0x0], $0xffff;
	v16 =	vadd.s32 v1, v20;
	v13 =	vor.u32 v23, v51  }
0xf7: {  	[tilespmem:s11+$0x1E0] =	vst v4;
	v20 =	vld.idx.msk [tilespmem:v22+s28+$0x0], $0xffff;
	v22 =	vor.u32 $0x1, v23;
	v2 =	vor.u32 v23, v16  }
0xf8: {  	[tilespmem:s11+$0xFFFFFE90] =	vst v15;
	v10 =	vld.idx.msk [tilespmem:v10+s28+$0x0], $0xffff;
	v4 =	vor.u32 v22, v51  }
0xf9: {  	s22 =	simm.s32 $0x10;
	[tilespmem:s11+$0xFFFFFE80] =	vst v12;
	v3 =	vld.idx.msk [tilespmem:v3+s28+$0x0], $0xffff;
	v52 =	vor.u32 $0x2, v23;
	v22 =	vor.u32 v22, v16  }
0xfa: {  	v12 =	vmov s22;
	[tilespmem:s11+$0xFFFFFEA0] =	vst v11;
	v7 =	vld.idx.msk [tilespmem:v7+s28+$0x0], $0xffff;
	v53 =	vor.u32 v52, v51  }
0xfb: {  	[tilespmem:s11+$0xFFFFFEB0] =	vst v14;
	v15 =	vshll.u32 v12, $0x3;
	v23 =	vor.u32 $0x3, v23;
	v24 =	vor.u32 v52, v16;
	v11 =	vld.idx.msk [tilespmem:v13+s28+$0x0], $0xffff  }
0xfc: {  	[tilespmem:s11+$0xFFFFFEC0] =	vst v19;
	v16 =	vor.u32 v23, v16;
	v13 =	vand.u32 $0x400, v15;
	v2 =	vld.idx.msk [tilespmem:v2+s28+$0x0], $0xffff  }
0xfd: {  	[tilespmem:s11+$0xFFFFFED0] =	vst v17;
	v12 =	vand.u32 $0x70, v12;
	v15 =	vor.u32 v23, v51;
	v14 =	vadd.s32 v0, v13;
	v4 =	vld.idx.msk [tilespmem:v4+s28+$0x0], $0xffff  }
0xfe: {  	[tilespmem:s11+$0xFFFFFEE0] =	vst v8;
	v13 =	vadd.s32 v1, v13;
	v17 =	vld.idx.msk [tilespmem:v22+s28+$0x0], $0xffff;
	v19 =	vor.u32 v12, v14  }
0xff: {  	[tilespmem:s11+$0xFFFFFEF0] =	vst v6;
	v22 =	vor.u32 $0x1, v12;
	v8 =	vld.idx.msk [tilespmem:v53+s28+$0x0], $0xffff;
	v23 =	vor.u32 v12, v13  }
0x100: {  	[tilespmem:s11+$0xFFFFFF20] =	vst v9;
	v6 =	vld.idx.msk [tilespmem:v24+s28+$0x0], $0xffff;
	v54 =	vor.u32 v22, v14  }
0x101: {  	s30 =	simm.s32 $0x14;
	v55 =	vor.u32 $0x2, v12;
	[tilespmem:s11+$0xFFFFFF00] =	vst v18;
	v16 =	vld.idx.msk [tilespmem:v16+s28+$0x0], $0xffff;
	v22 =	vor.u32 v22, v13  }
0x102: {  	v18 =	vmov s30;
	[tilespmem:s11+$0xFFFFFF40] =	vst v5;
	v56 =	vor.u32 v55, v14;
	v15 =	vld.idx.msk [tilespmem:v15+s28+$0x0], $0xffff  }
0x103: {  	[tilespmem:s11+$0xFFFFFF10] =	vst v21;
	v21 =	vshll.u32 v18, $0x3;
	v12 =	vor.u32 $0x3, v12;
	v24 =	vor.u32 v55, v13;
	v9 =	vld.idx.msk [tilespmem:v19+s28+$0x0], $0xffff  }
0x104: {  	[tilespmem:s11+$0xFFFFFF60] =	vst v10;
	v14 =	vor.u32 v12, v14;
	v19 =	vand.u32 $0x400, v21;
	v27 =	vld.idx.msk [tilespmem:v23+s28+$0x0], $0xffff  }
0x105: {  	[tilespmem:s11+$0xFFFFFF30] =	vst v20;
	v18 =	vand.u32 $0x74, v18;
	v12 =	vor.u32 v12, v13;
	v5 =	vld.idx.msk [tilespmem:v54+s28+$0x0], $0xffff;
	v20 =	vadd.s32 v0, v19  }
0x106: {  	[tilespmem:s11+$0xFFFFFF50] =	vst v3;
	v3 =	vld.idx.msk [tilespmem:v22+s28+$0x0], $0xffff;
	v13 =	vadd.s32 v1, v19;
	v19 =	vor.u32 v18, v20  }
0x107: {  	[tilespmem:s11+$0xFFFFFF70] =	vst v7;
	v21 =	vor.u32 $0x1, v18;
	v57 =	vld.idx.msk [tilespmem:v56+s28+$0x0], $0xffff;
	v22 =	vor.u32 v18, v13  }
0x108: {  	[tilespmem:s11+$0xFFFFFF80] =	vst v11;
	v7 =	vld.idx.msk [tilespmem:v24+s28+$0x0], $0xffff;
	v10 =	vor.u32 v21, v20  }
0x109: {  	s31 =	simm.s32 $0x18;
	[tilespmem:s11+$0xFFFFFF90] =	vst v2;
	v23 =	vor.u32 $0x2, v18;
	v58 =	vld.idx.msk [tilespmem:v14+s28+$0x0], $0xffff;
	v21 =	vor.u32 v21, v13  }
0x10a: {  	v11 =	vmov s31;
	[tilespmem:s11+$0xFFFFFFA0] =	vst v4;
	v2 =	vld.idx.msk [tilespmem:v12+s28+$0x0], $0xffff;
	v14 =	vor.u32 v23, v20  }
0x10b: {  	[tilespmem:s11+$0xFFFFFFB0] =	vst v17;
	v12 =	vshll.u32 v11, $0x3;
	v18 =	vor.u32 $0x3, v18;
	v59 =	vor.u32 v23, v13;
	v28 =	vld.idx.msk [tilespmem:v19+s28+$0x0], $0xffff  }
0x10c: {  	[tilespmem:s11+$0xFFFFFFC0] =	vst v8;
	v4 =	vand.u32 $0x400, v12;
	v12 =	vor.u32 v18, v20;
	v29 =	vld.idx.msk [tilespmem:v22+s28+$0x0], $0xffff  }
0x10d: {  	[tilespmem:s11+$0xFFFFFFD0] =	vst v6;
	v11 =	vand.u32 $0x78, v11;
	v17 =	vadd.s32 v0, v4;
	v13 =	vor.u32 v18, v13;
	v23 =	vld.idx.msk [tilespmem:v10+s28+$0x0], $0xffff  }
0x10e: {  	[tilespmem:s11+$0xFFFFFFF0] =	vst v16;
	v4 =	vadd.s32 v1, v4;
	v8 =	vor.u32 v11, v17;
	v21 =	vld.idx.msk [tilespmem:v21+s28+$0x0], $0xffff  }
0x10f: {  	[tilespmem:s11+$0xFFFFFFE0] =	vst v15;
	v15 =	vor.u32 $0x2, v11;
	v18 =	vor.u32 v11, v4;
	v22 =	vld.idx.msk [tilespmem:v14+s28+$0x0], $0xffff  }
0x110: {  	v16 =	vor.u32 v15, v17;
	[tilespmem:s11+$0x0] =	vst v9;
	v19 =	vld.idx.msk [tilespmem:v59+s28+$0x0], $0xffff  }
0x111: {  	v6 =	vor.u32 $0x1, v11;
	v60 =	vor.u32 v15, v4;
	[tilespmem:s11+$0x10] =	vst v27;
	v20 =	vld.idx.msk [tilespmem:v12+s28+$0x0], $0xffff  }
0x112: {  	[tilespmem:s11+$0x20] =	vst v5;
	v14 =	vor.u32 v6, v17;
	v10 =	vld.idx.msk [tilespmem:v13+s28+$0x0], $0xffff  }
0x113: {  	v9 =	vmov s15;
	[tilespmem:s11+$0x30] =	vst v3;
	v6 =	vor.u32 v6, v4;
	v13 =	vor.u32 $0x3, v11;
	v11 =	vld.idx.msk [tilespmem:v8+s28+$0x0], $0xffff  }
0x114: {  	[tilespmem:s11+$0x40] =	vst v57;
	v5 =	vshll.u32 v9, $0x3;
	v17 =	vor.u32 v13, v17;
	v12 =	vld.idx.msk [tilespmem:v18+s28+$0x0], $0xffff  }
0x115: {  	[tilespmem:s11+$0x50] =	vst v7;
	v3 =	vand.u32 $0x400, v5;
	v18 =	vor.u32 v13, v4;
	v15 =	vld.idx.msk [tilespmem:v16+s28+$0x0], $0xffff  }
0x116: {  	[tilespmem:s11+$0x60] =	vst v58;
	v61 =	vadd.s32 v0, v3;
	v62 =	vadd.s32 v1, v3;
	v4 =	vand.u32 $0x60, v9;
	v16 =	vld.idx.msk [tilespmem:v60+s28+$0x0], $0xffff  }
0x117: {  	[tilespmem:s11+$0x70] =	vst v2;
	v3 =	vor.u32 $0x1, v4;
	v9 =	vor.u32 v4, v61;
	v63 =	vor.u32 $0x2, v4;
	v13 =	vld.idx.msk [tilespmem:v14+s28+$0x0], $0xffff  }
0x118: {  	v8 =	vor.u32 v4, v62;
	v7 =	vor.u32 v3, v61;
	v5 =	vor.u32 v63, v61;
	v14 =	vld.idx.msk [tilespmem:v6+s28+$0x0], $0xffff  }
0x119: {  	v2 =	vor.u32 $0x3, v4;
	v4 =	vor.u32 v63, v62;
	v6 =	vor.u32 v3, v62;
	[tilespmem:s11+$0x80] =	vst v28;
	v17 =	vld.idx.msk [tilespmem:v17+s28+$0x0], $0xffff  }
0x11a: {  	s17 =	simm.s32 $0x0;
	s18 =	simm.s32 $0x20;
	s15 =	simm.s32 $0x8200;
	v3 =	vor.u32 v2, v61;
	v2 =	vor.u32 v2, v62;
	[tilespmem:s11+$0x90] =	vst v29;
	v18 =	vld.idx.msk [tilespmem:v18+s28+$0x0], $0xffff  }
.LBB2_4:
0x11b: {  	s19 =	sadd.s32 $0x4, s18  }
0x11c: {  	v24 =	vmov s18;
	s30 =	sadd.s32 $0x8, s18;
	s31 =	sadd.s32 $0x1C, s18;
	v25 =	vld.idx.msk [tilespmem:v9+s28+$0x0], $0xffff;
	[tilespmem:s11+$0xA0] =	vst v23;
	s20 =	sadd.s32 $0xC, s18;
	v23 =	vmov s19  }
0x11d: {  	s21 =	sadd.s32 $0x10, s18;
	s22 =	sadd.s32 $0x14, s18;
	[tilespmem:s11+$0xB0] =	vst v21;
	v26 =	vmov s30;
	v9 =	vmov s31;
	v27 =	vmov s20  }
0x11e: {  	[tilespmem:s11+$0xC0] =	vst v22;
	v28 =	vmov s21;
	s31 =	sadd.s32 $0x18, s18;
	v21 =	vmov s22;
	v29 =	vshll.u32 v9, $0x3  }
0x11f: {  	[tilespmem:s11+$0xE0] =	vst v20;
	v30 =	vmov s31;
	v22 =	vshll.u32 v23, $0x3;
	v31 =	vand.u32 $0x7C, v9  }
0x120: {  	[tilespmem:s11+$0xF0] =	vst v10;
	v20 =	vshll.u32 v26, $0x3;
	v34 =	vshll.u32 v27, $0x3;
	v9 =	vld.idx.msk [tilespmem:v3+s28+$0x0], $0xffff;
	v3 =	vshll.u32 v28, $0x3  }
0x121: {  	v10 =	vld.idx.msk [tilespmem:v2+s28+$0x0], $0xffff;
	v2 =	vshll.u32 v21, $0x3;
	v21 =	vand.u32 $0x74, v21;
	v29 =	vand.u32 $0x400, v29;
	[tilespmem:s11+$0x100] =	vst v11  }
0x122: {  	v33 =	vor.u32 $0x3, v31;
	v37 =	vor.u32 $0x1, v31;
	v20 =	vand.u32 $0x400, v20;
	[tilespmem:s11+$0x110] =	vst v12  }
0x123: {  	v49 =	vand.u32 $0x400, v3;
	v3 =	vand.u32 $0x78, v30;
	v43 =	vor.u32 $0x1, v21;
	[tilespmem:s11+$0x120] =	vst v13  }
0x124: {  	v44 =	vor.u32 $0x2, v21;
	v32 =	vadd.s32 v0, v29;
	v29 =	vadd.s32 v1, v29;
	[tilespmem:s11+$0x130] =	vst v14  }
0x125: {  	v11 =	vshll.u32 v30, $0x3;
	v12 =	vshll.u32 v24, $0x3;
	v13 =	vand.u32 $0x400, v22;
	[tilespmem:s11+$0x140] =	vst v15  }
0x126: {  	v14 =	vand.u32 $0x400, v34;
	v15 =	vand.u32 $0x400, v2;
	[tilespmem:s11+$0x150] =	vst v16;
	v16 =	vand.u32 $0x64, v23  }
0x127: {  	v8 =	vld.idx.msk [tilespmem:v8+s28+$0x0], $0xffff;
	v23 =	vand.u32 $0x68, v26;
	[tilespmem:s11+$0x160] =	vst v17;
	v17 =	vand.u32 $0x6C, v27;
	v27 =	vand.u32 $0x70, v28  }
0x128: {  	[tilespmem:s11+$0xD0] =	vst v19;
	v4 =	vld.idx.msk [tilespmem:v4+s28+$0x0], $0xffff;
	v2 =	vand.u32 $0x60, v24;
	v54 =	vadd.s32 v0, v20;
	v19 =	vor.u32 v31, v32  }
0x129: {  	v7 =	vld.idx.msk [tilespmem:v7+s28+$0x0], $0xffff;
	v20 =	vadd.s32 v1, v20;
	v45 =	vor.u32 $0x1, v3;
	v35 =	vor.u32 v33, v29  }
0x12a: {  	v5 =	vld.idx.msk [tilespmem:v5+s28+$0x0], $0xffff;
	v46 =	vor.u32 $0x2, v3;
	v36 =	vor.u32 v31, v29;
	v38 =	vor.u32 v37, v32  }
0x12b: {  	v6 =	vld.idx.msk [tilespmem:v6+s28+$0x0], $0xffff;
	v37 =	vor.u32 v37, v29;
	v31 =	vor.u32 $0x2, v31;
	v11 =	vand.u32 $0x400, v11  }
0x12c: {  	[tilespmem:s11+$0x170] =	vst v18;
	v18 =	vadd.s32 v0, v13;
	v13 =	vadd.s32 v1, v13;
	v30 =	vadd.s32 v0, v14  }
0x12d: {  	v14 =	vadd.s32 v1, v14;
	v59 =	vor.u32 $0x1, v23;
	[tilespmem:s15+$0xFFFFFE50] =	vst v4;
	v4 =	vor.u32 v23, v54;
	v19 =	vld.idx.msk [tilespmem:v19+s28+$0x0], $0xffff  }
0x12e: {  	[tilespmem:s11+$0xFFFFFE00] =	vst v25;
	v60 =	vor.u32 $0x2, v23;
	v61 =	vor.u32 $0x3, v23;
	v23 =	vor.u32 v23, v20;
	v50 =	vld.idx.msk [tilespmem:v35+s28+$0x0], $0xffff  }
0x12f: {  	v12 =	vand.u32 $0x400, v12;
	v34 =	vadd.s32 v0, v15;
	[tilespmem:s15+$0xFFFFFE40] =	vst v5;
	v22 =	vor.u32 v31, v32;
	v51 =	vld.idx.msk [tilespmem:v36+s28+$0x0], $0xffff  }
0x130: {  	v56 =	vor.u32 $0x1, v16;
	v15 =	vadd.s32 v1, v15;
	[tilespmem:s15+$0xFFFFFE70] =	vst v10;
	v29 =	vor.u32 v31, v29;
	v52 =	vld.idx.msk [tilespmem:v38+s28+$0x0], $0xffff  }
0x131: {  	v57 =	vor.u32 $0x2, v16;
	v32 =	vor.u32 v33, v32;
	v31 =	vadd.s32 v0, v49;
	[tilespmem:s15+$0xFFFFFE20] =	vst v7;
	v53 =	vld.idx.msk [tilespmem:v37+s28+$0x0], $0xffff  }
0x132: {  	v7 =	vor.u32 v16, v18;
	v37 =	vor.u32 v60, v54;
	v38 =	vor.u32 v60, v20;
	v60 =	vld.idx.msk [tilespmem:v4+s28+$0x0], $0xffff  }
0x133: {  	v58 =	vor.u32 $0x3, v16;
	[tilespmem:s15+$0xFFFFFE10] =	vst v8;
	v8 =	vor.u32 v16, v13;
	v16 =	vor.u32 v56, v13;
	v23 =	vld.idx.msk [tilespmem:v23+s28+$0x0], $0xffff  }
0x134: {  	v42 =	vor.u32 $0x2, v27;
	v33 =	vadd.s32 v1, v49;
	[tilespmem:s15+$0xFFFFFE30] =	vst v6;
	v63 =	vor.u32 v57, v18;
	v22 =	vld.idx.msk [tilespmem:v22+s28+$0x0], $0xffff  }
0x135: {  	v6 =	vor.u32 v56, v18;
	v5 =	vor.u32 v57, v13;
	v18 =	vor.u32 v58, v18;
	v55 =	vld.idx.msk [tilespmem:v29+s28+$0x0], $0xffff  }
0x136: {  	v13 =	vor.u32 v58, v13;
	v26 =	vor.u32 v59, v54;
	v24 =	vor.u32 v61, v54;
	v32 =	vld.idx.msk [tilespmem:v32+s28+$0x0], $0xffff  }
0x137: {  	v28 =	vor.u32 v17, v30;
	v58 =	vor.u32 v43, v34;
	v43 =	vor.u32 v43, v15;
	v10 =	vld.idx.msk [tilespmem:v7+s28+$0x0], $0xffff  }
0x138: {  	v62 =	vor.u32 $0x3, v27;
	[tilespmem:s15+$0xFFFFFE60] =	vst v9;
	v56 =	vor.u32 v42, v31;
	v42 =	vor.u32 v42, v33;
	v16 =	vld.idx.msk [tilespmem:v16+s28+$0x0], $0xffff  }
0x139: {  	s11 =	sadd.s32 $0x400, s11;
	v25 =	vor.u32 v62, v33;
	v35 =	vadd.s32 v0, v12;
	v12 =	vadd.s32 v1, v12;
	v29 =	vld.idx.msk [tilespmem:v63+s28+$0x0], $0xffff  }
0x13a: {  	v40 =	vor.u32 $0x2, v17;
	v36 =	vor.u32 v59, v20;
	v20 =	vor.u32 v61, v20;
	v57 =	vld.idx.msk [tilespmem:v5+s28+$0x0], $0xffff;
	[tilespmem:s11+$0x1F0] =	vst v50  }
0x13b: {  	v39 =	vor.u32 $0x1, v17;
	v54 =	vor.u32 v40, v30;
	v40 =	vor.u32 v40, v14;
	v18 =	vld.idx.msk [tilespmem:v18+s28+$0x0], $0xffff;
	[tilespmem:s11+$0x180] =	vst v19  }
0x13c: {  	v48 =	vor.u32 $0x2, v2;
	v59 =	vor.u32 v44, v34;
	v44 =	vor.u32 v44, v15;
	v13 =	vld.idx.msk [tilespmem:v13+s28+$0x0], $0xffff;
	[tilespmem:s11+$0x190] =	vst v51  }
0x13d: {  	v41 =	vor.u32 $0x1, v27;
	v26 =	vld.idx.msk [tilespmem:v26+s28+$0x0], $0xffff;
	v9 =	vor.u32 v2, v35;
	v4 =	vor.u32 v48, v12;
	[tilespmem:s11+$0x1A0] =	vst v52  }
0x13e: {  	v47 =	vor.u32 $0x1, v2;
	v19 =	vadd.s32 v0, v11;
	v11 =	vadd.s32 v1, v11;
	[tilespmem:s11+$0x1B0] =	vst v53;
	v51 =	vld.idx.msk [tilespmem:v8+s28+$0x0], $0xffff  }
0x13f: {  	v50 =	vor.u32 $0x3, v2;
	v52 =	vor.u32 v39, v30;
	v39 =	vor.u32 v39, v14;
	v53 =	vld.idx.msk [tilespmem:v6+s28+$0x0], $0xffff;
	[tilespmem:s11+$0x1C0] =	vst v22  }
0x140: {  	v8 =	vor.u32 v2, v12;
	v6 =	vor.u32 v47, v12;
	v20 =	vld.idx.msk [tilespmem:v20+s28+$0x0], $0xffff;
	v22 =	vor.u32 $0x3, v17;
	[tilespmem:s11+$0x1D0] =	vst v55  }
0x141: {  	[tilespmem:s11+$0x1E0] =	vst v32;
	v17 =	vor.u32 v17, v14;
	v55 =	vor.u32 v41, v31;
	v41 =	vor.u32 v41, v33  }
0x142: {  	v49 =	vor.u32 $0x3, v3;
	v61 =	vor.u32 v3, v11;
	v2 =	vor.u32 v50, v12;
	v12 =	vld.idx.msk [tilespmem:v38+s28+$0x0], $0xffff;
	[tilespmem:s11+$0xFFFFFE80] =	vst v10  }
0x143: {  	v32 =	vor.u32 $0x3, v21;
	v63 =	vor.u32 v46, v19;
	v46 =	vor.u32 v46, v11;
	v10 =	vld.idx.msk [tilespmem:v24+s28+$0x0], $0xffff;
	[tilespmem:s11+$0xFFFFFEE0] =	vst v18  }
0x144: {  	v18 =	vld.idx.msk [tilespmem:v54+s28+$0x0], $0xffff;
	v30 =	vor.u32 v22, v30;
	v14 =	vor.u32 v22, v14;
	v22 =	vor.u32 v27, v31  }
0x145: {  	[tilespmem:s11+$0xFFFFFEF0] =	vst v13;
	v27 =	vor.u32 v27, v33;
	v31 =	vor.u32 v62, v31;
	v33 =	vor.u32 v21, v34  }
0x146: {  	v13 =	vld.idx.msk [tilespmem:v40+s28+$0x0], $0xffff;
	v21 =	vor.u32 v21, v15;
	v34 =	vor.u32 v32, v34;
	v15 =	vor.u32 v32, v15  }
0x147: {  	v32 =	vor.u32 v3, v19;
	v62 =	vor.u32 v45, v19;
	v3 =	vor.u32 v49, v19;
	v19 =	vld.idx.msk [tilespmem:v36+s28+$0x0], $0xffff  }
0x148: {  	[tilespmem:s11+$0xFFFFFEB0] =	vst v16;
	v45 =	vor.u32 v45, v11;
	v49 =	vor.u32 v49, v11;
	v11 =	vld.idx.msk [tilespmem:v37+s28+$0x0], $0xffff  }
0x149: {  	[tilespmem:s11+$0xFFFFFF10] =	vst v23;
	v23 =	vld.idx.msk [tilespmem:v58+s28+$0x0], $0xffff  }
0x14a: {  	[tilespmem:s11+$0xFFFFFE90] =	vst v51;
	v51 =	vld.idx.msk [tilespmem:v28+s28+$0x0], $0xffff  }
0x14b: {  	[tilespmem:s11+$0xFFFFFEC0] =	vst v29;
	v16 =	vld.idx.msk [tilespmem:v17+s28+$0x0], $0xffff  }
0x14c: {  	[tilespmem:s11+$0xFFFFFED0] =	vst v57;
	v17 =	vld.idx.msk [tilespmem:v52+s28+$0x0], $0xffff  }
0x14d: {  	[tilespmem:s11+$0xFFFFFF00] =	vst v60;
	v52 =	vld.idx.msk [tilespmem:v39+s28+$0x0], $0xffff  }
0x14e: {  	[tilespmem:s11+$0xFFFFFF50] =	vst v12;
	v12 =	vld.idx.msk [tilespmem:v41+s28+$0x0], $0xffff  }
0x14f: {  	[tilespmem:s11+$0xFFFFFEA0] =	vst v53;
	v53 =	vld.idx.msk [tilespmem:v30+s28+$0x0], $0xffff  }
0x150: {  	[tilespmem:s11+$0xFFFFFF20] =	vst v26;
	v14 =	vld.idx.msk [tilespmem:v14+s28+$0x0], $0xffff  }
0x151: {  	[tilespmem:$0x1FFD0] =	vst v3;
	v54 =	vld.idx.msk [tilespmem:v22+s28+$0x0], $0xffff  }
0x152: {  	[tilespmem:s11+$0xFFFFFF70] =	vst v20;
	v27 =	vld.idx.msk [tilespmem:v27+s28+$0x0], $0xffff  }
0x153: {  	[tilespmem:s11+$0xFFFFFF40] =	vst v11;
	v11 =	vld.idx.msk [tilespmem:v55+s28+$0x0], $0xffff  }
0x154: {  	[tilespmem:s11+$0xFFFFFF60] =	vst v10;
	v55 =	vld.idx.msk [tilespmem:v56+s28+$0x0], $0xffff  }
0x155: {  	[tilespmem:s11+$0xFFFFFF30] =	vst v19;
	v56 =	vld.idx.msk [tilespmem:v42+s28+$0x0], $0xffff  }
0x156: {  	v57 =	vld.idx.msk [tilespmem:v31+s28+$0x0], $0xffff;
	[tilespmem:s11+$0xFFFFFFC0] =	vst v18  }
0x157: {  	v60 =	vld.idx.msk [tilespmem:v21+s28+$0x0], $0xffff;
	[tilespmem:s11+$0xFFFFFFD0] =	vst v13  }
0x158: {  	v21 =	vld.idx.msk [tilespmem:v43+s28+$0x0], $0xffff;
	[tilespmem:s11+$0xFFFFFF80] =	vst v51  }
0x159: {  	v22 =	vld.idx.msk [tilespmem:v59+s28+$0x0], $0xffff;
	[tilespmem:s11+$0xFFFFFF90] =	vst v16  }
0x15a: {  	[tilespmem:s11+$0xFFFFFFA0] =	vst v17;
	v17 =	vld.idx.msk [tilespmem:v33+s28+$0x0], $0xffff  }
0x15b: {  	v19 =	vld.idx.msk [tilespmem:v44+s28+$0x0], $0xffff;
	[tilespmem:s11+$0xFFFFFFB0] =	vst v52  }
0x15c: {  	v16 =	vld.idx.msk [tilespmem:v25+s28+$0x0], $0xffff;
	[tilespmem:s11+$0x30] =	vst v12  }
0x15d: {  	v20 =	vld.idx.msk [tilespmem:v34+s28+$0x0], $0xffff;
	[tilespmem:s11+$0xFFFFFFE0] =	vst v53  }
0x15e: {  	v10 =	vld.idx.msk [tilespmem:v15+s28+$0x0], $0xffff;
	[tilespmem:s11+$0xFFFFFFF0] =	vst v14  }
0x15f: {  	[tilespmem:s11+$0x80] =	vst v17;
	v17 =	vld [tilespmem:$0x1FFD0]  }
0x160: {  	v13 =	vld.idx.msk [tilespmem:v62+s28+$0x0], $0xffff;
	[tilespmem:s11+$0x0] =	vst v54  }
0x161: {  	s17 =	sadd.s32 $0x8, s17;
	v15 =	vld.idx.msk [tilespmem:v63+s28+$0x0], $0xffff;
	[tilespmem:s11+$0x10] =	vst v27  }
0x162: {  	p2 =	slt.u32 s17, $0x38;
	v18 =	vld.idx.msk [tilespmem:v49+s28+$0x0], $0xffff;
	[tilespmem:s11+$0x20] =	vst v11  }
.Ltmp3:
0x163: {  	v12 =	vld.idx.msk [tilespmem:v61+s28+$0x0], $0xffff;
	[tilespmem:s11+$0x40] =	vst v55;
	(pc) =	sbr.rel @p2 .LBB2_4-.Ltmp3, $4  }
0x164: {  	v11 =	vld.idx.msk [tilespmem:v32+s28+$0x0], $0xffff;
	[tilespmem:s11+$0x50] =	vst v56  }
0x165: {  	v14 =	vld.idx.msk [tilespmem:v45+s28+$0x0], $0xffff;
	[tilespmem:s11+$0x60] =	vst v57  }
0x166: {  	v7 =	vor.u32 v47, v35;
	[tilespmem:s11+$0x70] =	vst v16;
	v16 =	vld.idx.msk [tilespmem:v46+s28+$0x0], $0xffff  }
0x167: {  	s18 =	sadd.s32 $0x20, s18;
	s15 =	smov.u32 s11;
	v5 =	vor.u32 v48, v35;
	v3 =	vor.u32 v50, v35;
	[tilespmem:s11+$0x90] =	vst v60;
	v17 =	vld.idx.msk [tilespmem:v17+s28+$0x0], $0xffff  }
0x168: {  	[tilespmem:s11+$0xA0] =	vst v23  }
0x169: {  	[tilespmem:s11+$0xB0] =	vst v21  }
0x16a: {  	[tilespmem:s11+$0xC0] =	vst v22  }
0x16b: {  	[tilespmem:s11+$0xD0] =	vst v19  }
0x16c: {  	[tilespmem:s11+$0xE0] =	vst v20  }
0x16d: {  	[tilespmem:s11+$0xF0] =	vst v10  }
0x16e: {  	[tilespmem:s11+$0x110] =	vst v12  }
0x16f: {  	v9 =	vld.idx.msk [tilespmem:v9+s28+$0x0], $0xffff;
	[tilespmem:s11+$0x120] =	vst v13  }
0x170: {  	v8 =	vld.idx.msk [tilespmem:v8+s28+$0x0], $0xffff;
	[tilespmem:s11+$0x140] =	vst v15  }
0x171: {  	v7 =	vld.idx.msk [tilespmem:v7+s28+$0x0], $0xffff;
	[tilespmem:s11+$0x170] =	vst v18  }
0x172: {  	v6 =	vld.idx.msk [tilespmem:v6+s28+$0x0], $0xffff;
	[tilespmem:s11+$0x100] =	vst v11  }
0x173: {  	v5 =	vld.idx.msk [tilespmem:v5+s28+$0x0], $0xffff;
	[tilespmem:s11+$0x130] =	vst v14  }
0x174: {  	v4 =	vld.idx.msk [tilespmem:v4+s28+$0x0], $0xffff;
	[tilespmem:s11+$0x150] =	vst v16  }
0x175: {  	v3 =	vld.idx.msk [tilespmem:v3+s28+$0x0], $0xffff;
	[tilespmem:s11+$0x160] =	vst v17  }
0x176: {  	v2 =	vld.idx.msk [tilespmem:v2+s28+$0x0], $0xffff;
	[tilespmem:s11+$0xFFFFFE00] =	vst v9  }
0x177: {  	[tilespmem:s15+$0xFFFFFE10] =	vst v8  }
0x178: {  	[tilespmem:s15+$0xFFFFFE20] =	vst v7  }
0x179: {  	[tilespmem:s15+$0xFFFFFE30] =	vst v6  }
0x17a: {  	[tilespmem:s15+$0xFFFFFE40] =	vst v5  }
0x17b: {  	[tilespmem:s15+$0xFFFFFE50] =	vst v4  }
0x17c: {  	[tilespmem:s15+$0xFFFFFE60] =	vst v3  }
0x17d: {  	[tilespmem:s15+$0xFFFFFE70] =	vst v2  }
0x17e: {  	[tilespmem:s28], [sflag:$0x2] =	stream.linear.gather [hbm4b:s10+s4], $0x800, $0x38;
	[tilespmem:$0xA000] =	vst v63  }
0x17f: {  	s17 =	sadd.s32 $0xF4280, s10;
	s18 =	simm.s32 $0x3C00  }
0x180: {  	[tilespmem:s18], [sflag:$0x2] =	stream.linear.gather [hbm4b:s17+s4], $0x800, $0x38;
	[tilespmem:$0xA000] =	vst v63  }
0x181: {  	s19 =	sadd.s32 $0x1E8500, s10;
	s20 =	simm.s32 $0x4800  }
0x182: {  	[tilespmem:s20], [sflag:$0x2] =	stream.linear.gather [hbm4b:s19+s4], $0x800, $0x38;
	[tilespmem:$0xA000] =	vst v63  }
0x183: {  	s21 =	sadd.s32 $0x2DC780, s10;
	s22 =	simm.s32 $0x5400  }
0x184: {  	[tilespmem:s22], [sflag:$0x2] =	stream.linear.gather [hbm4b:s21+s4], $0x800, $0x38;
	[tilespmem:$0xA000] =	vst v63  }
0x185: {  	s30 =	simm.s32 $0x1;
	s31 =	rddreg [dreg:$0x4]  }
0x186: {  	[hbm4b:s31+s4] =	stream.linear.scatter [tilespmem:s24], [sflag:$0x4], $0x2000, $0x38;
	[tilespmem:$0xA000] =	vst v63  }
.LBB2_6:
0x187: {  	s11 =	simm.s32 $0x1C  }
0x188: {  	v2 =	vmov s11  }
0x189: {  	v3 =	vshll.u32 v2, $0x3  }
0x18a: {  	v3 =	vand.u32 $0x400, v3  }
0x18b: {  	_ =	swait.ge [sflag:s0], $0x2000;
	v2 =	vand.u32 $0x7C, v2;
	v4 =	vadd.s32 v0, v3  }
0x18c: {  	[sflag:s0] =	ssyncset.done $0x0;
	v6 =	vor.u32 $0x3, v2;
	v3 =	vadd.s32 v1, v3;
	v5 =	vor.u32 v2, v4  }
0x18d: {  	[sflag:s0] =	ssyncadd.s32 $0xFFFFE000;
	v7 =	vor.u32 v6, v3  }
0x18e: {  	s18 =	simm.s32 $0x4;
	s19 =	simm.s32 $0x8;
	_ =	swait.ge [sflag:s25], $0x2000;
	v9 =	vor.u32 $0x1, v2;
	v8 =	vor.u32 v2, v3  }
0x18f: {  	v11 =	vmov s18;
	v18 =	vmov s19;
	[sflag:s25] =	ssyncset.done $0x0;
	v10 =	vor.u32 v9, v4  }
0x190: {  	v12 =	vshll.u32 v11, $0x3;
	[sflag:s25] =	ssyncadd.s32 $0xFFFFE000;
	v9 =	vor.u32 v9, v3;
	v2 =	vor.u32 $0x2, v2  }
0x191: {  	v20 =	vshll.u32 v18, $0x3;
	v18 =	vand.u32 $0x68, v18;
	v13 =	vor.u32 v2, v4;
	v5 =	vld.idx.msk [tilespmem:v5+s4+$0x0], $0xffff  }
0x192: {  	v12 =	vand.u32 $0x400, v12;
	v20 =	vand.u32 $0x400, v20;
	v2 =	vor.u32 v2, v3;
	v3 =	vld.idx.msk [tilespmem:v7+s4+$0x0], $0xffff  }
0x193: {  	v4 =	vor.u32 v6, v4;
	v6 =	vand.u32 $0x64, v11;
	v11 =	vadd.s32 v1, v12;
	v7 =	vld.idx.msk [tilespmem:v8+s4+$0x0], $0xffff  }
0x194: {  	v22 =	vor.u32 $0x1, v18;
	v21 =	vadd.s32 v0, v20;
	v15 =	vor.u32 v6, v11;
	v10 =	vld.idx.msk [tilespmem:v10+s4+$0x0], $0xffff  }
0x195: {  	v24 =	vor.u32 v22, v21;
	v8 =	vadd.s32 v0, v12;
	v9 =	vld.idx.msk [tilespmem:v9+s4+$0x0], $0xffff  }
0x196: {  	v14 =	vor.u32 $0x1, v6;
	v12 =	vor.u32 v6, v8;
	v13 =	vld.idx.msk [tilespmem:v13+s4+$0x0], $0xffff  }
0x197: {  	v16 =	vor.u32 v14, v8;
	v2 =	vld.idx.msk [tilespmem:v2+s4+$0x0], $0xffff  }
0x198: {  	v17 =	vor.u32 $0x2, v6;
	v14 =	vor.u32 v14, v11;
	v4 =	vld.idx.msk [tilespmem:v4+s4+$0x0], $0xffff  }
0x199: {  	s11 =	simm.s32 $0x6200;
	v19 =	vor.u32 v17, v8;
	v15 =	vld.idx.msk [tilespmem:v15+s4+$0x0], $0xffff  }
0x19a: {  	v6 =	vor.u32 $0x3, v6;
	v17 =	vor.u32 v17, v11;
	[tilespmem:s11+$0x1B0] =	vst v9;
	v9 =	vld.idx.msk [tilespmem:v24+s4+$0x0], $0xffff  }
0x19b: {  	v8 =	vor.u32 v6, v8;
	v12 =	vld.idx.msk [tilespmem:v12+s4+$0x0], $0xffff  }
0x19c: {  	v6 =	vor.u32 v6, v11;
	v11 =	vld.idx.msk [tilespmem:v16+s4+$0x0], $0xffff  }
0x19d: {  	v16 =	vadd.s32 v1, v20;
	v20 =	vor.u32 v18, v21;
	v14 =	vld.idx.msk [tilespmem:v14+s4+$0x0], $0xffff  }
0x19e: {  	[tilespmem:s11+$0x1F0] =	vst v3;
	v3 =	vor.u32 $0x2, v18;
	v19 =	vld.idx.msk [tilespmem:v19+s4+$0x0], $0xffff;
	v23 =	vor.u32 v18, v16  }
0x19f: {  	s15 =	simm.s32 $0xC;
	[tilespmem:s11+$0x180] =	vst v5;
	v17 =	vld.idx.msk [tilespmem:v17+s4+$0x0], $0xffff;
	v5 =	vor.u32 v3, v21  }
0x1a0: {  	v25 =	vmov s15;
	[tilespmem:s11+$0x190] =	vst v7;
	v7 =	vor.u32 $0x3, v18;
	v22 =	vor.u32 v22, v16;
	v8 =	vld.idx.msk [tilespmem:v8+s4+$0x0], $0xffff  }
0x1a1: {  	v26 =	vshll.u32 v25, $0x3;
	[tilespmem:s11+$0x1A0] =	vst v10;
	v10 =	vor.u32 v7, v21;
	v6 =	vld.idx.msk [tilespmem:v6+s4+$0x0], $0xffff  }
0x1a2: {  	v3 =	vor.u32 v3, v16;
	v18 =	vld.idx.msk [tilespmem:v20+s4+$0x0], $0xffff;
	v20 =	vand.u32 $0x400, v26  }
0x1a3: {  	v7 =	vor.u32 v7, v16;
	v21 =	vld.idx.msk [tilespmem:v23+s4+$0x0], $0xffff;
	v23 =	vand.u32 $0x6C, v25;
	v52 =	vadd.s32 v0, v20  }
0x1a4: {  	[tilespmem:s11+$0x1C0] =	vst v13;
	v5 =	vld.idx.msk [tilespmem:v5+s4+$0x0], $0xffff;
	v16 =	vadd.s32 v1, v20;
	v13 =	vor.u32 v23, v52  }
0x1a5: {  	[tilespmem:s11+$0x1D0] =	vst v2;
	v20 =	vld.idx.msk [tilespmem:v22+s4+$0x0], $0xffff;
	v22 =	vor.u32 $0x1, v23;
	v2 =	vor.u32 v23, v16  }
0x1a6: {  	[tilespmem:s11+$0x1E0] =	vst v4;
	v10 =	vld.idx.msk [tilespmem:v10+s4+$0x0], $0xffff;
	v4 =	vor.u32 v22, v52  }
0x1a7: {  	s20 =	simm.s32 $0x10;
	[tilespmem:s11+$0xFFFFFE90] =	vst v15;
	v3 =	vld.idx.msk [tilespmem:v3+s4+$0x0], $0xffff;
	v53 =	vor.u32 $0x2, v23;
	v22 =	vor.u32 v22, v16  }
0x1a8: {  	[tilespmem:s11+$0xFFFFFE80] =	vst v12;
	v12 =	vmov s20;
	v7 =	vld.idx.msk [tilespmem:v7+s4+$0x0], $0xffff;
	v54 =	vor.u32 v53, v52  }
0x1a9: {  	[tilespmem:s11+$0xFFFFFEA0] =	vst v11;
	v15 =	vshll.u32 v12, $0x3;
	v23 =	vor.u32 $0x3, v23;
	v24 =	vor.u32 v53, v16;
	v11 =	vld.idx.msk [tilespmem:v13+s4+$0x0], $0xffff  }
0x1aa: {  	[tilespmem:s11+$0xFFFFFEB0] =	vst v14;
	v16 =	vor.u32 v23, v16;
	v13 =	vand.u32 $0x400, v15;
	v2 =	vld.idx.msk [tilespmem:v2+s4+$0x0], $0xffff  }
0x1ab: {  	[tilespmem:s11+$0xFFFFFEC0] =	vst v19;
	v12 =	vand.u32 $0x70, v12;
	v15 =	vor.u32 v23, v52;
	v14 =	vadd.s32 v0, v13;
	v4 =	vld.idx.msk [tilespmem:v4+s4+$0x0], $0xffff  }
0x1ac: {  	[tilespmem:s11+$0xFFFFFED0] =	vst v17;
	v13 =	vadd.s32 v1, v13;
	v17 =	vld.idx.msk [tilespmem:v22+s4+$0x0], $0xffff;
	v19 =	vor.u32 v12, v14  }
0x1ad: {  	[tilespmem:s11+$0xFFFFFEE0] =	vst v8;
	v22 =	vor.u32 $0x1, v12;
	v8 =	vld.idx.msk [tilespmem:v54+s4+$0x0], $0xffff;
	v23 =	vor.u32 v12, v13  }
0x1ae: {  	[tilespmem:s11+$0xFFFFFEF0] =	vst v6;
	v6 =	vld.idx.msk [tilespmem:v24+s4+$0x0], $0xffff;
	v55 =	vor.u32 v22, v14  }
0x1af: {  	s21 =	simm.s32 $0x14;
	[tilespmem:s11+$0xFFFFFF20] =	vst v9;
	v56 =	vor.u32 $0x2, v12;
	v16 =	vld.idx.msk [tilespmem:v16+s4+$0x0], $0xffff;
	v22 =	vor.u32 v22, v13  }
0x1b0: {  	[tilespmem:s11+$0xFFFFFF00] =	vst v18;
	v18 =	vmov s21;
	v57 =	vor.u32 v56, v14;
	v15 =	vld.idx.msk [tilespmem:v15+s4+$0x0], $0xffff  }
0x1b1: {  	[tilespmem:s11+$0xFFFFFF10] =	vst v21;
	v21 =	vshll.u32 v18, $0x3;
	v12 =	vor.u32 $0x3, v12;
	v24 =	vor.u32 v56, v13;
	v9 =	vld.idx.msk [tilespmem:v19+s4+$0x0], $0xffff  }
0x1b2: {  	[tilespmem:s11+$0xFFFFFF30] =	vst v20;
	v14 =	vor.u32 v12, v14;
	v19 =	vand.u32 $0x400, v21;
	v20 =	vld.idx.msk [tilespmem:v23+s4+$0x0], $0xffff  }
0x1b3: {  	[tilespmem:s11+$0xFFFFFF40] =	vst v5;
	v18 =	vand.u32 $0x74, v18;
	v12 =	vor.u32 v12, v13;
	v5 =	vld.idx.msk [tilespmem:v55+s4+$0x0], $0xffff;
	v21 =	vadd.s32 v0, v19  }
0x1b4: {  	[tilespmem:s11+$0xFFFFFF50] =	vst v3;
	v3 =	vld.idx.msk [tilespmem:v22+s4+$0x0], $0xffff;
	v13 =	vadd.s32 v1, v19;
	v19 =	vor.u32 v18, v21  }
0x1b5: {  	[tilespmem:s11+$0xFFFFFF60] =	vst v10;
	v22 =	vor.u32 $0x1, v18;
	v58 =	vld.idx.msk [tilespmem:v57+s4+$0x0], $0xffff;
	v23 =	vor.u32 v18, v13  }
0x1b6: {  	[tilespmem:s11+$0xFFFFFF70] =	vst v7;
	v7 =	vld.idx.msk [tilespmem:v24+s4+$0x0], $0xffff;
	v10 =	vor.u32 v22, v21  }
0x1b7: {  	s22 =	simm.s32 $0x18;
	v59 =	vor.u32 $0x2, v18;
	[tilespmem:s11+$0xFFFFFF80] =	vst v11;
	v60 =	vld.idx.msk [tilespmem:v14+s4+$0x0], $0xffff;
	v22 =	vor.u32 v22, v13  }
0x1b8: {  	v11 =	vmov s22;
	[tilespmem:s11+$0xFFFFFF90] =	vst v2;
	v2 =	vld.idx.msk [tilespmem:v12+s4+$0x0], $0xffff;
	v14 =	vor.u32 v59, v21  }
0x1b9: {  	[tilespmem:s11+$0xFFFFFFA0] =	vst v4;
	v12 =	vshll.u32 v11, $0x3;
	v18 =	vor.u32 $0x3, v18;
	v24 =	vor.u32 v59, v13;
	v19 =	vld.idx.msk [tilespmem:v19+s4+$0x0], $0xffff  }
0x1ba: {  	[tilespmem:s11+$0xFFFFFFB0] =	vst v17;
	v4 =	vand.u32 $0x400, v12;
	v12 =	vor.u32 v18, v21;
	v27 =	vld.idx.msk [tilespmem:v23+s4+$0x0], $0xffff  }
0x1bb: {  	v17 =	vand.u32 $0x78, v11;
	[tilespmem:s11+$0xFFFFFFC0] =	vst v8;
	v28 =	vadd.s32 v0, v4;
	v13 =	vor.u32 v18, v13;
	v23 =	vld.idx.msk [tilespmem:v10+s4+$0x0], $0xffff  }
0x1bc: {  	[tilespmem:s11+$0xFFFFFFD0] =	vst v6;
	v4 =	vadd.s32 v1, v4;
	v8 =	vor.u32 v17, v28;
	v21 =	vld.idx.msk [tilespmem:v22+s4+$0x0], $0xffff  }
0x1bd: {  	[tilespmem:s11+$0xFFFFFFF0] =	vst v16;
	v6 =	vor.u32 $0x1, v17;
	v18 =	vor.u32 v17, v4;
	v22 =	vld.idx.msk [tilespmem:v14+s4+$0x0], $0xffff  }
0x1be: {  	[tilespmem:s11+$0xFFFFFFE0] =	vst v15;
	v15 =	vor.u32 v6, v28;
	v10 =	vld.idx.msk [tilespmem:v24+s4+$0x0], $0xffff  }
0x1bf: {  	v6 =	vor.u32 v6, v4;
	[tilespmem:s11+$0x0] =	vst v9;
	v14 =	vor.u32 $0x2, v17;
	v11 =	vld.idx.msk [tilespmem:v12+s4+$0x0], $0xffff  }
0x1c0: {  	s31 =	simm.s32 $0x0;
	[tilespmem:s11+$0x10] =	vst v20;
	v61 =	vor.u32 v14, v28;
	v12 =	vld.idx.msk [tilespmem:v13+s4+$0x0], $0xffff  }
0x1c1: {  	v16 =	vor.u32 $0x3, v17;
	v9 =	vmov s31;
	[tilespmem:s11+$0x20] =	vst v5;
	v20 =	vor.u32 v14, v4;
	v13 =	vld.idx.msk [tilespmem:v8+s4+$0x0], $0xffff  }
0x1c2: {  	[tilespmem:s11+$0x30] =	vst v3;
	v5 =	vshll.u32 v9, $0x3;
	v28 =	vor.u32 v16, v28;
	v14 =	vld.idx.msk [tilespmem:v18+s4+$0x0], $0xffff  }
0x1c3: {  	v29 =	vor.u32 v16, v4;
	[tilespmem:s11+$0x40] =	vst v58;
	v3 =	vand.u32 $0x400, v5;
	v4 =	vand.u32 $0x60, v9;
	v15 =	vld.idx.msk [tilespmem:v15+s4+$0x0], $0xffff  }
0x1c4: {  	[tilespmem:s11+$0x50] =	vst v7;
	v62 =	vadd.s32 v0, v3;
	v30 =	vadd.s32 v1, v3;
	v16 =	vld.idx.msk [tilespmem:v6+s4+$0x0], $0xffff;
	v3 =	vor.u32 $0x1, v4  }
0x1c5: {  	[tilespmem:s11+$0x60] =	vst v60;
	v9 =	vor.u32 v4, v62;
	v8 =	vor.u32 v4, v30;
	v63 =	vor.u32 $0x2, v4;
	v17 =	vld.idx.msk [tilespmem:v61+s4+$0x0], $0xffff  }
0x1c6: {  	[tilespmem:s11+$0x70] =	vst v2;
	v2 =	vor.u32 $0x3, v4;
	v7 =	vor.u32 v3, v62;
	v6 =	vor.u32 v3, v30;
	v18 =	vld.idx.msk [tilespmem:v20+s4+$0x0], $0xffff  }
0x1c7: {  	v5 =	vor.u32 v63, v62;
	v3 =	vor.u32 v2, v62;
	[tilespmem:s11+$0x80] =	vst v19;
	v19 =	vld.idx.msk [tilespmem:v28+s4+$0x0], $0xffff  }
0x1c8: {  	s17 =	simm.s32 $0x0;
	s18 =	simm.s32 $0x20;
	s15 =	simm.s32 $0x6200;
	v1 =	vmov v0;
	v4 =	vor.u32 v63, v30;
	v2 =	vor.u32 v2, v30;
	[tilespmem:s11+$0x90] =	vst v27;
	v20 =	vld.idx.msk [tilespmem:v29+s4+$0x0], $0xffff  }
.LBB2_7:
0x1c9: {  	v24 =	vmov s18;
	s31 =	sadd.s32 $0x8, s18;
	s20 =	sadd.s32 $0x1C, s18;
	s22 =	sadd.s32 $0xC, s18  }
0x1ca: {  	v25 =	vld.idx.msk [tilespmem:v9+s4+$0x0], $0xffff;
	s21 =	sadd.s32 $0x10, s18;
	v26 =	vmov s31;
	v9 =	vmov s20;
	v27 =	vmov s22;
	s31 =	sadd.s32 $0x18, s18  }
0x1cb: {  	v28 =	vmov s21;
	v29 =	vshll.u32 v9, $0x3;
	v30 =	vmov s31;
	[tilespmem:s11+$0xA0] =	vst v23  }
0x1cc: {  	v31 =	vand.u32 $0x7C, v9;
	v35 =	vshll.u32 v27, $0x3;
	v9 =	vld.idx.msk [tilespmem:v3+s4+$0x0], $0xffff;
	v3 =	vshll.u32 v28, $0x3;
	[tilespmem:s11+$0xB0] =	vst v21  }
0x1cd: {  	s19 =	sadd.s32 $0x4, s18;
	v29 =	vand.u32 $0x400, v29;
	v34 =	vor.u32 $0x3, v31;
	v37 =	vor.u32 $0x1, v31;
	[tilespmem:s11+$0xE0] =	vst v11  }
0x1ce: {  	v0 =	vld [tilespmem:$0x1FFF0];
	s22 =	sadd.s32 $0x14, s18;
	v49 =	vand.u32 $0x400, v3;
	v3 =	vand.u32 $0x78, v30;
	v23 =	vmov s19;
	[tilespmem:s11+$0x100] =	vst v13  }
0x1cf: {  	v21 =	vmov s22;
	v32 =	vadd.s32 v1, v29;
	v11 =	vshll.u32 v26, $0x3;
	[tilespmem:s11+$0x110] =	vst v14  }
0x1d0: {  	v13 =	vshll.u32 v30, $0x3;
	v14 =	vshll.u32 v24, $0x3;
	[tilespmem:s11+$0x130] =	vst v16;
	v16 =	vand.u32 $0x400, v35  }
0x1d1: {  	[tilespmem:s11+$0x160] =	vst v19;
	v19 =	vand.u32 $0x6C, v27;
	v27 =	vand.u32 $0x70, v28;
	v45 =	vor.u32 $0x1, v3  }
0x1d2: {  	[tilespmem:s11+$0xC0] =	vst v22;
	v46 =	vor.u32 $0x2, v3;
	v22 =	vshll.u32 v23, $0x3;
	v33 =	vor.u32 v31, v32  }
0x1d3: {  	[tilespmem:s11+$0xD0] =	vst v10;
	v10 =	vld.idx.msk [tilespmem:v2+s4+$0x0], $0xffff;
	v29 =	vadd.s32 v0, v29;
	v2 =	vshll.u32 v21, $0x3;
	v38 =	vor.u32 v37, v32  }
0x1d4: {  	v8 =	vld.idx.msk [tilespmem:v8+s4+$0x0], $0xffff;
	[tilespmem:s11+$0xF0] =	vst v12;
	v11 =	vand.u32 $0x400, v11;
	v13 =	vand.u32 $0x400, v13;
	v14 =	vand.u32 $0x400, v14  }
0x1d5: {  	v5 =	vld.idx.msk [tilespmem:v5+s4+$0x0], $0xffff;
	[tilespmem:s11+$0x150] =	vst v18;
	v18 =	vand.u32 $0x64, v23;
	v23 =	vand.u32 $0x68, v26;
	v21 =	vand.u32 $0x74, v21  }
0x1d6: {  	v4 =	vld.idx.msk [tilespmem:v4+s4+$0x0], $0xffff;
	[tilespmem:s11+$0x120] =	vst v15;
	v39 =	vor.u32 $0x1, v19;
	v40 =	vor.u32 $0x2, v19;
	v36 =	vor.u32 v34, v29  }
0x1d7: {  	v7 =	vld.idx.msk [tilespmem:v7+s4+$0x0], $0xffff;
	[tilespmem:s11+$0x140] =	vst v17;
	v61 =	vor.u32 $0x3, v19;
	v41 =	vor.u32 $0x1, v27;
	v12 =	vor.u32 v31, v29  }
0x1d8: {  	v6 =	vld.idx.msk [tilespmem:v6+s4+$0x0], $0xffff;
	[tilespmem:s11+$0x170] =	vst v20;
	v42 =	vor.u32 $0x2, v27;
	v37 =	vor.u32 v37, v29;
	v31 =	vor.u32 $0x2, v31  }
0x1d9: {  	[tilespmem:s11+$0xFFFFFE00] =	vst v25;
	v62 =	vor.u32 $0x3, v27;
	v15 =	vand.u32 $0x400, v22;
	v48 =	vor.u32 v31, v32;
	v22 =	vld.idx.msk [tilespmem:v33+s4+$0x0], $0xffff  }
0x1da: {  	[tilespmem:s15+$0xFFFFFE40] =	vst v5;
	v17 =	vand.u32 $0x400, v2;
	v54 =	vadd.s32 v1, v11;
	v29 =	vor.u32 v31, v29;
	v51 =	vld.idx.msk [tilespmem:v38+s4+$0x0], $0xffff  }
0x1db: {  	[tilespmem:s15+$0xFFFFFE50] =	vst v4;
	v11 =	vadd.s32 v0, v11;
	v55 =	vor.u32 $0x1, v18;
	v32 =	vor.u32 v34, v32;
	v50 =	vld.idx.msk [tilespmem:v36+s4+$0x0], $0xffff  }
0x1dc: {  	v56 =	vor.u32 $0x2, v18;
	v58 =	vor.u32 $0x1, v23;
	[tilespmem:s15+$0xFFFFFE10] =	vst v8;
	v4 =	vor.u32 v23, v54;
	v12 =	vld.idx.msk [tilespmem:v12+s4+$0x0], $0xffff  }
0x1dd: {  	v59 =	vor.u32 $0x2, v23;
	v60 =	vor.u32 $0x3, v23;
	[tilespmem:s15+$0xFFFFFE20] =	vst v7;
	v23 =	vor.u32 v23, v11;
	v52 =	vld.idx.msk [tilespmem:v37+s4+$0x0], $0xffff  }
0x1de: {  	v57 =	vor.u32 $0x3, v18;
	[tilespmem:s15+$0xFFFFFE30] =	vst v6;
	v20 =	vadd.s32 v1, v15;
	v26 =	vor.u32 v58, v54;
	v53 =	vld.idx.msk [tilespmem:v48+s4+$0x0], $0xffff  }
0x1df: {  	v15 =	vadd.s32 v0, v15;
	v25 =	vor.u32 v60, v54;
	v7 =	vor.u32 v18, v20;
	v29 =	vld.idx.msk [tilespmem:v29+s4+$0x0], $0xffff  }
0x1e0: {  	v8 =	vor.u32 v18, v15;
	v18 =	vor.u32 v55, v15;
	v63 =	vor.u32 v56, v20;
	v32 =	vld.idx.msk [tilespmem:v32+s4+$0x0], $0xffff  }
0x1e1: {  	v38 =	vor.u32 v59, v11;
	v36 =	vor.u32 v58, v11;
	v11 =	vor.u32 v60, v11;
	v60 =	vld.idx.msk [tilespmem:v4+s4+$0x0], $0xffff  }
0x1e2: {  	v31 =	vadd.s32 v1, v49;
	v34 =	vadd.s32 v0, v49;
	v5 =	vor.u32 v56, v15;
	v23 =	vld.idx.msk [tilespmem:v23+s4+$0x0], $0xffff  }
0x1e3: {  	v35 =	vadd.s32 v1, v17;
	v6 =	vor.u32 v55, v20;
	v20 =	vor.u32 v57, v20;
	v26 =	vld.idx.msk [tilespmem:v26+s4+$0x0], $0xffff  }
0x1e4: {  	v2 =	vand.u32 $0x60, v24;
	v17 =	vadd.s32 v0, v17;
	v15 =	vor.u32 v57, v15;
	[tilespmem:s15+$0xFFFFFE70] =	vst v10;
	v10 =	vld.idx.msk [tilespmem:v7+s4+$0x0], $0xffff  }
0x1e5: {  	v43 =	vor.u32 $0x1, v21;
	[tilespmem:s15+$0xFFFFFE60] =	vst v9;
	v24 =	vor.u32 v27, v31;
	v27 =	vor.u32 v27, v34;
	v18 =	vld.idx.msk [tilespmem:v18+s4+$0x0], $0xffff  }
0x1e6: {  	v55 =	vor.u32 v41, v31;
	v41 =	vor.u32 v41, v34;
	v56 =	vor.u32 v42, v31;
	v30 =	vld.idx.msk [tilespmem:v63+s4+$0x0], $0xffff  }
0x1e7: {  	v42 =	vor.u32 v42, v34;
	v31 =	vor.u32 v62, v31;
	v33 =	vadd.s32 v1, v16;
	v57 =	vld.idx.msk [tilespmem:v5+s4+$0x0], $0xffff  }
0x1e8: {  	v16 =	vadd.s32 v0, v16;
	v37 =	vor.u32 v59, v54;
	v28 =	vor.u32 v19, v33;
	v20 =	vld.idx.msk [tilespmem:v20+s4+$0x0], $0xffff  }
0x1e9: {  	s11 =	sadd.s32 $0x400, s11;
	v19 =	vor.u32 v19, v16;
	v54 =	vor.u32 v40, v33;
	v40 =	vor.u32 v40, v16;
	v15 =	vld.idx.msk [tilespmem:v15+s4+$0x0], $0xffff  }
0x1ea: {  	v44 =	vor.u32 $0x2, v21;
	v58 =	vor.u32 v43, v35;
	v43 =	vor.u32 v43, v17;
	v24 =	vld.idx.msk [tilespmem:v24+s4+$0x0], $0xffff;
	[tilespmem:s11+$0x180] =	vst v22  }
0x1eb: {  	v47 =	vor.u32 $0x1, v2;
	v59 =	vor.u32 v44, v35;
	v44 =	vor.u32 v44, v17;
	v56 =	vld.idx.msk [tilespmem:v56+s4+$0x0], $0xffff;
	[tilespmem:s11+$0x1A0] =	vst v51  }
0x1ec: {  	v49 =	vor.u32 $0x3, v3;
	v31 =	vld.idx.msk [tilespmem:v31+s4+$0x0], $0xffff;
	v22 =	vadd.s32 v1, v13;
	v13 =	vadd.s32 v0, v13;
	[tilespmem:s11+$0x1F0] =	vst v50  }
0x1ed: {  	v48 =	vor.u32 $0x2, v2;
	v51 =	vld.idx.msk [tilespmem:v8+s4+$0x0], $0xffff;
	[tilespmem:s11+$0x190] =	vst v12;
	v12 =	vadd.s32 v1, v14;
	v14 =	vadd.s32 v0, v14  }
0x1ee: {  	[tilespmem:s11+$0x1B0] =	vst v52;
	v52 =	vor.u32 v39, v33;
	v39 =	vor.u32 v39, v16;
	v33 =	vor.u32 v61, v33  }
0x1ef: {  	v16 =	vor.u32 v61, v16;
	v61 =	vor.u32 v3, v13;
	v63 =	vor.u32 v46, v22;
	[tilespmem:s11+$0x1C0] =	vst v53  }
0x1f0: {  	v46 =	vor.u32 v46, v13;
	v0 =	vor.u32 v49, v22;
	v49 =	vor.u32 v49, v13;
	[tilespmem:s11+$0x1D0] =	vst v29  }
0x1f1: {  	v11 =	vld.idx.msk [tilespmem:v11+s4+$0x0], $0xffff;
	[tilespmem:s11+$0x1E0] =	vst v32;
	v32 =	vor.u32 $0x3, v21;
	v29 =	vor.u32 v62, v34;
	v34 =	vor.u32 v21, v35  }
0x1f2: {  	v53 =	vld.idx.msk [tilespmem:v6+s4+$0x0], $0xffff;
	v21 =	vor.u32 v21, v17;
	v62 =	vor.u32 v45, v22;
	v45 =	vor.u32 v45, v13  }
0x1f3: {  	v9 =	vor.u32 v2, v12;
	v8 =	vor.u32 v2, v14;
	v7 =	vor.u32 v47, v12;
	[tilespmem:s11+$0xFFFFFE80] =	vst v10  }
0x1f4: {  	v50 =	vor.u32 $0x3, v2;
	v6 =	vor.u32 v47, v14;
	v13 =	vld.idx.msk [tilespmem:v37+s4+$0x0], $0xffff;
	v4 =	vor.u32 v48, v14;
	[tilespmem:s11+$0xFFFFFEB0] =	vst v18  }
0x1f5: {  	v2 =	vor.u32 v50, v14;
	v14 =	vld.idx.msk [tilespmem:v28+s4+$0x0], $0xffff;
	v35 =	vor.u32 v32, v35;
	[tilespmem:s11+$0xFFFFFEC0] =	vst v30  }
0x1f6: {  	v17 =	vor.u32 v32, v17;
	v32 =	vor.u32 v3, v22;
	v22 =	vld.idx.msk [tilespmem:v36+s4+$0x0], $0xffff;
	[tilespmem:s11+$0xFFFFFED0] =	vst v57  }
0x1f7: {  	v5 =	vor.u32 v48, v12;
	v3 =	vor.u32 v50, v12;
	v12 =	vld.idx.msk [tilespmem:v38+s4+$0x0], $0xffff;
	[tilespmem:s11+$0xFFFFFEE0] =	vst v20  }
0x1f8: {  	v10 =	vld.idx.msk [tilespmem:v25+s4+$0x0], $0xffff;
	[tilespmem:s11+$0xFFFFFEF0] =	vst v15  }
0x1f9: {  	v18 =	vld.idx.msk [tilespmem:v19+s4+$0x0], $0xffff;
	[tilespmem:s11+$0xFFFFFF00] =	vst v60  }
0x1fa: {  	v20 =	vld.idx.msk [tilespmem:v54+s4+$0x0], $0xffff;
	[tilespmem:s11+$0xFFFFFF10] =	vst v23  }
0x1fb: {  	v15 =	vld.idx.msk [tilespmem:v40+s4+$0x0], $0xffff;
	[tilespmem:s11+$0xFFFFFF20] =	vst v26  }
0x1fc: {  	v54 =	vld.idx.msk [tilespmem:v27+s4+$0x0], $0xffff;
	[tilespmem:s11+$0xFFFFFE90] =	vst v51  }
0x1fd: {  	v19 =	vld.idx.msk [tilespmem:v52+s4+$0x0], $0xffff;
	[tilespmem:s11+$0xFFFFFF70] =	vst v11  }
0x1fe: {  	v52 =	vld.idx.msk [tilespmem:v39+s4+$0x0], $0xffff;
	[tilespmem:s11+$0xFFFFFEA0] =	vst v53  }
0x1ff: {  	v16 =	vld.idx.msk [tilespmem:v16+s4+$0x0], $0xffff;
	[tilespmem:s11+$0xFFFFFF40] =	vst v13  }
0x200: {  	v53 =	vld.idx.msk [tilespmem:v33+s4+$0x0], $0xffff;
	[tilespmem:s11+$0xFFFFFF80] =	vst v14  }
0x201: {  	v57 =	vld.idx.msk [tilespmem:v42+s4+$0x0], $0xffff;
	[tilespmem:s11+$0xFFFFFF30] =	vst v22  }
0x202: {  	v23 =	vld.idx.msk [tilespmem:v58+s4+$0x0], $0xffff;
	[tilespmem:s11+$0xFFFFFF50] =	vst v12  }
0x203: {  	v13 =	vld.idx.msk [tilespmem:v55+s4+$0x0], $0xffff;
	[tilespmem:s11+$0xFFFFFF60] =	vst v10  }
0x204: {  	v55 =	vld.idx.msk [tilespmem:v41+s4+$0x0], $0xffff;
	[tilespmem:s11+$0xFFFFFF90] =	vst v18  }
0x205: {  	v60 =	vld.idx.msk [tilespmem:v21+s4+$0x0], $0xffff;
	[tilespmem:s11+$0xFFFFFFC0] =	vst v20  }
0x206: {  	v21 =	vld.idx.msk [tilespmem:v43+s4+$0x0], $0xffff;
	[tilespmem:s11+$0xFFFFFFD0] =	vst v15  }
0x207: {  	v18 =	vld.idx.msk [tilespmem:v29+s4+$0x0], $0xffff;
	[tilespmem:s11+$0x0] =	vst v24  }
0x208: {  	v14 =	vld.idx.msk [tilespmem:v61+s4+$0x0], $0xffff;
	[tilespmem:s11+$0x10] =	vst v54  }
0x209: {  	v22 =	vld.idx.msk [tilespmem:v59+s4+$0x0], $0xffff;
	[tilespmem:s11+$0x40] =	vst v56  }
0x20a: {  	v10 =	vld.idx.msk [tilespmem:v44+s4+$0x0], $0xffff;
	[tilespmem:s11+$0x50] =	vst v57  }
0x20b: {  	v11 =	vld.idx.msk [tilespmem:v35+s4+$0x0], $0xffff;
	[tilespmem:s11+$0x60] =	vst v31  }
0x20c: {  	v12 =	vld.idx.msk [tilespmem:v17+s4+$0x0], $0xffff;
	[tilespmem:s11+$0xFFFFFFA0] =	vst v19  }
0x20d: {  	v15 =	vld.idx.msk [tilespmem:v62+s4+$0x0], $0xffff;
	[tilespmem:s11+$0xFFFFFFB0] =	vst v52  }
0x20e: {  	s17 =	sadd.s32 $0x8, s17;
	v17 =	vld.idx.msk [tilespmem:v63+s4+$0x0], $0xffff;
	[tilespmem:s11+$0xFFFFFFF0] =	vst v16  }
0x20f: {  	p2 =	slt.u32 s17, $0x38;
	v19 =	vld.idx.msk [tilespmem:v34+s4+$0x0], $0xffff;
	[tilespmem:s11+$0xFFFFFFE0] =	vst v53  }
.Ltmp4:
0x210: {  	v20 =	vld.idx.msk [tilespmem:v49+s4+$0x0], $0xffff;
	[tilespmem:s11+$0x20] =	vst v13;
	(pc) =	sbr.rel @p2 .LBB2_7-.Ltmp4, $4  }
0x211: {  	v16 =	vld.idx.msk [tilespmem:v45+s4+$0x0], $0xffff;
	[tilespmem:s11+$0x30] =	vst v55  }
0x212: {  	v13 =	vld.idx.msk [tilespmem:v32+s4+$0x0], $0xffff;
	[tilespmem:s11+$0x90] =	vst v60  }
0x213: {  	[tilespmem:s11+$0x70] =	vst v18;
	v18 =	vld.idx.msk [tilespmem:v46+s4+$0x0], $0xffff  }
0x214: {  	s18 =	sadd.s32 $0x20, s18;
	s15 =	smov.u32 s11;
	[tilespmem:s11+$0x80] =	vst v19;
	v19 =	vld.idx.msk [tilespmem:v0+s4+$0x0], $0xffff  }
0x215: {  	[tilespmem:s11+$0xA0] =	vst v23  }
0x216: {  	[tilespmem:s11+$0xB0] =	vst v21  }
0x217: {  	[tilespmem:s11+$0xC0] =	vst v22  }
0x218: {  	[tilespmem:s11+$0xD0] =	vst v10  }
0x219: {  	[tilespmem:s11+$0xE0] =	vst v11  }
0x21a: {  	[tilespmem:s11+$0xF0] =	vst v12  }
0x21b: {  	[tilespmem:s11+$0x110] =	vst v14  }
0x21c: {  	v0 =	vld.idx.msk [tilespmem:v9+s4+$0x0], $0xffff;
	[tilespmem:s11+$0x120] =	vst v15  }
0x21d: {  	v8 =	vld.idx.msk [tilespmem:v8+s4+$0x0], $0xffff;
	[tilespmem:s11+$0x140] =	vst v17  }
0x21e: {  	v7 =	vld.idx.msk [tilespmem:v7+s4+$0x0], $0xffff;
	[tilespmem:s11+$0x170] =	vst v20  }
0x21f: {  	v6 =	vld.idx.msk [tilespmem:v6+s4+$0x0], $0xffff;
	[tilespmem:s11+$0x130] =	vst v16  }
0x220: {  	v5 =	vld.idx.msk [tilespmem:v5+s4+$0x0], $0xffff;
	[tilespmem:s11+$0x100] =	vst v13  }
0x221: {  	v4 =	vld.idx.msk [tilespmem:v4+s4+$0x0], $0xffff;
	[tilespmem:s11+$0x150] =	vst v18  }
0x222: {  	v3 =	vld.idx.msk [tilespmem:v3+s4+$0x0], $0xffff;
	[tilespmem:s11+$0x160] =	vst v19  }
0x223: {  	v2 =	vld.idx.msk [tilespmem:v2+s4+$0x0], $0xffff;
	[tilespmem:s11+$0xFFFFFE00] =	vst v0  }
0x224: {  	[tilespmem:s15+$0xFFFFFE10] =	vst v8  }
0x225: {  	[tilespmem:s15+$0xFFFFFE20] =	vst v7  }
0x226: {  	s31 =	sshll.u32 s30, $0x6;
	[tilespmem:s15+$0xFFFFFE30] =	vst v6  }
0x227: {  	s11 =	sadd.s32 s12, s31;
	[tilespmem:s15+$0xFFFFFE40] =	vst v5  }
0x228: {  	[tilespmem:s15+$0xFFFFFE50] =	vst v4;
	p2 =	sgt.u32 s11, $0xF41  }
0x229: {  	[tilespmem:s15+$0xFFFFFE60] =	vst v3;
	s11 =	sshll.u32 @!p2 s11, $0x8  }
0x22a: {  	[tilespmem:s15+$0xFFFFFE70] =	vst v2;
	s15 =	simm.s32 @!p2 $0x0;
	s11 =	sadd.s32 @!p2 s1, s11  }
0x22b: {  	[tilespmem:s15], [sflag:$0x1] =	stream.linear.gather @!p2 [hbm4b:s11+s15], $0x800, $0x38;
	[tilespmem:$0xA000] =	vst v63  }
0x22c: {  	s18 =	simm.s32 @!p2 $0xC00;
	s17 =	sadd.s32 @!p2 $0xF4280, s11  }
0x22d: {  	[tilespmem:s18], [sflag:$0x1] =	stream.linear.gather @!p2 [hbm4b:s17+s15], $0x800, $0x38;
	[tilespmem:$0xA000] =	vst v63  }
0x22e: {  	s17 =	sadd.s32 @!p2 $0x1E8500, s11;
	s18 =	simm.s32 @!p2 $0x1800  }
0x22f: {  	[tilespmem:s18], [sflag:$0x1] =	stream.linear.gather @!p2 [hbm4b:s17+s15], $0x800, $0x38;
	[tilespmem:$0xA000] =	vst v63  }
0x230: {  	s19 =	sshll.u32 s30, $0x10;
	s11 =	sadd.s32 @!p2 $0x2DC780, s11;
	s17 =	simm.s32 @!p2 $0x2400  }
0x231: {  	[tilespmem:s17], [sflag:$0x1] =	stream.linear.gather @!p2 [hbm4b:s11+s15], $0x800, $0x38;
	[tilespmem:$0xA000] =	vst v63  }
0x232: {  	s11 =	sor.u32 s7, s19  }
0x233: {  	s17 =	simm.s32 $0x0;
	s21 =	sadd.s32 s3, s11  }
0x234: {  	[hbm4b:s21+s17] =	stream.linear.scatter [tilespmem:s16], [sflag:$0x3], $0x2000, $0x38;
	[tilespmem:$0xA000] =	vst v63  }
0x235: {  	s20 =	simm.s32 $0x1C;
	_ =	swait.ge [sflag:s2], $0x2000  }
0x236: {  	v0 =	vmov s20;
	v29 =	vld [tilespmem:$0x1FFF0]  }
0x237: {  	v2 =	vshll.u32 v0, $0x3  }
0x238: {  	v2 =	vand.u32 $0x400, v2  }
0x239: {  	v0 =	vand.u32 $0x7C, v0;
	v3 =	vadd.s32 v1, v2  }
0x23a: {  	v8 =	vor.u32 $0x1, v0;
	v4 =	vor.u32 v0, v3;
	[sflag:s2] =	ssyncset.done $0x0  }
0x23b: {  	s22 =	simm.s32 $0x4;
	v5 =	vor.u32 $0x3, v0;
	v9 =	vor.u32 v8, v3;
	[sflag:s2] =	ssyncadd.s32 $0xFFFFE000;
	v2 =	vadd.s32 v29, v2  }
0x23c: {  	v10 =	vmov s22;
	_ =	swait.ge [sflag:s26], $0x2000;
	v6 =	vor.u32 v5, v2  }
0x23d: {  	v11 =	vshll.u32 v10, $0x3;
	s18 =	simm.s32 $0x8;
	[sflag:s26] =	ssyncset.done $0x0;
	v7 =	vor.u32 v0, v2  }
0x23e: {  	v17 =	vmov s18;
	[sflag:s26] =	ssyncadd.s32 $0xFFFFE000;
	v8 =	vor.u32 v8, v2;
	v0 =	vor.u32 $0x2, v0  }
0x23f: {  	v11 =	vand.u32 $0x400, v11;
	v19 =	vshll.u32 v17, $0x3;
	v4 =	vld.idx.msk [tilespmem:v4+s28+$0x0], $0xffff;
	v12 =	vor.u32 v0, v3  }
0x240: {  	v17 =	vand.u32 $0x68, v17;
	v19 =	vand.u32 $0x400, v19;
	v9 =	vld.idx.msk [tilespmem:v9+s28+$0x0], $0xffff;
	v0 =	vor.u32 v0, v2  }
0x241: {  	v3 =	vor.u32 v5, v3;
	v5 =	vand.u32 $0x64, v10;
	v10 =	vadd.s32 v29, v11;
	v2 =	vld.idx.msk [tilespmem:v6+s28+$0x0], $0xffff  }
0x242: {  	v21 =	vor.u32 $0x1, v17;
	v20 =	vadd.s32 v1, v19;
	v14 =	vor.u32 v5, v10;
	v6 =	vld.idx.msk [tilespmem:v7+s28+$0x0], $0xffff  }
0x243: {  	v23 =	vor.u32 v21, v20;
	v7 =	vadd.s32 v1, v11;
	v8 =	vld.idx.msk [tilespmem:v8+s28+$0x0], $0xffff  }
0x244: {  	v13 =	vor.u32 $0x1, v5;
	v11 =	vor.u32 v5, v7;
	v12 =	vld.idx.msk [tilespmem:v12+s28+$0x0], $0xffff  }
0x245: {  	v15 =	vor.u32 v13, v7;
	v0 =	vld.idx.msk [tilespmem:v0+s28+$0x0], $0xffff  }
0x246: {  	v16 =	vor.u32 $0x2, v5;
	v13 =	vor.u32 v13, v10;
	v3 =	vld.idx.msk [tilespmem:v3+s28+$0x0], $0xffff  }
0x247: {  	s15 =	simm.s32 $0x8200;
	v18 =	vor.u32 v16, v7;
	v14 =	vld.idx.msk [tilespmem:v14+s28+$0x0], $0xffff  }
0x248: {  	v5 =	vor.u32 $0x3, v5;
	v16 =	vor.u32 v16, v10;
	[tilespmem:s15+$0x1B0] =	vst v8;
	v8 =	vld.idx.msk [tilespmem:v23+s28+$0x0], $0xffff  }
0x249: {  	v7 =	vor.u32 v5, v7;
	v11 =	vld.idx.msk [tilespmem:v11+s28+$0x0], $0xffff  }
0x24a: {  	v5 =	vor.u32 v5, v10;
	v10 =	vld.idx.msk [tilespmem:v15+s28+$0x0], $0xffff  }
0x24b: {  	v15 =	vadd.s32 v29, v19;
	v19 =	vor.u32 v17, v20;
	v13 =	vld.idx.msk [tilespmem:v13+s28+$0x0], $0xffff  }
0x24c: {  	[tilespmem:s15+$0x1F0] =	vst v2;
	v2 =	vor.u32 $0x2, v17;
	v18 =	vld.idx.msk [tilespmem:v18+s28+$0x0], $0xffff;
	v22 =	vor.u32 v17, v15  }
0x24d: {  	s19 =	simm.s32 $0xC;
	[tilespmem:s15+$0x180] =	vst v4;
	v16 =	vld.idx.msk [tilespmem:v16+s28+$0x0], $0xffff;
	v4 =	vor.u32 v2, v20  }
0x24e: {  	v24 =	vmov s19;
	[tilespmem:s15+$0x190] =	vst v6;
	v6 =	vor.u32 $0x3, v17;
	v21 =	vor.u32 v21, v15;
	v7 =	vld.idx.msk [tilespmem:v7+s28+$0x0], $0xffff  }
0x24f: {  	v25 =	vshll.u32 v24, $0x3;
	[tilespmem:s15+$0x1A0] =	vst v9;
	v9 =	vor.u32 v6, v20;
	v5 =	vld.idx.msk [tilespmem:v5+s28+$0x0], $0xffff  }
0x250: {  	v2 =	vor.u32 v2, v15;
	v17 =	vld.idx.msk [tilespmem:v19+s28+$0x0], $0xffff;
	v19 =	vand.u32 $0x400, v25  }
0x251: {  	[tilespmem:s15+$0x1C0] =	vst v12;
	v6 =	vor.u32 v6, v15;
	v20 =	vld.idx.msk [tilespmem:v22+s28+$0x0], $0xffff;
	v22 =	vand.u32 $0x6C, v24;
	v55 =	vadd.s32 v1, v19  }
0x252: {  	[tilespmem:s15+$0x1D0] =	vst v0;
	v4 =	vld.idx.msk [tilespmem:v4+s28+$0x0], $0xffff;
	v15 =	vadd.s32 v29, v19;
	v12 =	vor.u32 v22, v55  }
0x253: {  	[tilespmem:s15+$0x1E0] =	vst v3;
	v19 =	vld.idx.msk [tilespmem:v21+s28+$0x0], $0xffff;
	v21 =	vor.u32 $0x1, v22;
	v0 =	vor.u32 v22, v15  }
0x254: {  	[tilespmem:s15+$0xFFFFFE90] =	vst v14;
	v9 =	vld.idx.msk [tilespmem:v9+s28+$0x0], $0xffff;
	v3 =	vor.u32 v21, v55  }
0x255: {  	s20 =	simm.s32 $0x10;
	[tilespmem:s15+$0xFFFFFE80] =	vst v11;
	v2 =	vld.idx.msk [tilespmem:v2+s28+$0x0], $0xffff;
	v23 =	vor.u32 $0x2, v22;
	v21 =	vor.u32 v21, v15  }
0x256: {  	v11 =	vmov s20;
	[tilespmem:s15+$0xFFFFFEA0] =	vst v10;
	v6 =	vld.idx.msk [tilespmem:v6+s28+$0x0], $0xffff;
	v56 =	vor.u32 v23, v55  }
0x257: {  	[tilespmem:s15+$0xFFFFFEB0] =	vst v13;
	v14 =	vshll.u32 v11, $0x3;
	v22 =	vor.u32 $0x3, v22;
	v23 =	vor.u32 v23, v15;
	v10 =	vld.idx.msk [tilespmem:v12+s28+$0x0], $0xffff  }
0x258: {  	[tilespmem:s15+$0xFFFFFEC0] =	vst v18;
	v15 =	vor.u32 v22, v15;
	v12 =	vand.u32 $0x400, v14;
	v0 =	vld.idx.msk [tilespmem:v0+s28+$0x0], $0xffff  }
0x259: {  	[tilespmem:s15+$0xFFFFFED0] =	vst v16;
	v11 =	vand.u32 $0x70, v11;
	v14 =	vor.u32 v22, v55;
	v13 =	vadd.s32 v1, v12;
	v3 =	vld.idx.msk [tilespmem:v3+s28+$0x0], $0xffff  }
0x25a: {  	[tilespmem:s15+$0xFFFFFEE0] =	vst v7;
	v12 =	vadd.s32 v29, v12;
	v16 =	vld.idx.msk [tilespmem:v21+s28+$0x0], $0xffff;
	v18 =	vor.u32 v11, v13  }
0x25b: {  	[tilespmem:s15+$0xFFFFFEF0] =	vst v5;
	v21 =	vor.u32 $0x1, v11;
	v7 =	vld.idx.msk [tilespmem:v56+s28+$0x0], $0xffff;
	v22 =	vor.u32 v11, v12  }
0x25c: {  	[tilespmem:s15+$0xFFFFFF20] =	vst v8;
	v5 =	vld.idx.msk [tilespmem:v23+s28+$0x0], $0xffff;
	v57 =	vor.u32 v21, v13  }
0x25d: {  	s21 =	simm.s32 $0x14;
	[tilespmem:s15+$0xFFFFFF00] =	vst v17;
	v23 =	vor.u32 $0x2, v11;
	v15 =	vld.idx.msk [tilespmem:v15+s28+$0x0], $0xffff;
	v21 =	vor.u32 v21, v12  }
0x25e: {  	v17 =	vmov s21;
	[tilespmem:s15+$0xFFFFFF40] =	vst v4;
	v58 =	vor.u32 v23, v13;
	v14 =	vld.idx.msk [tilespmem:v14+s28+$0x0], $0xffff  }
0x25f: {  	[tilespmem:s15+$0xFFFFFF10] =	vst v20;
	v20 =	vshll.u32 v17, $0x3;
	v11 =	vor.u32 $0x3, v11;
	v23 =	vor.u32 v23, v12;
	v8 =	vld.idx.msk [tilespmem:v18+s28+$0x0], $0xffff  }
0x260: {  	[tilespmem:s15+$0xFFFFFF60] =	vst v9;
	v13 =	vor.u32 v11, v13;
	v18 =	vand.u32 $0x400, v20;
	v26 =	vld.idx.msk [tilespmem:v22+s28+$0x0], $0xffff  }
0x261: {  	[tilespmem:s15+$0xFFFFFF30] =	vst v19;
	v17 =	vand.u32 $0x74, v17;
	v11 =	vor.u32 v11, v12;
	v4 =	vld.idx.msk [tilespmem:v57+s28+$0x0], $0xffff;
	v19 =	vadd.s32 v1, v18  }
0x262: {  	[tilespmem:s15+$0xFFFFFF50] =	vst v2;
	v2 =	vld.idx.msk [tilespmem:v21+s28+$0x0], $0xffff;
	v12 =	vadd.s32 v29, v18;
	v18 =	vor.u32 v17, v19  }
0x263: {  	[tilespmem:s15+$0xFFFFFF70] =	vst v6;
	v20 =	vor.u32 $0x1, v17;
	v9 =	vld.idx.msk [tilespmem:v58+s28+$0x0], $0xffff;
	v21 =	vor.u32 v17, v12  }
0x264: {  	s22 =	simm.s32 $0x18;
	[tilespmem:s15+$0xFFFFFF80] =	vst v10;
	v6 =	vld.idx.msk [tilespmem:v23+s28+$0x0], $0xffff;
	v22 =	vor.u32 v20, v19  }
0x265: {  	v10 =	vmov s22;
	[tilespmem:s15+$0xFFFFFF90] =	vst v0;
	v23 =	vor.u32 $0x2, v17;
	v59 =	vld.idx.msk [tilespmem:v13+s28+$0x0], $0xffff;
	v20 =	vor.u32 v20, v12  }
0x266: {  	[tilespmem:s15+$0xFFFFFFA0] =	vst v3;
	v0 =	vld.idx.msk [tilespmem:v11+s28+$0x0], $0xffff;
	v11 =	vshll.u32 v10, $0x3;
	v13 =	vor.u32 v23, v19  }
0x267: {  	[tilespmem:s15+$0xFFFFFFB0] =	vst v16;
	v17 =	vor.u32 $0x3, v17;
	v60 =	vor.u32 v23, v12;
	v11 =	vand.u32 $0x400, v11;
	v3 =	vld.idx.msk [tilespmem:v18+s28+$0x0], $0xffff  }
0x268: {  	v16 =	vand.u32 $0x78, v10;
	[tilespmem:s15+$0xFFFFFFC0] =	vst v7;
	v28 =	vadd.s32 v1, v11;
	v10 =	vor.u32 v17, v12;
	v27 =	vld.idx.msk [tilespmem:v21+s28+$0x0], $0xffff  }
0x269: {  	[tilespmem:s15+$0xFFFFFFD0] =	vst v5;
	v7 =	vadd.s32 v29, v11;
	v11 =	vor.u32 v16, v28;
	v23 =	vld.idx.msk [tilespmem:v22+s28+$0x0], $0xffff  }
0x26a: {  	[tilespmem:s15+$0xFFFFFFF0] =	vst v15;
	v12 =	vor.u32 v16, v7;
	v21 =	vld.idx.msk [tilespmem:v20+s28+$0x0], $0xffff  }
0x26b: {  	[tilespmem:s15+$0xFFFFFFE0] =	vst v14;
	v14 =	vor.u32 $0x2, v16;
	v18 =	vor.u32 v17, v19;
	v22 =	vld.idx.msk [tilespmem:v13+s28+$0x0], $0xffff  }
0x26c: {  	v5 =	vor.u32 $0x1, v16;
	v15 =	vor.u32 v14, v28;
	[tilespmem:s15+$0x0] =	vst v8;
	v19 =	vld.idx.msk [tilespmem:v60+s28+$0x0], $0xffff  }
0x26d: {  	[tilespmem:s15+$0x10] =	vst v26;
	v13 =	vor.u32 v5, v28;
	v10 =	vld.idx.msk [tilespmem:v10+s28+$0x0], $0xffff  }
0x26e: {  	[tilespmem:s15+$0x20] =	vst v4;
	v5 =	vor.u32 v5, v7;
	v11 =	vld.idx.msk [tilespmem:v11+s28+$0x0], $0xffff  }
0x26f: {  	v16 =	vor.u32 $0x3, v16;
	v8 =	vmov s17;
	[tilespmem:s15+$0x30] =	vst v2;
	v17 =	vor.u32 v14, v7;
	v12 =	vld.idx.msk [tilespmem:v12+s28+$0x0], $0xffff  }
0x270: {  	[tilespmem:s15+$0x40] =	vst v9;
	v4 =	vshll.u32 v8, $0x3;
	v20 =	vld.idx.msk [tilespmem:v18+s28+$0x0], $0xffff;
	v18 =	vor.u32 v16, v28  }
0x271: {  	v61 =	vor.u32 v16, v7;
	[tilespmem:s15+$0x50] =	vst v6;
	v2 =	vand.u32 $0x400, v4;
	v15 =	vld.idx.msk [tilespmem:v15+s28+$0x0], $0xffff  }
0x272: {  	[tilespmem:s15+$0x60] =	vst v59;
	v4 =	vand.u32 $0x60, v8;
	v62 =	vadd.s32 v1, v2;
	v2 =	vadd.s32 v29, v2;
	v13 =	vld.idx.msk [tilespmem:v13+s28+$0x0], $0xffff  }
0x273: {  	[tilespmem:s15+$0x70] =	vst v0;
	v63 =	vor.u32 $0x2, v4;
	v0 =	vor.u32 $0x3, v4;
	v9 =	vor.u32 v4, v62;
	v14 =	vld.idx.msk [tilespmem:v5+s28+$0x0], $0xffff  }
0x274: {  	v8 =	vor.u32 v4, v2;
	v5 =	vor.u32 $0x1, v4;
	v16 =	vld.idx.msk [tilespmem:v17+s28+$0x0], $0xffff;
	v4 =	vor.u32 v63, v2;
	[tilespmem:s15+$0x80] =	vst v3  }
0x275: {  	v3 =	vor.u32 v0, v62;
	[tilespmem:s15+$0x90] =	vst v27;
	v7 =	vor.u32 v5, v62;
	v17 =	vld.idx.msk [tilespmem:v18+s28+$0x0], $0xffff  }
0x276: {  	s18 =	simm.s32 $0x0;
	s19 =	simm.s32 $0x20;
	s17 =	simm.s32 $0x8200;
	v6 =	vor.u32 v5, v2;
	v5 =	vor.u32 v63, v62;
	v2 =	vor.u32 v0, v2;
	v18 =	vld.idx.msk [tilespmem:v61+s28+$0x0], $0xffff  }
.LBB2_9:
0x277: {  	s21 =	sadd.s32 $0x8, s19;
	s22 =	sadd.s32 $0x1C, s19  }
0x278: {  	v24 =	vld.idx.msk [tilespmem:v9+s28+$0x0], $0xffff;
	v25 =	vmov s21;
	s21 =	sadd.s32 $0x10, s19;
	v9 =	vmov s22;
	[tilespmem:s15+$0xA0] =	vst v23  }
0x279: {  	v0 =	vmov s19;
	s22 =	sadd.s32 $0x18, s19;
	v27 =	vmov s21;
	v28 =	vshll.u32 v9, $0x3;
	[tilespmem:s15+$0xB0] =	vst v21  }
0x27a: {  	v38 =	vld [tilespmem:$0x1FFF0];
	v29 =	vmov s22;
	v30 =	vand.u32 $0x7C, v9;
	v28 =	vand.u32 $0x400, v28;
	[tilespmem:s15+$0xC0] =	vst v22  }
0x27b: {  	s20 =	sadd.s32 $0x4, s19;
	s21 =	sadd.s32 $0x14, s19;
	v9 =	vld.idx.msk [tilespmem:v3+s28+$0x0], $0xffff;
	v32 =	vor.u32 $0x3, v30;
	v3 =	vshll.u32 v27, $0x3;
	v36 =	vor.u32 $0x1, v30;
	[tilespmem:s15+$0xE0] =	vst v20  }
0x27c: {  	v23 =	vmov s20;
	v21 =	vmov s21;
	v31 =	vadd.s32 v1, v28;
	[tilespmem:s15+$0x100] =	vst v11  }
0x27d: {  	s20 =	sadd.s32 $0xC, s19;
	v20 =	vshll.u32 v25, $0x3;
	v11 =	vshll.u32 v29, $0x3;
	[tilespmem:s15+$0x110] =	vst v12;
	v12 =	vshll.u32 v0, $0x3  }
0x27e: {  	[tilespmem:s15+$0xD0] =	vst v19;
	v48 =	vand.u32 $0x400, v3;
	v3 =	vand.u32 $0x78, v29;
	v26 =	vmov s20  }
0x27f: {  	[tilespmem:s15+$0xF0] =	vst v10;
	v22 =	vshll.u32 v23, $0x3;
	v19 =	vor.u32 v30, v31;
	v28 =	vadd.s32 v38, v28  }
0x280: {  	v10 =	vld.idx.msk [tilespmem:v2+s28+$0x0], $0xffff;
	[tilespmem:s15+$0x120] =	vst v13;
	v2 =	vshll.u32 v21, $0x3;
	v37 =	vor.u32 v36, v31;
	v20 =	vand.u32 $0x400, v20  }
0x281: {  	[tilespmem:s15+$0x150] =	vst v16;
	v11 =	vand.u32 $0x400, v11;
	v12 =	vand.u32 $0x400, v12;
	v16 =	vand.u32 $0x64, v23  }
0x282: {  	v5 =	vld.idx.msk [tilespmem:v5+s28+$0x0], $0xffff;
	[tilespmem:s15+$0x130] =	vst v14;
	v23 =	vand.u32 $0x68, v25;
	v21 =	vand.u32 $0x74, v21;
	v44 =	vor.u32 $0x1, v3  }
0x283: {  	v4 =	vld.idx.msk [tilespmem:v4+s28+$0x0], $0xffff;
	[tilespmem:s15+$0x140] =	vst v15;
	v45 =	vor.u32 $0x2, v3;
	v33 =	vshll.u32 v26, $0x3;
	v34 =	vor.u32 v32, v28  }
0x284: {  	v8 =	vld.idx.msk [tilespmem:v8+s28+$0x0], $0xffff;
	[tilespmem:s15+$0x160] =	vst v17;
	v35 =	vor.u32 v30, v28;
	v36 =	vor.u32 v36, v28;
	v30 =	vor.u32 $0x2, v30  }
0x285: {  	v7 =	vld.idx.msk [tilespmem:v7+s28+$0x0], $0xffff;
	[tilespmem:s15+$0x170] =	vst v18;
	v13 =	vand.u32 $0x400, v22;
	v15 =	vand.u32 $0x400, v2;
	v17 =	vand.u32 $0x6C, v26  }
0x286: {  	v6 =	vld.idx.msk [tilespmem:v6+s28+$0x0], $0xffff;
	[tilespmem:s15+$0xFFFFFE00] =	vst v24;
	v26 =	vand.u32 $0x70, v27;
	v2 =	vand.u32 $0x60, v0;
	v54 =	vor.u32 $0x1, v16  }
0x287: {  	[tilespmem:s17+$0xFFFFFE40] =	vst v5;
	v55 =	vor.u32 $0x2, v16;
	v56 =	vor.u32 $0x3, v16;
	v57 =	vor.u32 $0x1, v23  }
0x288: {  	[tilespmem:s17+$0xFFFFFE50] =	vst v4;
	v58 =	vor.u32 $0x2, v23;
	v59 =	vor.u32 $0x3, v23;
	v42 =	vor.u32 $0x1, v21  }
0x289: {  	v43 =	vor.u32 $0x2, v21;
	v62 =	vor.u32 $0x3, v21;
	[tilespmem:s17+$0xFFFFFE10] =	vst v8;
	v22 =	vor.u32 v30, v31  }
0x28a: {  	[tilespmem:s17+$0xFFFFFE20] =	vst v7;
	v14 =	vand.u32 $0x400, v33;
	v28 =	vor.u32 v30, v28;
	v31 =	vor.u32 v32, v31  }
0x28b: {  	[tilespmem:s17+$0xFFFFFE30] =	vst v6;
	v0 =	vadd.s32 v1, v13;
	v13 =	vadd.s32 v38, v13;
	v30 =	vadd.s32 v1, v48  }
0x28c: {  	v32 =	vadd.s32 v38, v48;
	v33 =	vadd.s32 v1, v15;
	v15 =	vadd.s32 v38, v15;
	v19 =	vld.idx.msk [tilespmem:v19+s28+$0x0], $0xffff  }
0x28d: {  	v40 =	vor.u32 $0x1, v26;
	v41 =	vor.u32 $0x2, v26;
	v61 =	vor.u32 $0x3, v26;
	[tilespmem:s17+$0xFFFFFE60] =	vst v9;
	v51 =	vld.idx.msk [tilespmem:v37+s28+$0x0], $0xffff  }
0x28e: {  	v29 =	vadd.s32 v1, v14;
	v14 =	vadd.s32 v38, v14;
	v7 =	vor.u32 v16, v0;
	v49 =	vld.idx.msk [tilespmem:v34+s28+$0x0], $0xffff  }
0x28f: {  	v8 =	vor.u32 v16, v13;
	v6 =	vor.u32 v54, v0;
	v16 =	vor.u32 v54, v13;
	v50 =	vld.idx.msk [tilespmem:v35+s28+$0x0], $0xffff  }
0x290: {  	v63 =	vor.u32 v55, v0;
	v5 =	vor.u32 v55, v13;
	v0 =	vor.u32 v56, v0;
	v52 =	vld.idx.msk [tilespmem:v36+s28+$0x0], $0xffff  }
0x291: {  	v13 =	vor.u32 v56, v13;
	v54 =	vor.u32 v40, v30;
	v40 =	vor.u32 v40, v32;
	v18 =	vld.idx.msk [tilespmem:v22+s28+$0x0], $0xffff  }
0x292: {  	v55 =	vor.u32 v41, v30;
	v41 =	vor.u32 v41, v32;
	v24 =	vor.u32 v61, v32;
	v53 =	vld.idx.msk [tilespmem:v28+s28+$0x0], $0xffff  }
0x293: {  	v60 =	vor.u32 $0x1, v17;
	[tilespmem:s17+$0xFFFFFE70] =	vst v10;
	v27 =	vor.u32 v17, v29;
	v34 =	vadd.s32 v1, v12;
	v31 =	vld.idx.msk [tilespmem:v31+s28+$0x0], $0xffff  }
0x294: {  	v12 =	vadd.s32 v38, v12;
	v22 =	vadd.s32 v1, v20;
	v20 =	vadd.s32 v38, v20;
	v10 =	vld.idx.msk [tilespmem:v7+s28+$0x0], $0xffff  }
0x295: {  	v9 =	vor.u32 v2, v34;
	v4 =	vor.u32 v23, v22;
	v23 =	vor.u32 v23, v20;
	v16 =	vld.idx.msk [tilespmem:v16+s28+$0x0], $0xffff  }
0x296: {  	s15 =	sadd.s32 $0x400, s15;
	v25 =	vor.u32 v57, v22;
	v35 =	vor.u32 v57, v20;
	v36 =	vor.u32 v58, v22;
	v28 =	vld.idx.msk [tilespmem:v63+s28+$0x0], $0xffff  }
0x297: {  	v39 =	vor.u32 $0x2, v17;
	v37 =	vor.u32 v58, v20;
	v22 =	vor.u32 v59, v22;
	v56 =	vld.idx.msk [tilespmem:v5+s28+$0x0], $0xffff;
	[tilespmem:s15+$0x180] =	vst v19  }
0x298: {  	v46 =	vor.u32 $0x1, v2;
	v20 =	vor.u32 v59, v20;
	v0 =	vld.idx.msk [tilespmem:v0+s28+$0x0], $0xffff;
	v57 =	vor.u32 v42, v33;
	[tilespmem:s15+$0x1A0] =	vst v51  }
0x299: {  	v47 =	vor.u32 $0x2, v2;
	v13 =	vld.idx.msk [tilespmem:v13+s28+$0x0], $0xffff;
	v42 =	vor.u32 v42, v15;
	v58 =	vor.u32 v43, v33;
	[tilespmem:s15+$0x1F0] =	vst v49  }
0x29a: {  	v48 =	vor.u32 $0x3, v3;
	v43 =	vor.u32 v43, v15;
	v55 =	vld.idx.msk [tilespmem:v55+s28+$0x0], $0xffff;
	v19 =	vadd.s32 v1, v11;
	[tilespmem:s15+$0x190] =	vst v50  }
0x29b: {  	v11 =	vadd.s32 v38, v11;
	v51 =	vor.u32 v60, v29;
	v38 =	vor.u32 v60, v14;
	[tilespmem:s15+$0x1B0] =	vst v52  }
0x29c: {  	v49 =	vor.u32 $0x3, v2;
	v50 =	vld.idx.msk [tilespmem:v8+s28+$0x0], $0xffff;
	v60 =	vor.u32 v3, v11;
	v63 =	vor.u32 v48, v19;
	[tilespmem:s15+$0x1C0] =	vst v18  }
0x29d: {  	v52 =	vld.idx.msk [tilespmem:v6+s28+$0x0], $0xffff;
	v8 =	vor.u32 v2, v12;
	v48 =	vor.u32 v48, v11;
	v18 =	vor.u32 $0x3, v17;
	[tilespmem:s15+$0x1D0] =	vst v53  }
0x29e: {  	[tilespmem:s15+$0x1E0] =	vst v31;
	v17 =	vor.u32 v17, v14;
	v53 =	vor.u32 v39, v29;
	v39 =	vor.u32 v39, v14  }
0x29f: {  	v31 =	vor.u32 v3, v19;
	v29 =	vor.u32 v18, v29;
	v14 =	vor.u32 v18, v14;
	v59 =	vld.idx.msk [tilespmem:v4+s28+$0x0], $0xffff  }
0x2a0: {  	v18 =	vor.u32 v26, v30;
	v26 =	vor.u32 v26, v32;
	v30 =	vor.u32 v61, v30;
	v23 =	vld.idx.msk [tilespmem:v23+s28+$0x0], $0xffff  }
0x2a1: {  	v32 =	vor.u32 v21, v33;
	v21 =	vor.u32 v21, v15;
	v33 =	vor.u32 v62, v33;
	v25 =	vld.idx.msk [tilespmem:v25+s28+$0x0], $0xffff  }
0x2a2: {  	v15 =	vor.u32 v62, v15;
	v61 =	vor.u32 v44, v19;
	v62 =	vor.u32 v45, v19;
	v19 =	vld.idx.msk [tilespmem:v35+s28+$0x0], $0xffff  }
0x2a3: {  	v6 =	vor.u32 v46, v12;
	v44 =	vor.u32 v44, v11;
	v45 =	vor.u32 v45, v11;
	v11 =	vld.idx.msk [tilespmem:v36+s28+$0x0], $0xffff  }
0x2a4: {  	v2 =	vor.u32 v49, v12;
	v4 =	vor.u32 v47, v12;
	v12 =	vld.idx.msk [tilespmem:v37+s28+$0x0], $0xffff;
	[tilespmem:s15+$0xFFFFFE80] =	vst v10  }
0x2a5: {  	v10 =	vld.idx.msk [tilespmem:v22+s28+$0x0], $0xffff;
	[tilespmem:s15+$0xFFFFFEB0] =	vst v16  }
0x2a6: {  	v20 =	vld.idx.msk [tilespmem:v20+s28+$0x0], $0xffff;
	[tilespmem:s15+$0xFFFFFEC0] =	vst v28  }
0x2a7: {  	v22 =	vld.idx.msk [tilespmem:v27+s28+$0x0], $0xffff;
	[tilespmem:s15+$0xFFFFFED0] =	vst v56  }
0x2a8: {  	[tilespmem:s15+$0xFFFFFEE0] =	vst v0;
	v56 =	vld.idx.msk [tilespmem:v41+s28+$0x0], $0xffff  }
0x2a9: {  	[tilespmem:s15+$0xFFFFFEF0] =	vst v13;
	v16 =	vld.idx.msk [tilespmem:v17+s28+$0x0], $0xffff  }
0x2aa: {  	[tilespmem:s15+$0xFFFFFE90] =	vst v50;
	v17 =	vld.idx.msk [tilespmem:v51+s28+$0x0], $0xffff  }
0x2ab: {  	[tilespmem:s15+$0xFFFFFEA0] =	vst v52;
	v51 =	vld.idx.msk [tilespmem:v38+s28+$0x0], $0xffff  }
0x2ac: {  	v0 =	vld.idx.msk [tilespmem:v53+s28+$0x0], $0xffff;
	[tilespmem:s15+$0xFFFFFF00] =	vst v59  }
0x2ad: {  	v13 =	vld.idx.msk [tilespmem:v39+s28+$0x0], $0xffff;
	[tilespmem:s15+$0xFFFFFF10] =	vst v23  }
0x2ae: {  	v52 =	vld.idx.msk [tilespmem:v29+s28+$0x0], $0xffff;
	[tilespmem:s15+$0xFFFFFF20] =	vst v25  }
0x2af: {  	v14 =	vld.idx.msk [tilespmem:v14+s28+$0x0], $0xffff;
	[tilespmem:s15+$0xFFFFFF30] =	vst v19  }
0x2b0: {  	v18 =	vld.idx.msk [tilespmem:v18+s28+$0x0], $0xffff;
	[tilespmem:s15+$0xFFFFFF40] =	vst v11  }
0x2b1: {  	v53 =	vld.idx.msk [tilespmem:v26+s28+$0x0], $0xffff;
	[tilespmem:s15+$0xFFFFFF50] =	vst v12  }
0x2b2: {  	v11 =	vld.idx.msk [tilespmem:v54+s28+$0x0], $0xffff;
	[tilespmem:s15+$0xFFFFFF60] =	vst v10  }
0x2b3: {  	v12 =	vld.idx.msk [tilespmem:v40+s28+$0x0], $0xffff;
	[tilespmem:s15+$0xFFFFFF70] =	vst v20  }
0x2b4: {  	[tilespmem:s15+$0xFFFFFF80] =	vst v22;
	v30 =	vld.idx.msk [tilespmem:v30+s28+$0x0], $0xffff  }
0x2b5: {  	v59 =	vld.idx.msk [tilespmem:v21+s28+$0x0], $0xffff;
	[tilespmem:s15+$0xFFFFFF90] =	vst v16  }
0x2b6: {  	v23 =	vld.idx.msk [tilespmem:v57+s28+$0x0], $0xffff;
	[tilespmem:s15+$0xFFFFFFA0] =	vst v17  }
0x2b7: {  	v21 =	vld.idx.msk [tilespmem:v42+s28+$0x0], $0xffff;
	[tilespmem:s15+$0xFFFFFFB0] =	vst v51  }
0x2b8: {  	v22 =	vld.idx.msk [tilespmem:v58+s28+$0x0], $0xffff;
	[tilespmem:s15+$0xFFFFFFC0] =	vst v0  }
0x2b9: {  	v19 =	vld.idx.msk [tilespmem:v43+s28+$0x0], $0xffff;
	[tilespmem:s15+$0xFFFFFFD0] =	vst v13  }
0x2ba: {  	v16 =	vld.idx.msk [tilespmem:v24+s28+$0x0], $0xffff;
	[tilespmem:s15+$0x40] =	vst v55  }
0x2bb: {  	v20 =	vld.idx.msk [tilespmem:v33+s28+$0x0], $0xffff;
	[tilespmem:s15+$0x50] =	vst v56  }
0x2bc: {  	v10 =	vld.idx.msk [tilespmem:v15+s28+$0x0], $0xffff;
	[tilespmem:s15+$0xFFFFFFE0] =	vst v52  }
0x2bd: {  	v15 =	vld.idx.msk [tilespmem:v62+s28+$0x0], $0xffff;
	[tilespmem:s15+$0xFFFFFFF0] =	vst v14  }
0x2be: {  	v17 =	vld.idx.msk [tilespmem:v32+s28+$0x0], $0xffff;
	[tilespmem:s15+$0x0] =	vst v18  }
0x2bf: {  	s18 =	sadd.s32 $0x8, s18;
	v13 =	vld.idx.msk [tilespmem:v61+s28+$0x0], $0xffff;
	[tilespmem:s15+$0x10] =	vst v53  }
0x2c0: {  	p2 =	slt.u32 s18, $0x38;
	[tilespmem:s15+$0x20] =	vst v11;
	v11 =	vld.idx.msk [tilespmem:v31+s28+$0x0], $0xffff  }
.Ltmp5:
0x2c1: {  	[tilespmem:s15+$0x30] =	vst v12;
	v12 =	vld.idx.msk [tilespmem:v60+s28+$0x0], $0xffff;
	(pc) =	sbr.rel @p2 .LBB2_9-.Ltmp5, $4  }
0x2c2: {  	v14 =	vld.idx.msk [tilespmem:v44+s28+$0x0], $0xffff;
	[tilespmem:s15+$0x60] =	vst v30  }
0x2c3: {  	[tilespmem:s15+$0x90] =	vst v59;
	v18 =	vld.idx.msk [tilespmem:v48+s28+$0x0], $0xffff  }
0x2c4: {  	v7 =	vor.u32 v46, v34;
	[tilespmem:s15+$0x70] =	vst v16;
	v16 =	vld.idx.msk [tilespmem:v45+s28+$0x0], $0xffff  }
0x2c5: {  	s19 =	sadd.s32 $0x20, s19;
	s17 =	smov.u32 s15;
	v5 =	vor.u32 v47, v34;
	v3 =	vor.u32 v49, v34;
	[tilespmem:s15+$0x80] =	vst v17;
	v17 =	vld.idx.msk [tilespmem:v63+s28+$0x0], $0xffff  }
0x2c6: {  	[tilespmem:s15+$0xA0] =	vst v23  }
0x2c7: {  	[tilespmem:s15+$0xB0] =	vst v21  }
0x2c8: {  	[tilespmem:s15+$0xC0] =	vst v22  }
0x2c9: {  	[tilespmem:s15+$0xD0] =	vst v19  }
0x2ca: {  	[tilespmem:s15+$0xE0] =	vst v20  }
0x2cb: {  	[tilespmem:s15+$0xF0] =	vst v10  }
0x2cc: {  	[tilespmem:s15+$0x100] =	vst v11  }
0x2cd: {  	v0 =	vld.idx.msk [tilespmem:v9+s28+$0x0], $0xffff;
	[tilespmem:s15+$0x110] =	vst v12  }
0x2ce: {  	v8 =	vld.idx.msk [tilespmem:v8+s28+$0x0], $0xffff;
	[tilespmem:s15+$0x120] =	vst v13  }
0x2cf: {  	v7 =	vld.idx.msk [tilespmem:v7+s28+$0x0], $0xffff;
	[tilespmem:s15+$0x140] =	vst v15  }
0x2d0: {  	v6 =	vld.idx.msk [tilespmem:v6+s28+$0x0], $0xffff;
	[tilespmem:s15+$0x130] =	vst v14  }
0x2d1: {  	v5 =	vld.idx.msk [tilespmem:v5+s28+$0x0], $0xffff;
	[tilespmem:s15+$0x170] =	vst v18  }
0x2d2: {  	v4 =	vld.idx.msk [tilespmem:v4+s28+$0x0], $0xffff;
	[tilespmem:s15+$0x150] =	vst v16  }
0x2d3: {  	v3 =	vld.idx.msk [tilespmem:v3+s28+$0x0], $0xffff;
	[tilespmem:s15+$0x160] =	vst v17  }
0x2d4: {  	v2 =	vld.idx.msk [tilespmem:v2+s28+$0x0], $0xffff;
	[tilespmem:s15+$0xFFFFFE00] =	vst v0  }
0x2d5: {  	[tilespmem:s17+$0xFFFFFE10] =	vst v8  }
0x2d6: {  	[tilespmem:s17+$0xFFFFFE20] =	vst v7  }
0x2d7: {  	[tilespmem:s17+$0xFFFFFE30] =	vst v6  }
0x2d8: {  	s15 =	sadd.s32 s13, s31;
	[tilespmem:s17+$0xFFFFFE40] =	vst v5  }
0x2d9: {  	[tilespmem:s17+$0xFFFFFE50] =	vst v4;
	p2 =	sgt.u32 s15, $0xF41  }
0x2da: {  	[tilespmem:s17+$0xFFFFFE60] =	vst v3;
	s15 =	sshll.u32 @!p2 s15, $0x8  }
0x2db: {  	[tilespmem:s17+$0xFFFFFE70] =	vst v2;
	s17 =	simm.s32 @!p2 $0x0;
	s18 =	simm.s32 @!p2 $0x3000;
	s15 =	sadd.s32 @!p2 s1, s15  }
0x2dc: {  	[tilespmem:s18], [sflag:$0x2] =	stream.linear.gather @!p2 [hbm4b:s15+s17], $0x800, $0x38;
	[tilespmem:$0xA000] =	vst v63  }
0x2dd: {  	s19 =	simm.s32 @!p2 $0x3C00;
	s18 =	sadd.s32 @!p2 $0xF4280, s15  }
0x2de: {  	[tilespmem:s19], [sflag:$0x2] =	stream.linear.gather @!p2 [hbm4b:s18+s17], $0x800, $0x38;
	[tilespmem:$0xA000] =	vst v63  }
0x2df: {  	s18 =	sadd.s32 @!p2 $0x1E8500, s15;
	s19 =	simm.s32 @!p2 $0x4800  }
0x2e0: {  	[tilespmem:s19], [sflag:$0x2] =	stream.linear.gather @!p2 [hbm4b:s18+s17], $0x800, $0x38;
	[tilespmem:$0xA000] =	vst v63  }
0x2e1: {  	s30 =	sadd.s32 $0x1, s30;
	s15 =	sadd.s32 @!p2 $0x2DC780, s15;
	s18 =	simm.s32 @!p2 $0x5400  }
0x2e2: {  	[tilespmem:s18], [sflag:$0x2] =	stream.linear.gather @!p2 [hbm4b:s15+s17], $0x800, $0x38;
	[tilespmem:$0xA000] =	vst v63  }
0x2e3: {  	p2 =	sne.s32 s30, $0x3D  }
.Ltmp6:
0x2e4: {  	_ = 	snop;
	(pc) =	sbr.rel @p2 .LBB2_6-.Ltmp6, $3  }
0x2e5: {  	_ =	sdelay $0x1  }
0x2e6: {  	s11 =	sadd.s32 s11, s14  }
0x2e7: {  	v0 =	vmov v1;
	v1 =	vld [tilespmem:$0x1FFF0];
	[hbm4b:s11+s4] =	stream.linear.scatter [tilespmem:s24], [sflag:$0x4], $0x2000, $0x38  }
.Ltmp7:
0x2e8: {  	(pc) =	sbr.rel @p0 .LBB2_15-.Ltmp7, $2  }
0x2e9: {  	_ =	sdelay $0x2  }
0x2ea: {  	s22 =	simm.s32 $0x2400  }
0x2eb: {  	_ =	sdelay $0x1  }
0x2ec: {  	s11 =	simm.s32 $0x1C  }
0x2ed: {  	v29 =	vmov v1;
	v1 =	vmov v0;
	v0 =	vmov s11  }
0x2ee: {  	v2 =	vshll.u32 v0, $0x3  }
0x2ef: {  	v2 =	vand.u32 $0x400, v2  }
0x2f0: {  	_ =	swait.ge [sflag:s0], $0x2000;
	v0 =	vand.u32 $0x7C, v0;
	v3 =	vadd.s32 v1, v2  }
0x2f1: {  	[sflag:s0] =	ssyncset.done $0x0;
	v5 =	vor.u32 $0x3, v0;
	v2 =	vadd.s32 v29, v2;
	v4 =	vor.u32 v0, v3  }
0x2f2: {  	[sflag:s0] =	ssyncadd.s32 $0xFFFFE000;
	v6 =	vor.u32 v5, v2  }
0x2f3: {  	s18 =	simm.s32 $0x4;
	s19 =	simm.s32 $0x8;
	_ =	swait.ge [sflag:s25], $0x2000;
	v8 =	vor.u32 $0x1, v0;
	v7 =	vor.u32 v0, v2  }
0x2f4: {  	v10 =	vmov s18;
	v17 =	vmov s19;
	[sflag:s25] =	ssyncset.done $0x0;
	v9 =	vor.u32 v8, v3  }
0x2f5: {  	v11 =	vshll.u32 v10, $0x3;
	[sflag:s25] =	ssyncadd.s32 $0xFFFFE000;
	v8 =	vor.u32 v8, v2;
	v0 =	vor.u32 $0x2, v0  }
0x2f6: {  	v19 =	vshll.u32 v17, $0x3;
	v17 =	vand.u32 $0x68, v17;
	v12 =	vor.u32 v0, v3;
	v4 =	vld.idx.msk [tilespmem:v4+s4+$0x0], $0xffff  }
0x2f7: {  	v11 =	vand.u32 $0x400, v11;
	v19 =	vand.u32 $0x400, v19;
	v0 =	vor.u32 v0, v2;
	v2 =	vld.idx.msk [tilespmem:v6+s4+$0x0], $0xffff  }
0x2f8: {  	v3 =	vor.u32 v5, v3;
	v5 =	vand.u32 $0x64, v10;
	v10 =	vadd.s32 v29, v11;
	v6 =	vld.idx.msk [tilespmem:v7+s4+$0x0], $0xffff  }
0x2f9: {  	v21 =	vor.u32 $0x1, v17;
	v20 =	vadd.s32 v1, v19;
	v14 =	vor.u32 v5, v10;
	v9 =	vld.idx.msk [tilespmem:v9+s4+$0x0], $0xffff  }
0x2fa: {  	v23 =	vor.u32 v21, v20;
	v7 =	vadd.s32 v1, v11;
	v8 =	vld.idx.msk [tilespmem:v8+s4+$0x0], $0xffff  }
0x2fb: {  	v13 =	vor.u32 $0x1, v5;
	v11 =	vor.u32 v5, v7;
	v12 =	vld.idx.msk [tilespmem:v12+s4+$0x0], $0xffff  }
0x2fc: {  	v15 =	vor.u32 v13, v7;
	v0 =	vld.idx.msk [tilespmem:v0+s4+$0x0], $0xffff  }
0x2fd: {  	v16 =	vor.u32 $0x2, v5;
	v13 =	vor.u32 v13, v10;
	v3 =	vld.idx.msk [tilespmem:v3+s4+$0x0], $0xffff  }
0x2fe: {  	s11 =	simm.s32 $0x6200;
	v18 =	vor.u32 v16, v7;
	v14 =	vld.idx.msk [tilespmem:v14+s4+$0x0], $0xffff  }
0x2ff: {  	v5 =	vor.u32 $0x3, v5;
	v16 =	vor.u32 v16, v10;
	[tilespmem:s11+$0x1B0] =	vst v8;
	v8 =	vld.idx.msk [tilespmem:v23+s4+$0x0], $0xffff  }
0x300: {  	v7 =	vor.u32 v5, v7;
	v11 =	vld.idx.msk [tilespmem:v11+s4+$0x0], $0xffff  }
0x301: {  	v5 =	vor.u32 v5, v10;
	v10 =	vld.idx.msk [tilespmem:v15+s4+$0x0], $0xffff  }
0x302: {  	v15 =	vadd.s32 v29, v19;
	v19 =	vor.u32 v17, v20;
	v13 =	vld.idx.msk [tilespmem:v13+s4+$0x0], $0xffff  }
0x303: {  	[tilespmem:s11+$0x1F0] =	vst v2;
	v2 =	vor.u32 $0x2, v17;
	v18 =	vld.idx.msk [tilespmem:v18+s4+$0x0], $0xffff;
	v22 =	vor.u32 v17, v15  }
0x304: {  	s15 =	simm.s32 $0xC;
	[tilespmem:s11+$0x180] =	vst v4;
	v16 =	vld.idx.msk [tilespmem:v16+s4+$0x0], $0xffff;
	v4 =	vor.u32 v2, v20  }
0x305: {  	v24 =	vmov s15;
	[tilespmem:s11+$0x190] =	vst v6;
	v6 =	vor.u32 $0x3, v17;
	v21 =	vor.u32 v21, v15;
	v7 =	vld.idx.msk [tilespmem:v7+s4+$0x0], $0xffff  }
0x306: {  	v25 =	vshll.u32 v24, $0x3;
	[tilespmem:s11+$0x1A0] =	vst v9;
	v9 =	vor.u32 v6, v20;
	v5 =	vld.idx.msk [tilespmem:v5+s4+$0x0], $0xffff  }
0x307: {  	[tilespmem:s11+$0x1C0] =	vst v12;
	v2 =	vor.u32 v2, v15;
	v17 =	vld.idx.msk [tilespmem:v19+s4+$0x0], $0xffff;
	v19 =	vand.u32 $0x400, v25  }
0x308: {  	[tilespmem:s11+$0x1D0] =	vst v0;
	v6 =	vor.u32 v6, v15;
	v20 =	vld.idx.msk [tilespmem:v22+s4+$0x0], $0xffff;
	v22 =	vand.u32 $0x6C, v24;
	v53 =	vadd.s32 v1, v19  }
0x309: {  	[tilespmem:s11+$0x1E0] =	vst v3;
	v4 =	vld.idx.msk [tilespmem:v4+s4+$0x0], $0xffff;
	v15 =	vadd.s32 v29, v19;
	v12 =	vor.u32 v22, v53  }
0x30a: {  	[tilespmem:s11+$0xFFFFFE90] =	vst v14;
	v19 =	vld.idx.msk [tilespmem:v21+s4+$0x0], $0xffff;
	v21 =	vor.u32 $0x1, v22;
	v0 =	vor.u32 v22, v15  }
0x30b: {  	[tilespmem:s11+$0xFFFFFE80] =	vst v11;
	v9 =	vld.idx.msk [tilespmem:v9+s4+$0x0], $0xffff;
	v3 =	vor.u32 v21, v53  }
0x30c: {  	s20 =	simm.s32 $0x10;
	[tilespmem:s11+$0xFFFFFEA0] =	vst v10;
	v2 =	vld.idx.msk [tilespmem:v2+s4+$0x0], $0xffff;
	v23 =	vor.u32 $0x2, v22;
	v21 =	vor.u32 v21, v15  }
0x30d: {  	v11 =	vmov s20;
	[tilespmem:s11+$0xFFFFFEB0] =	vst v13;
	v6 =	vld.idx.msk [tilespmem:v6+s4+$0x0], $0xffff;
	v54 =	vor.u32 v23, v53  }
0x30e: {  	[tilespmem:s11+$0xFFFFFEC0] =	vst v18;
	v14 =	vshll.u32 v11, $0x3;
	v22 =	vor.u32 $0x3, v22;
	v23 =	vor.u32 v23, v15;
	v10 =	vld.idx.msk [tilespmem:v12+s4+$0x0], $0xffff  }
0x30f: {  	[tilespmem:s11+$0xFFFFFED0] =	vst v16;
	v15 =	vor.u32 v22, v15;
	v12 =	vand.u32 $0x400, v14;
	v0 =	vld.idx.msk [tilespmem:v0+s4+$0x0], $0xffff  }
0x310: {  	v11 =	vand.u32 $0x70, v11;
	[tilespmem:s11+$0xFFFFFEE0] =	vst v7;
	v14 =	vor.u32 v22, v53;
	v13 =	vadd.s32 v1, v12;
	v3 =	vld.idx.msk [tilespmem:v3+s4+$0x0], $0xffff  }
0x311: {  	[tilespmem:s11+$0xFFFFFEF0] =	vst v5;
	v12 =	vadd.s32 v29, v12;
	v16 =	vld.idx.msk [tilespmem:v21+s4+$0x0], $0xffff;
	v18 =	vor.u32 v11, v13  }
0x312: {  	[tilespmem:s11+$0xFFFFFF20] =	vst v8;
	v21 =	vor.u32 $0x1, v11;
	v7 =	vld.idx.msk [tilespmem:v54+s4+$0x0], $0xffff;
	v22 =	vor.u32 v11, v12  }
0x313: {  	[tilespmem:s11+$0xFFFFFF00] =	vst v17;
	v5 =	vld.idx.msk [tilespmem:v23+s4+$0x0], $0xffff;
	v55 =	vor.u32 v21, v13  }
0x314: {  	s21 =	simm.s32 $0x14;
	[tilespmem:s11+$0xFFFFFF40] =	vst v4;
	v23 =	vor.u32 $0x2, v11;
	v15 =	vld.idx.msk [tilespmem:v15+s4+$0x0], $0xffff;
	v21 =	vor.u32 v21, v12  }
0x315: {  	v17 =	vmov s21;
	[tilespmem:s11+$0xFFFFFF60] =	vst v9;
	v56 =	vor.u32 v23, v13;
	v14 =	vld.idx.msk [tilespmem:v14+s4+$0x0], $0xffff  }
0x316: {  	[tilespmem:s11+$0xFFFFFF10] =	vst v20;
	v20 =	vshll.u32 v17, $0x3;
	v11 =	vor.u32 $0x3, v11;
	v23 =	vor.u32 v23, v12;
	v8 =	vld.idx.msk [tilespmem:v18+s4+$0x0], $0xffff  }
0x317: {  	[tilespmem:s11+$0xFFFFFF30] =	vst v19;
	v13 =	vor.u32 v11, v13;
	v18 =	vand.u32 $0x400, v20;
	v19 =	vld.idx.msk [tilespmem:v22+s4+$0x0], $0xffff  }
0x318: {  	v17 =	vand.u32 $0x74, v17;
	[tilespmem:s11+$0xFFFFFF50] =	vst v2;
	v11 =	vor.u32 v11, v12;
	v4 =	vld.idx.msk [tilespmem:v55+s4+$0x0], $0xffff;
	v20 =	vadd.s32 v1, v18  }
0x319: {  	[tilespmem:s11+$0xFFFFFF70] =	vst v6;
	v2 =	vld.idx.msk [tilespmem:v21+s4+$0x0], $0xffff;
	v12 =	vadd.s32 v29, v18;
	v18 =	vor.u32 v17, v20  }
0x31a: {  	[tilespmem:s11+$0xFFFFFF80] =	vst v10;
	v21 =	vor.u32 $0x1, v17;
	v9 =	vld.idx.msk [tilespmem:v56+s4+$0x0], $0xffff;
	v22 =	vor.u32 v17, v12  }
0x31b: {  	s30 =	simm.s32 $0x18;
	[tilespmem:s11+$0xFFFFFF90] =	vst v0;
	v6 =	vld.idx.msk [tilespmem:v23+s4+$0x0], $0xffff;
	v57 =	vor.u32 v21, v20  }
0x31c: {  	v10 =	vmov s30;
	[tilespmem:s11+$0xFFFFFFA0] =	vst v3;
	v23 =	vor.u32 $0x2, v17;
	v58 =	vld.idx.msk [tilespmem:v13+s4+$0x0], $0xffff;
	v21 =	vor.u32 v21, v12  }
0x31d: {  	[tilespmem:s11+$0xFFFFFFB0] =	vst v16;
	v16 =	vand.u32 $0x78, v10;
	v0 =	vld.idx.msk [tilespmem:v11+s4+$0x0], $0xffff;
	v11 =	vshll.u32 v10, $0x3;
	v13 =	vor.u32 v23, v20  }
0x31e: {  	[tilespmem:s11+$0xFFFFFFC0] =	vst v7;
	v17 =	vor.u32 $0x3, v17;
	v26 =	vor.u32 v23, v12;
	v11 =	vand.u32 $0x400, v11;
	v3 =	vld.idx.msk [tilespmem:v18+s4+$0x0], $0xffff  }
0x31f: {  	v12 =	vor.u32 v17, v12;
	v7 =	vadd.s32 v29, v11;
	v18 =	vor.u32 v17, v20;
	v20 =	vld.idx.msk [tilespmem:v22+s4+$0x0], $0xffff  }
0x320: {  	[tilespmem:s11+$0xFFFFFFD0] =	vst v5;
	v59 =	vor.u32 v16, v7;
	v23 =	vld.idx.msk [tilespmem:v57+s4+$0x0], $0xffff  }
0x321: {  	[tilespmem:s11+$0xFFFFFFF0] =	vst v15;
	v5 =	vor.u32 $0x1, v16;
	v27 =	vadd.s32 v1, v11;
	v21 =	vld.idx.msk [tilespmem:v21+s4+$0x0], $0xffff  }
0x322: {  	[tilespmem:s11+$0xFFFFFFE0] =	vst v14;
	v28 =	vor.u32 v5, v27;
	v22 =	vld.idx.msk [tilespmem:v13+s4+$0x0], $0xffff  }
0x323: {  	v5 =	vor.u32 v5, v7;
	[tilespmem:s11+$0x0] =	vst v8;
	v10 =	vld.idx.msk [tilespmem:v26+s4+$0x0], $0xffff  }
0x324: {  	v15 =	vor.u32 $0x3, v16;
	[tilespmem:s11+$0x10] =	vst v19;
	v17 =	vor.u32 v16, v27;
	v12 =	vld.idx.msk [tilespmem:v12+s4+$0x0], $0xffff  }
0x325: {  	s31 =	simm.s32 $0x0;
	v61 =	vor.u32 v15, v7;
	[tilespmem:s11+$0x20] =	vst v4;
	v13 =	vor.u32 $0x2, v16;
	v14 =	vld.idx.msk [tilespmem:v59+s4+$0x0], $0xffff  }
0x326: {  	v8 =	vmov s31;
	[tilespmem:s11+$0x30] =	vst v2;
	v11 =	vld.idx.msk [tilespmem:v18+s4+$0x0], $0xffff;
	v18 =	vor.u32 v13, v27  }
0x327: {  	v60 =	vor.u32 v15, v27;
	[tilespmem:s11+$0x40] =	vst v9;
	v4 =	vshll.u32 v8, $0x3;
	v19 =	vor.u32 v13, v7;
	v15 =	vld.idx.msk [tilespmem:v28+s4+$0x0], $0xffff  }
0x328: {  	[tilespmem:s11+$0x50] =	vst v6;
	v2 =	vand.u32 $0x400, v4;
	v16 =	vld.idx.msk [tilespmem:v5+s4+$0x0], $0xffff  }
0x329: {  	[tilespmem:s11+$0x70] =	vst v0;
	v4 =	vand.u32 $0x60, v8;
	v62 =	vadd.s32 v1, v2;
	v2 =	vadd.s32 v29, v2;
	v13 =	vld.idx.msk [tilespmem:v17+s4+$0x0], $0xffff  }
0x32a: {  	v63 =	vor.u32 $0x2, v4;
	v0 =	vor.u32 $0x3, v4;
	v9 =	vor.u32 v4, v62;
	[tilespmem:s11+$0x90] =	vst v20;
	v20 =	vld.idx.msk [tilespmem:v61+s4+$0x0], $0xffff  }
0x32b: {  	[tilespmem:s11+$0x60] =	vst v58;
	v5 =	vor.u32 $0x1, v4;
	v8 =	vor.u32 v4, v2;
	v4 =	vor.u32 v63, v2;
	v17 =	vld.idx.msk [tilespmem:v18+s4+$0x0], $0xffff  }
0x32c: {  	v7 =	vor.u32 v5, v62;
	v6 =	vor.u32 v5, v2;
	v5 =	vor.u32 v63, v62;
	v18 =	vld.idx.msk [tilespmem:v19+s4+$0x0], $0xffff  }
0x32d: {  	s17 =	simm.s32 $0x0;
	s18 =	simm.s32 $0x20;
	s15 =	simm.s32 $0x6200;
	v2 =	vor.u32 v0, v2;
	[tilespmem:s11+$0x80] =	vst v3;
	v3 =	vor.u32 v0, v62;
	v19 =	vld.idx.msk [tilespmem:v60+s4+$0x0], $0xffff  }
.LBB2_13:
0x32e: {  	s20 =	sadd.s32 $0x8, s18;
	s21 =	sadd.s32 $0x1C, s18  }
0x32f: {  	v0 =	vmov s18;
	v24 =	vld.idx.msk [tilespmem:v9+s4+$0x0], $0xffff;
	s30 =	sadd.s32 $0xC, s18;
	s31 =	sadd.s32 $0x10, s18;
	v25 =	vmov s20;
	v9 =	vmov s21  }
0x330: {  	v26 =	vmov s30;
	v27 =	vmov s31;
	s31 =	sadd.s32 $0x18, s18;
	v28 =	vshll.u32 v9, $0x3;
	[tilespmem:s11+$0xA0] =	vst v23  }
0x331: {  	v29 =	vmov s31;
	v30 =	vand.u32 $0x7C, v9;
	v34 =	vshll.u32 v26, $0x3;
	[tilespmem:s11+$0xB0] =	vst v21  }
0x332: {  	v9 =	vld.idx.msk [tilespmem:v3+s4+$0x0], $0xffff;
	v3 =	vshll.u32 v27, $0x3;
	v28 =	vand.u32 $0x400, v28;
	v33 =	vor.u32 $0x3, v30;
	[tilespmem:s11+$0xE0] =	vst v11  }
0x333: {  	s19 =	sadd.s32 $0x4, s18;
	v38 =	vld [tilespmem:$0x1FFF0];
	s30 =	sadd.s32 $0x14, s18;
	v36 =	vor.u32 $0x1, v30;
	v49 =	vand.u32 $0x400, v3;
	v3 =	vand.u32 $0x78, v29;
	[tilespmem:s11+$0x100] =	vst v13  }
0x334: {  	v23 =	vmov s19;
	v21 =	vmov s30;
	v31 =	vadd.s32 v1, v28;
	[tilespmem:s11+$0x110] =	vst v14  }
0x335: {  	v11 =	vshll.u32 v25, $0x3;
	v13 =	vshll.u32 v29, $0x3;
	v14 =	vshll.u32 v0, $0x3;
	[tilespmem:s11+$0x130] =	vst v16  }
0x336: {  	v16 =	vand.u32 $0x400, v34;
	[tilespmem:s11+$0x160] =	vst v19;
	v19 =	vand.u32 $0x6C, v26;
	v26 =	vand.u32 $0x70, v27  }
0x337: {  	[tilespmem:s11+$0xC0] =	vst v22;
	v44 =	vor.u32 $0x1, v3;
	v45 =	vor.u32 $0x2, v3;
	v22 =	vshll.u32 v23, $0x3  }
0x338: {  	[tilespmem:s11+$0xD0] =	vst v10;
	v10 =	vld.idx.msk [tilespmem:v2+s4+$0x0], $0xffff;
	v32 =	vor.u32 v30, v31;
	v28 =	vadd.s32 v38, v28;
	v2 =	vshll.u32 v21, $0x3  }
0x339: {  	v37 =	vor.u32 v36, v31;
	v11 =	vand.u32 $0x400, v11;
	v13 =	vand.u32 $0x400, v13  }
0x33a: {  	v8 =	vld.idx.msk [tilespmem:v8+s4+$0x0], $0xffff;
	[tilespmem:s11+$0x150] =	vst v18;
	v14 =	vand.u32 $0x400, v14;
	v18 =	vand.u32 $0x64, v23;
	v23 =	vand.u32 $0x68, v25  }
0x33b: {  	v5 =	vld.idx.msk [tilespmem:v5+s4+$0x0], $0xffff;
	[tilespmem:s11+$0xF0] =	vst v12;
	v21 =	vand.u32 $0x74, v21;
	v60 =	vor.u32 $0x1, v19;
	v39 =	vor.u32 $0x2, v19  }
0x33c: {  	v4 =	vld.idx.msk [tilespmem:v4+s4+$0x0], $0xffff;
	[tilespmem:s11+$0x120] =	vst v15;
	v40 =	vor.u32 $0x1, v26;
	v41 =	vor.u32 $0x2, v26;
	v35 =	vor.u32 v33, v28  }
0x33d: {  	v7 =	vld.idx.msk [tilespmem:v7+s4+$0x0], $0xffff;
	[tilespmem:s11+$0x140] =	vst v17;
	v61 =	vor.u32 $0x3, v26;
	v12 =	vor.u32 v30, v28;
	v36 =	vor.u32 v36, v28  }
0x33e: {  	v6 =	vld.idx.msk [tilespmem:v6+s4+$0x0], $0xffff;
	[tilespmem:s11+$0x170] =	vst v20;
	v30 =	vor.u32 $0x2, v30;
	v15 =	vand.u32 $0x400, v22;
	v17 =	vand.u32 $0x400, v2  }
0x33f: {  	[tilespmem:s11+$0xFFFFFE00] =	vst v24;
	v2 =	vand.u32 $0x60, v0;
	v53 =	vadd.s32 v1, v11;
	v48 =	vor.u32 v30, v31;
	v22 =	vld.idx.msk [tilespmem:v32+s4+$0x0], $0xffff  }
0x340: {  	[tilespmem:s15+$0xFFFFFE40] =	vst v5;
	v11 =	vadd.s32 v38, v11;
	v54 =	vor.u32 $0x1, v18;
	v28 =	vor.u32 v30, v28;
	v51 =	vld.idx.msk [tilespmem:v37+s4+$0x0], $0xffff  }
0x341: {  	[tilespmem:s15+$0xFFFFFE50] =	vst v4;
	v55 =	vor.u32 $0x2, v18;
	v56 =	vor.u32 $0x3, v18;
	v31 =	vor.u32 v33, v31;
	v50 =	vld.idx.msk [tilespmem:v35+s4+$0x0], $0xffff  }
0x342: {  	v57 =	vor.u32 $0x1, v23;
	v58 =	vor.u32 $0x2, v23;
	[tilespmem:s15+$0xFFFFFE10] =	vst v8;
	v4 =	vor.u32 v23, v53;
	v12 =	vld.idx.msk [tilespmem:v12+s4+$0x0], $0xffff  }
0x343: {  	v59 =	vor.u32 $0x3, v23;
	v42 =	vor.u32 $0x1, v21;
	[tilespmem:s15+$0xFFFFFE20] =	vst v7;
	v23 =	vor.u32 v23, v11;
	v52 =	vld.idx.msk [tilespmem:v36+s4+$0x0], $0xffff  }
0x344: {  	v43 =	vor.u32 $0x2, v21;
	[tilespmem:s15+$0xFFFFFE30] =	vst v6;
	v0 =	vadd.s32 v1, v15;
	v25 =	vor.u32 v57, v53;
	v20 =	vld.idx.msk [tilespmem:v48+s4+$0x0], $0xffff  }
0x345: {  	v15 =	vadd.s32 v38, v15;
	v24 =	vor.u32 v59, v53;
	v7 =	vor.u32 v18, v0;
	v28 =	vld.idx.msk [tilespmem:v28+s4+$0x0], $0xffff  }
0x346: {  	v8 =	vor.u32 v18, v15;
	v18 =	vor.u32 v54, v15;
	v63 =	vor.u32 v55, v0;
	v31 =	vld.idx.msk [tilespmem:v31+s4+$0x0], $0xffff  }
0x347: {  	v37 =	vor.u32 v58, v11;
	v35 =	vor.u32 v57, v11;
	v11 =	vor.u32 v59, v11;
	v59 =	vld.idx.msk [tilespmem:v4+s4+$0x0], $0xffff  }
0x348: {  	v30 =	vadd.s32 v1, v49;
	v33 =	vadd.s32 v38, v49;
	v5 =	vor.u32 v55, v15;
	v23 =	vld.idx.msk [tilespmem:v23+s4+$0x0], $0xffff  }
0x349: {  	v34 =	vadd.s32 v1, v17;
	v6 =	vor.u32 v54, v0;
	v0 =	vor.u32 v56, v0;
	v25 =	vld.idx.msk [tilespmem:v25+s4+$0x0], $0xffff  }
0x34a: {  	v62 =	vor.u32 $0x3, v21;
	v17 =	vadd.s32 v38, v17;
	v15 =	vor.u32 v56, v15;
	[tilespmem:s15+$0xFFFFFE70] =	vst v10;
	v10 =	vld.idx.msk [tilespmem:v7+s4+$0x0], $0xffff  }
0x34b: {  	v46 =	vor.u32 $0x1, v2;
	[tilespmem:s15+$0xFFFFFE60] =	vst v9;
	v54 =	vor.u32 v40, v30;
	v55 =	vor.u32 v41, v30;
	v18 =	vld.idx.msk [tilespmem:v18+s4+$0x0], $0xffff  }
0x34c: {  	v40 =	vor.u32 v40, v33;
	v41 =	vor.u32 v41, v33;
	v32 =	vadd.s32 v1, v16;
	v29 =	vld.idx.msk [tilespmem:v63+s4+$0x0], $0xffff  }
0x34d: {  	s11 =	sadd.s32 $0x400, s11;
	v16 =	vadd.s32 v38, v16;
	v36 =	vor.u32 v58, v53;
	v27 =	vor.u32 v19, v32;
	v56 =	vld.idx.msk [tilespmem:v5+s4+$0x0], $0xffff  }
0x34e: {  	v47 =	vor.u32 $0x2, v2;
	v53 =	vor.u32 v39, v32;
	v39 =	vor.u32 v39, v16;
	v0 =	vld.idx.msk [tilespmem:v0+s4+$0x0], $0xffff;
	[tilespmem:s11+$0x180] =	vst v22  }
0x34f: {  	v49 =	vor.u32 $0x3, v2;
	v57 =	vor.u32 v42, v34;
	v42 =	vor.u32 v42, v17;
	v15 =	vld.idx.msk [tilespmem:v15+s4+$0x0], $0xffff;
	[tilespmem:s11+$0x1A0] =	vst v51  }
0x350: {  	v58 =	vor.u32 v43, v34;
	v43 =	vor.u32 v43, v17;
	v48 =	vor.u32 $0x3, v3;
	v55 =	vld.idx.msk [tilespmem:v55+s4+$0x0], $0xffff;
	[tilespmem:s11+$0x1F0] =	vst v50  }
0x351: {  	v22 =	vadd.s32 v1, v13;
	v13 =	vadd.s32 v38, v13;
	v51 =	vor.u32 v60, v32;
	[tilespmem:s11+$0x190] =	vst v12  }
0x352: {  	v12 =	vadd.s32 v1, v14;
	v14 =	vadd.s32 v38, v14;
	[tilespmem:s11+$0x1B0] =	vst v52;
	v38 =	vor.u32 v60, v16  }
0x353: {  	v60 =	vor.u32 v3, v13;
	v63 =	vor.u32 v48, v22;
	v48 =	vor.u32 v48, v13;
	[tilespmem:s11+$0x1C0] =	vst v20  }
0x354: {  	v50 =	vld.idx.msk [tilespmem:v8+s4+$0x0], $0xffff;
	v20 =	vor.u32 $0x3, v19;
	[tilespmem:s11+$0x1D0] =	vst v28;
	v19 =	vor.u32 v19, v16;
	v28 =	vor.u32 v61, v33  }
0x355: {  	[tilespmem:s11+$0x1E0] =	vst v31;
	v31 =	vor.u32 v3, v22;
	v9 =	vor.u32 v2, v12;
	v8 =	vor.u32 v2, v14  }
0x356: {  	v52 =	vld.idx.msk [tilespmem:v6+s4+$0x0], $0xffff;
	v7 =	vor.u32 v46, v12;
	v6 =	vor.u32 v46, v14;
	v5 =	vor.u32 v47, v12  }
0x357: {  	v11 =	vld.idx.msk [tilespmem:v11+s4+$0x0], $0xffff;
	v4 =	vor.u32 v47, v14;
	v3 =	vor.u32 v49, v12;
	v2 =	vor.u32 v49, v14  }
0x358: {  	v12 =	vld.idx.msk [tilespmem:v37+s4+$0x0], $0xffff;
	v32 =	vor.u32 v20, v32;
	v16 =	vor.u32 v20, v16;
	v20 =	vor.u32 v26, v30  }
0x359: {  	v14 =	vld.idx.msk [tilespmem:v27+s4+$0x0], $0xffff;
	v26 =	vor.u32 v26, v33;
	v30 =	vor.u32 v61, v30;
	v33 =	vor.u32 v21, v34  }
0x35a: {  	v21 =	vor.u32 v21, v17;
	v34 =	vor.u32 v62, v34;
	v17 =	vor.u32 v62, v17;
	[tilespmem:s11+$0xFFFFFE80] =	vst v10  }
0x35b: {  	v61 =	vor.u32 v44, v22;
	v62 =	vor.u32 v45, v22;
	v22 =	vld.idx.msk [tilespmem:v35+s4+$0x0], $0xffff;
	[tilespmem:s11+$0xFFFFFEB0] =	vst v18  }
0x35c: {  	v44 =	vor.u32 v44, v13;
	v45 =	vor.u32 v45, v13;
	v13 =	vld.idx.msk [tilespmem:v36+s4+$0x0], $0xffff;
	[tilespmem:s11+$0xFFFFFEC0] =	vst v29  }
0x35d: {  	v10 =	vld.idx.msk [tilespmem:v24+s4+$0x0], $0xffff;
	[tilespmem:s11+$0xFFFFFED0] =	vst v56  }
0x35e: {  	[tilespmem:s11+$0xFFFFFEE0] =	vst v0;
	v0 =	vld.idx.msk [tilespmem:v53+s4+$0x0], $0xffff  }
0x35f: {  	[tilespmem:s11+$0xFFFFFEF0] =	vst v15;
	v15 =	vld.idx.msk [tilespmem:v39+s4+$0x0], $0xffff  }
0x360: {  	[tilespmem:s11+$0xFFFFFF00] =	vst v59;
	v56 =	vld.idx.msk [tilespmem:v41+s4+$0x0], $0xffff  }
0x361: {  	[tilespmem:s11+$0xFFFFFF10] =	vst v23;
	v23 =	vld.idx.msk [tilespmem:v57+s4+$0x0], $0xffff  }
0x362: {  	[tilespmem:s11+$0xFFFFFF20] =	vst v25;
	v18 =	vld.idx.msk [tilespmem:v19+s4+$0x0], $0xffff  }
0x363: {  	[tilespmem:s11+$0xFFFFFE90] =	vst v50;
	v19 =	vld.idx.msk [tilespmem:v51+s4+$0x0], $0xffff  }
0x364: {  	[tilespmem:s11+$0xFFFFFEA0] =	vst v52;
	v51 =	vld.idx.msk [tilespmem:v38+s4+$0x0], $0xffff  }
0x365: {  	[tilespmem:s11+$0xFFFFFF70] =	vst v11;
	v52 =	vld.idx.msk [tilespmem:v32+s4+$0x0], $0xffff  }
0x366: {  	[tilespmem:s11+$0xFFFFFF50] =	vst v12;
	v16 =	vld.idx.msk [tilespmem:v16+s4+$0x0], $0xffff  }
0x367: {  	v20 =	vld.idx.msk [tilespmem:v20+s4+$0x0], $0xffff;
	[tilespmem:s11+$0xFFFFFF30] =	vst v22  }
0x368: {  	v53 =	vld.idx.msk [tilespmem:v26+s4+$0x0], $0xffff;
	[tilespmem:s11+$0xFFFFFF40] =	vst v13  }
0x369: {  	v13 =	vld.idx.msk [tilespmem:v54+s4+$0x0], $0xffff;
	[tilespmem:s11+$0xFFFFFF60] =	vst v10  }
0x36a: {  	v54 =	vld.idx.msk [tilespmem:v40+s4+$0x0], $0xffff;
	[tilespmem:s11+$0xFFFFFF80] =	vst v14  }
0x36b: {  	v30 =	vld.idx.msk [tilespmem:v30+s4+$0x0], $0xffff;
	[tilespmem:s11+$0xFFFFFFC0] =	vst v0  }
0x36c: {  	v59 =	vld.idx.msk [tilespmem:v21+s4+$0x0], $0xffff;
	[tilespmem:s11+$0xFFFFFFD0] =	vst v15  }
0x36d: {  	v21 =	vld.idx.msk [tilespmem:v42+s4+$0x0], $0xffff;
	[tilespmem:s11+$0xFFFFFF90] =	vst v18  }
0x36e: {  	v22 =	vld.idx.msk [tilespmem:v58+s4+$0x0], $0xffff;
	[tilespmem:s11+$0xFFFFFFA0] =	vst v19  }
0x36f: {  	v10 =	vld.idx.msk [tilespmem:v43+s4+$0x0], $0xffff;
	[tilespmem:s11+$0xFFFFFFB0] =	vst v51  }
0x370: {  	v18 =	vld.idx.msk [tilespmem:v28+s4+$0x0], $0xffff;
	[tilespmem:s11+$0x40] =	vst v55  }
0x371: {  	v11 =	vld.idx.msk [tilespmem:v34+s4+$0x0], $0xffff;
	[tilespmem:s11+$0x50] =	vst v56  }
0x372: {  	v12 =	vld.idx.msk [tilespmem:v17+s4+$0x0], $0xffff;
	[tilespmem:s11+$0xFFFFFFE0] =	vst v52  }
0x373: {  	v14 =	vld.idx.msk [tilespmem:v60+s4+$0x0], $0xffff;
	[tilespmem:s11+$0xFFFFFFF0] =	vst v16  }
0x374: {  	v15 =	vld.idx.msk [tilespmem:v61+s4+$0x0], $0xffff;
	[tilespmem:s11+$0x0] =	vst v20  }
0x375: {  	s17 =	sadd.s32 $0x8, s17;
	v17 =	vld.idx.msk [tilespmem:v62+s4+$0x0], $0xffff;
	[tilespmem:s11+$0x10] =	vst v53  }
0x376: {  	p2 =	slt.u32 s17, $0x38;
	v19 =	vld.idx.msk [tilespmem:v33+s4+$0x0], $0xffff;
	[tilespmem:s11+$0x20] =	vst v13  }
.Ltmp8:
0x377: {  	v13 =	vld.idx.msk [tilespmem:v31+s4+$0x0], $0xffff;
	[tilespmem:s11+$0x30] =	vst v54;
	(pc) =	sbr.rel @p2 .LBB2_13-.Ltmp8, $4  }
0x378: {  	v16 =	vld.idx.msk [tilespmem:v44+s4+$0x0], $0xffff;
	[tilespmem:s11+$0x60] =	vst v30  }
0x379: {  	[tilespmem:s11+$0x90] =	vst v59;
	v20 =	vld.idx.msk [tilespmem:v48+s4+$0x0], $0xffff  }
0x37a: {  	[tilespmem:s11+$0x70] =	vst v18;
	v18 =	vld.idx.msk [tilespmem:v45+s4+$0x0], $0xffff  }
0x37b: {  	s18 =	sadd.s32 $0x20, s18;
	s15 =	smov.u32 s11;
	[tilespmem:s11+$0x80] =	vst v19;
	v19 =	vld.idx.msk [tilespmem:v63+s4+$0x0], $0xffff  }
0x37c: {  	[tilespmem:s11+$0xA0] =	vst v23  }
0x37d: {  	[tilespmem:s11+$0xB0] =	vst v21  }
0x37e: {  	[tilespmem:s11+$0xC0] =	vst v22  }
0x37f: {  	[tilespmem:s11+$0xD0] =	vst v10  }
0x380: {  	[tilespmem:s11+$0xE0] =	vst v11  }
0x381: {  	[tilespmem:s11+$0xF0] =	vst v12  }
0x382: {  	[tilespmem:s11+$0x100] =	vst v13  }
0x383: {  	v0 =	vld.idx.msk [tilespmem:v9+s4+$0x0], $0xffff;
	[tilespmem:s11+$0x110] =	vst v14  }
0x384: {  	v8 =	vld.idx.msk [tilespmem:v8+s4+$0x0], $0xffff;
	[tilespmem:s11+$0x120] =	vst v15  }
0x385: {  	v7 =	vld.idx.msk [tilespmem:v7+s4+$0x0], $0xffff;
	[tilespmem:s11+$0x140] =	vst v17  }
0x386: {  	v6 =	vld.idx.msk [tilespmem:v6+s4+$0x0], $0xffff;
	[tilespmem:s11+$0x130] =	vst v16  }
0x387: {  	v5 =	vld.idx.msk [tilespmem:v5+s4+$0x0], $0xffff;
	[tilespmem:s11+$0x170] =	vst v20  }
0x388: {  	v4 =	vld.idx.msk [tilespmem:v4+s4+$0x0], $0xffff;
	[tilespmem:s11+$0x150] =	vst v18  }
0x389: {  	v3 =	vld.idx.msk [tilespmem:v3+s4+$0x0], $0xffff;
	[tilespmem:s11+$0x160] =	vst v19  }
0x38a: {  	v2 =	vld.idx.msk [tilespmem:v2+s4+$0x0], $0xffff;
	[tilespmem:s11+$0xFFFFFE00] =	vst v0  }
0x38b: {  	[tilespmem:s15+$0xFFFFFE10] =	vst v8  }
0x38c: {  	[tilespmem:s15+$0xFFFFFE20] =	vst v7  }
0x38d: {  	[tilespmem:s15+$0xFFFFFE30] =	vst v6  }
0x38e: {  	[tilespmem:s15+$0xFFFFFE40] =	vst v5  }
.Ltmp9:
0x38f: {  	[tilespmem:s15+$0xFFFFFE50] =	vst v4;
	(pc) =	sbr.rel .LBB2_15-.Ltmp9, $4  }
0x390: {  	[tilespmem:s15+$0xFFFFFE60] =	vst v3  }
0x391: {  	[tilespmem:s15+$0xFFFFFE70] =	vst v2  }
0x392: {  	s11 =	rddreg [dreg:$0x6]  }
0x393: {  	v0 =	vmov v1;
	v1 =	vld [tilespmem:$0x1FFF0];
	[hbm4b:s11+s4] =	stream.linear.scatter [tilespmem:s16], [sflag:$0x3], $0x2000, $0x38  }
.LBB2_16:
0x394: {  	_ =	sfence.sel $0x180000  }
0x395: {  	[bflag:$0x0] =	sbarrier.arrive $0xFFFF  }
0x396: {  	_ =	strace $0x90000047  }
0x397: {  	[bflag:$0x2] =	sbarrier.arrive $0xFFFF  }
0x398: {  	s0 =	rddreg [dreg:$0x3]  }
0x399: {  	s0 =	sadd.s32 @!p0 $0x100000, s0  }
0x39a: {  	[sflag:s0] =	ssyncadd.tile.s32 @!p0 $0x1;
	_ =	shalt  }
.Lfunc_end2:
_tile_overlayer_lowered:
.L_overlay_start_2:
0x39b: {  	(tag) =	ssettag $0x2  }
0x39c: {  	s0 =	rddreg [dreg:$0x0];
	s2 =	stileid.u32  }
0x39d: {  	s1 =	rddreg [dreg:$0x1];
	p0 =	sne.s32 s2, $0x0  }
0x39e: {  	s3 =	rddreg [dreg:$0x2];
	[bflag:$0x3] =	sbarrier.arrive $0xFFFF;
	s2 =	simm.s32 @!p0 $0x1C05  }
0x39f: {  	[timem:s3], [sflag:s2] =	dma.local @!p0 [hbm:s0], s1  }
0x3a0: {  	s0 =	simm.s32 @!p0 $0x5  }
0x3a1: {  	_ =	swait.ge @!p0 [sflag:s0], s1  }
0x3a2: {  	s1 =	ssub.s32 @!p0 $0x0, s1;
	[sflag:s0] =	ssyncset.done @!p0 $0x0  }
0x3a3: {  	[sflag:s0] =	ssyncadd.s32 @!p0 s1  }
0x3a4: {  	[bflag:$0x3] =	sbarrier.arrive $0xFFFF  }
0x3a5: {  	_ =	shalt  }

</sc_bundles>
